<compile_context>
chip_gen: v7x
topology: tpu7x:2x2x1
jax: 0.10.2.dev20260603
libtpu: 0.0.44.dev20260713+nightly
codegen_flags: <defaults>
</compile_context>

<pallas_src>
import functools

import jax
import jax.numpy as jnp
from jax import lax
from jax.experimental import pallas as pl
from jax.experimental.pallas import tpu as pltpu
from jax.experimental.pallas import tpu_sc as plsc

N = 10000
D = 128
C = 64
E = 320000

NC = 2
NS = 16
NW = NC * NS
EPW = E // NW
CH = 125
NCH = EPW // CH
CBASE = NW * NCH
NP = 10240
RPT = NP // NS
DW = 16
PCH = 128
RPW = NP // NW

BT = 2000
GT = N // BT

_mesh = plsc.VectorSubcoreMesh(core_axis_name="c", subcore_axis_name="s")
_sc_params = pltpu.CompilerParams(use_tc_tiling_on_sc=False)


def _memset_zero(buf, nrows, ncols):
    zv = jnp.zeros((16,), jnp.float32)

    def body(r, carry):
        for j in range(ncols // 16):
            buf[r, pl.ds(j * 16, 16)] = zv
        return carry

    lax.fori_loop(0, nrows, body, 0)


def _zero_acc(acc, zbuf, sid, width):
    _memset_zero(zbuf, PCH, width)
    for k in range(RPT // PCH):
        pltpu.sync_copy(zbuf, acc.at[pl.ds(sid * RPT + k * PCH, PCH)])


NSLOT = 4
PF = 2


def _edge_phase(u_hbm, acc, rowall, colall, rows, semg, sems):

    def _gather(s, slot):
        pltpu.async_copy(u_hbm.at[rowall.at[s]], rows.at[slot], semg[slot])

    def _wait_gather(s, slot):
        pltpu.make_async_copy(u_hbm.at[rowall.at[s]], rows.at[slot],
                              semg[slot]).wait()

    def _scatter(s, slot):
        pltpu.async_copy(rows.at[slot], acc.at[colall.at[s]], sems[slot],
                         add=True)

    def _wait_scatter(s, slot):
        pltpu.make_async_copy(rows.at[slot], acc.at[colall.at[s]],
                              sems[slot]).wait()

    for s in range(PF):
        _gather(s, s)

    def body(g, carry):
        for j in range(NSLOT):
            s = g * NSLOT + j
            _wait_gather(s, j)
            _scatter(s, j)

            @pl.when(s >= PF)
            def _():
                _wait_scatter(s - PF, (j - PF) % NSLOT)

            @pl.when(s + PF < NCH)
            def _():
                _gather(s + PF, (j + PF) % NSLOT)

        return carry

    lax.fori_loop(0, NCH // NSLOT, body, 0)
    for s in range(NCH - PF, NCH):
        _wait_scatter(s, s % NSLOT)


def _writeback(acc, out0, out1, cid, sid):
    @pl.when(cid == 0)
    def _():
        pltpu.sync_copy(acc.at[pl.ds(sid * RPT, RPT)],
                        out0.at[pl.ds(sid * RPT, RPT)])

    @pl.when(cid == 1)
    def _():
        pltpu.sync_copy(acc.at[pl.ds(sid * RPT, RPT)],
                        out1.at[pl.ds(sid * RPT, RPT)])


@functools.partial(
    pl.kernel,
    mesh=_mesh,
    compiler_params=_sc_params,
    out_type=[jax.ShapeDtypeStruct((NP, DW), jnp.float32)] * 2,
    scratch_types=[
        pltpu.VMEM((NCH, CH), jnp.int32),
        pltpu.VMEM((CH, DW), jnp.float32),
        pltpu.VMEM((PCH, DW), jnp.float32),
        pltpu.VMEM_SHARED((NP, DW), jnp.float32),
    ],
)
def _sc_deg(edges_hbm, out0, out1, colall, onesbuf, zbuf, dacc):
    cid = lax.axis_index("c")
    sid = lax.axis_index("s")
    wid = sid * NC + cid
    _zero_acc(dacc, zbuf, sid, DW)
    ov = jnp.ones((16,), jnp.float32)

    def fill(r, carry):
        onesbuf[r, pl.ds(0, 16)] = ov
        return carry

    lax.fori_loop(0, CH, fill, 0)
    pltpu.sync_copy(edges_hbm.at[pl.ds(CBASE + wid * NCH, NCH)], colall)
    plsc.subcore_barrier()

    def body(step, carry):
        pltpu.sync_copy(onesbuf, dacc.at[colall.at[step]], add=True)
        return carry

    lax.fori_loop(0, NCH, body, 0)
    plsc.subcore_barrier()
    _writeback(dacc, out0, out1, cid, sid)


@functools.partial(
    pl.kernel,
    mesh=_mesh,
    compiler_params=_sc_params,
    out_type=[jax.ShapeDtypeStruct((NP, C), jnp.float32)] * 2,
    scratch_types=[
        pltpu.VMEM((NCH, CH), jnp.int32),
        pltpu.VMEM((NCH, CH), jnp.int32),
        pltpu.VMEM((NSLOT, CH, C), jnp.float32),
        pltpu.VMEM((PCH, C), jnp.float32),
        pltpu.VMEM_SHARED((NP, C), jnp.float32),
        [pltpu.SemaphoreType.DMA] * NSLOT,
        [pltpu.SemaphoreType.DMA] * NSLOT,
    ],
)
def _sc_hop(u_hbm, edges_hbm, out0, out1,
            rowall, colall, rows, zbuf, acc, semg, sems):
    cid = lax.axis_index("c")
    sid = lax.axis_index("s")
    wid = sid * NC + cid
    _zero_acc(acc, zbuf, sid, C)
    pltpu.sync_copy(edges_hbm.at[pl.ds(wid * NCH, NCH)], rowall)
    pltpu.sync_copy(edges_hbm.at[pl.ds(CBASE + wid * NCH, NCH)], colall)
    plsc.subcore_barrier()
    _edge_phase(u_hbm, acc, rowall, colall, rows, semg, sems)
    plsc.subcore_barrier()
    _writeback(acc, out0, out1, cid, sid)


def _tc_matmul_body(x_ref, w_ref, z_ref):
    z_ref[...] = lax.dot_general(x_ref[...], w_ref[...],
                                 (((1,), (1,)), ((), ())),
                                 preferred_element_type=jnp.float32)


_tc_matmul = pl.pallas_call(
    _tc_matmul_body,
    grid=(GT,),
    in_specs=[
        pl.BlockSpec((BT, D), lambda i: (i, 0)),
        pl.BlockSpec((C, D), lambda i: (0, 0)),
    ],
    out_specs=pl.BlockSpec((BT, C), lambda i: (i, 0)),
    out_shape=jax.ShapeDtypeStruct((NP, C), jnp.float32),
)


def _tc_scale_body(z_ref, d0_ref, d1_ref, u0_ref, scl_ref):
    deg = d0_ref[...][:, :1] + d1_ref[...][:, :1] + 2.0
    dis = lax.rsqrt(deg)
    dinv2 = 2.0 / deg
    u0_ref[...] = z_ref[...] * dis
    lanes = lax.broadcasted_iota(jnp.int32, (BT, DW), 1)
    scl_ref[...] = jnp.where(lanes == 0, dis, 0.0) + \
        jnp.where(lanes == 1, dinv2, 0.0)


_tc_scale = pl.pallas_call(
    _tc_scale_body,
    grid=(GT,),
    in_specs=[
        pl.BlockSpec((BT, C), lambda i: (i, 0)),
        pl.BlockSpec((BT, DW), lambda i: (i, 0)),
        pl.BlockSpec((BT, DW), lambda i: (i, 0)),
    ],
    out_specs=[
        pl.BlockSpec((BT, C), lambda i: (i, 0)),
        pl.BlockSpec((BT, DW), lambda i: (i, 0)),
    ],
    out_shape=[
        jax.ShapeDtypeStruct((NP, C), jnp.float32),
        jax.ShapeDtypeStruct((NP, DW), jnp.float32),
    ],
)


@functools.partial(
    pl.kernel,
    mesh=_mesh,
    compiler_params=_sc_params,
    out_type=[jax.ShapeDtypeStruct((NP, C), jnp.float32)] * 2,
    scratch_types=[
        pltpu.VMEM((RPW, C), jnp.float32),
        pltpu.VMEM((RPW, C), jnp.float32),
        pltpu.VMEM((RPW, C), jnp.float32),
        pltpu.VMEM((RPW, DW), jnp.float32),
        pltpu.VMEM((RPW, C), jnp.float32),
        pltpu.VMEM((RPW, C), jnp.float32),
    ],
)
def _sc_comb(p0_hbm, p1_hbm, z_hbm, scl_hbm, u1o, h1o,
             p0b, p1b, zb, sclb, u1b, h1b):
    cid = lax.axis_index("c")
    sid = lax.axis_index("s")
    wid = sid * NC + cid
    base = wid * RPW
    pltpu.sync_copy(p0_hbm.at[pl.ds(base, RPW)], p0b)
    pltpu.sync_copy(p1_hbm.at[pl.ds(base, RPW)], p1b)
    pltpu.sync_copy(z_hbm.at[pl.ds(base, RPW)], zb)
    pltpu.sync_copy(scl_hbm.at[pl.ds(base, RPW)], sclb)

    def rowfn(r, carry):
        sv = sclb[r, pl.ds(0, 16)]
        d = sv[0]
        v = sv[1]
        for j in range(C // 16):
            sl = pl.ds(j * 16, 16)
            h = d * (p0b[r, sl] + p1b[r, sl]) + v * zb[r, sl]
            h1b[r, sl] = h
            u1b[r, sl] = d * h
        return carry

    lax.fori_loop(0, RPW, rowfn, 0)
    pltpu.sync_copy(u1b, u1o.at[pl.ds(base, RPW)])
    pltpu.sync_copy(h1b, h1o.at[pl.ds(base, RPW)])


def _tc_comb2_body(p0_ref, p1_ref, scl_ref, h_ref, b_ref, o_ref):
    s = scl_ref[...]
    dis = s[:, :1]
    dinv2 = s[:, 1:2]
    t = dis * (p0_ref[...] + p1_ref[...]) + dinv2 * h_ref[...] + b_ref[...]
    m = jnp.max(t, axis=1, keepdims=True)
    lse = jnp.log(jnp.sum(jnp.exp(t - m), axis=1, keepdims=True)) + m
    o_ref[...] = t - lse


_tc_comb2 = pl.pallas_call(
    _tc_comb2_body,
    grid=(GT,),
    in_specs=[
        pl.BlockSpec((BT, C), lambda i: (i, 0)),
        pl.BlockSpec((BT, C), lambda i: (i, 0)),
        pl.BlockSpec((BT, DW), lambda i: (i, 0)),
        pl.BlockSpec((BT, C), lambda i: (i, 0)),
        pl.BlockSpec((1, C), lambda i: (0, 0)),
    ],
    out_specs=pl.BlockSpec((BT, C), lambda i: (i, 0)),
    out_shape=jax.ShapeDtypeStruct((N, C), jnp.float32),
)


def kernel(x, edge_index, W, b):
    edges = edge_index.reshape(2 * NW * NCH, CH)
    dg0, dg1 = _sc_deg(edges)
    z = _tc_matmul(x, W)
    u0, scl = _tc_scale(z, dg0, dg1)
    p10, p11 = _sc_hop(u0, edges)
    u1, h1 = _sc_comb(p10, p11, z, scl)
    p20, p21 = _sc_hop(u1, edges)
    return _tc_comb2(p20, p21, scl, h1, b.reshape(1, C))

# --- scband reference (transcript-rebuilt; emitter-appended) ---
"""Pipeline reference for scband-sgc-17892833755695 (READ-ONLY COPY).

The authoritative reference and input builder live on the scoring server;
editing this copy changes nothing except your own understanding.
"""

import jax, jax.numpy as jnp
import numpy as np

N = 10000
E = 320000
D = 128
C = 64
K = 2


def setup_inputs(seed: int = 0) -> dict:
    key = jax.random.key(seed)
    k1, k2, k3 = jax.random.split(key, 3)
    x = jax.random.normal(k1, (N, D), dtype=jnp.float32)
    edge_index = jax.random.randint(k2, (2, E), 0, N, dtype=jnp.int32)
    # SGConv's internal nn.Linear(in_channels, out_channels) parameters
    W = jax.random.normal(k3, (C, D), dtype=jnp.float32) * 0.05
    b = jnp.zeros((C,), dtype=jnp.float32)
    return {"x": x, "edge_index": edge_index, "W": W, "b": b}


def reference(x, edge_index, W, b):
    n = x.shape[0]
    loop = jnp.arange(n, dtype=edge_index.dtype)
    # forward() explicitly calls add_self_loops once
    row = jnp.concatenate([edge_index[0], loop])
    col = jnp.concatenate([edge_index[1], loop])
    # SGConv's gcn_norm adds self loops again (cached=True just caches this result)
    row = jnp.concatenate([row, loop])
    col = jnp.concatenate([col, loop])
    # symmetric normalization D^{-1/2} (A + I) D^{-1/2} with edge_weight = 1
    deg = jnp.zeros((n,), dtype=x.dtype).at[col].add(jnp.ones_like(row, dtype=x.dtype))
    deg_inv_sqrt = jnp.where(deg > 0, jax.lax.rsqrt(jnp.maximum(deg, 1e-12)), 0.0)
    norm = deg_inv_sqrt[row] * deg_inv_sqrt[col]
    # K propagation hops: gather from source, scale, scatter-add to target
    h = x
    for _ in range(K):
        msgs = norm[:, None] * jnp.take(h, row, axis=0)
        h = jnp.zeros_like(h).at[col].add(msgs)
    out = h @ W.T + b
    return jax.nn.log_softmax(out, axis=1)

if __name__ == "__main__":
    import jax
    _d = setup_inputs()
    print(jax.jit(kernel)(*tuple(_d.values())))

</pallas_src>

<mosaic_0001>
#map = affine_map<(d0, d1) -> (0, 0)>
module attributes {stable_mosaic.version = 14 : i64} {
  func.func @_sc_hop(%arg0: i32, %arg1: i32, %arg2: memref<10240x64xf32, #tpu.memory_space<hbm>>, %arg3: memref<5120x125xi32, #tpu.memory_space<hbm>>, %arg4: memref<10240x64xf32, #tpu.memory_space<hbm>>, %arg5: memref<10240x64xf32, #tpu.memory_space<hbm>>, %arg6: memref<80x125xi32, #tpu.memory_space<vmem>>, %arg7: memref<80x125xi32, #tpu.memory_space<vmem>>, %arg8: memref<4x125x64xf32, #tpu.memory_space<vmem>>, %arg9: memref<128x64xf32, #tpu.memory_space<vmem>>, %arg10: memref<10240x64xf32, #tpu.memory_space<vmem_shared>>, %arg11: memref<!tpu.dma_semaphore, #tpu.memory_space<semaphore_mem>>, %arg12: memref<!tpu.dma_semaphore, #tpu.memory_space<semaphore_mem>>, %arg13: memref<!tpu.dma_semaphore, #tpu.memory_space<semaphore_mem>>, %arg14: memref<!tpu.dma_semaphore, #tpu.memory_space<semaphore_mem>>, %arg15: memref<!tpu.dma_semaphore, #tpu.memory_space<semaphore_mem>>, %arg16: memref<!tpu.dma_semaphore, #tpu.memory_space<semaphore_mem>>, %arg17: memref<!tpu.dma_semaphore, #tpu.memory_space<semaphore_mem>>, %arg18: memref<!tpu.dma_semaphore, #tpu.memory_space<semaphore_mem>>) attributes {dimension_semantics = [#tpu.dimension_semantics<core_parallel>, #tpu.dimension_semantics<subcore_parallel>], iteration_bounds = array<i64: 2, 16>, scalar_prefetch = 0 : i64, scratch_operands = 13 : i64, tpu.core_type = #tpu.core_type<sc_vector_subcore>, window_params = [{transform_indices = #map}, {transform_indices = #map}, {transform_indices = #map}, {transform_indices = #map}]} {
    %mul3A = arith.constant 2 : i32
    %mul3A_0 = arith.muli %arg1, %mul3A : i32
    %add3A = arith.addi %mul3A_0, %arg0 : i32
    %broadcast_in_dim3A = arith.constant 0.000000e+00 : f32
    %broadcast_in_dim3A_1 = vector.broadcast %broadcast_in_dim3A : f32 to vector<16xf32>
    %scan3A = arith.constant 0 : i32
    %scan3A_2 = arith.constant 0 : i32
    %scan3A_3 = arith.constant 128 : i32
    %scan3A_4 = arith.addi %scan3A_2, %scan3A_3 : i32
    %scan3A_5 = arith.constant 1 : i32
    scf.for %scan3A_93 = %scan3A_2 to %scan3A_4 step %scan3A_5  : i32 {
      %swap3A = arith.index_cast %scan3A_93 : i32 to index
      %swap3A_94 = arith.constant 0 : index
      %swap3A_95 = tpu.vector_load %arg9[%swap3A, %swap3A_94] {strides = array<i32>} : memref<128x64xf32, #tpu.memory_space<vmem>>, vector<1x16xf32>,
      %swap3A_96 = vector.shape_cast %swap3A_95 : vector<1x16xf32> to vector<16xf32>
      %swap3A_97 = vector.shape_cast %broadcast_in_dim3A_1 : vector<16xf32> to vector<1x16xf32>
      tpu.vector_store %arg9[%swap3A, %swap3A_94], %swap3A_97 {strides = array<i32>} : memref<128x64xf32, #tpu.memory_space<vmem>>, vector<1x16xf32>,
      %swap3A_98 = arith.index_cast %scan3A_93 : i32 to index
      %swap3A_99 = arith.constant 16 : index
      %swap3A_100 = tpu.vector_load %arg9[%swap3A_98, %swap3A_99] {strides = array<i32>} : memref<128x64xf32, #tpu.memory_space<vmem>>, vector<1x16xf32>,
      %swap3A_101 = vector.shape_cast %swap3A_100 : vector<1x16xf32> to vector<16xf32>
      %swap3A_102 = vector.shape_cast %broadcast_in_dim3A_1 : vector<16xf32> to vector<1x16xf32>
      tpu.vector_store %arg9[%swap3A_98, %swap3A_99], %swap3A_102 {strides = array<i32>} : memref<128x64xf32, #tpu.memory_space<vmem>>, vector<1x16xf32>,
      %swap3A_103 = arith.index_cast %scan3A_93 : i32 to index
      %swap3A_104 = arith.constant 32 : index
      %swap3A_105 = tpu.vector_load %arg9[%swap3A_103, %swap3A_104] {strides = array<i32>} : memref<128x64xf32, #tpu.memory_space<vmem>>, vector<1x16xf32>,
      %swap3A_106 = vector.shape_cast %swap3A_105 : vector<1x16xf32> to vector<16xf32>
      %swap3A_107 = vector.shape_cast %broadcast_in_dim3A_1 : vector<16xf32> to vector<1x16xf32>
      tpu.vector_store %arg9[%swap3A_103, %swap3A_104], %swap3A_107 {strides = array<i32>} : memref<128x64xf32, #tpu.memory_space<vmem>>, vector<1x16xf32>,
      %swap3A_108 = arith.index_cast %scan3A_93 : i32 to index
      %swap3A_109 = arith.constant 48 : index
      %swap3A_110 = tpu.vector_load %arg9[%swap3A_108, %swap3A_109] {strides = array<i32>} : memref<128x64xf32, #tpu.memory_space<vmem>>, vector<1x16xf32>,
      %swap3A_111 = vector.shape_cast %swap3A_110 : vector<1x16xf32> to vector<16xf32>
      %swap3A_112 = vector.shape_cast %broadcast_in_dim3A_1 : vector<16xf32> to vector<1x16xf32>
      tpu.vector_store %arg9[%swap3A_108, %swap3A_109], %swap3A_112 {strides = array<i32>} : memref<128x64xf32, #tpu.memory_space<vmem>>, vector<1x16xf32>,
    }
    %scan3A_6 = arith.constant 128 : i32
    %mul3A_7 = arith.constant 640 : i32
    %mul3A_8 = arith.muli %arg1, %mul3A_7 : i32
    %add3A_9 = arith.constant 0 : i32
    %add3A_10 = arith.addi %mul3A_8, %add3A_9 : i32
    "tpu.region"() ({
      %run_scoped3A = tpu.sem_alloc : memref<!tpu.dma_semaphore, #tpu.memory_space<semaphore_mem>>
      %dma_start3A_93 = arith.constant 0 : i32
      %dma_start3A_94 = tpu.memref_slice %arg10[%add3A_10, %dma_start3A_93] : memref<10240x64xf32, #tpu.memory_space<vmem_shared>> -> memref<128x64xf32, #tpu.memory_space<vmem_shared>>
      %dma_start3A_95 = arith.constant 0 : i32
      %dma_start3A_96 = tpu.memref_slice %arg10[%add3A_10, %dma_start3A_95] : memref<10240x64xf32, #tpu.memory_space<vmem_shared>> -> memref<128x64xf32, #tpu.memory_space<vmem_shared>>
      tpu.enqueue_dma source(%arg9 : memref<128x64xf32, #tpu.memory_space<vmem>>) target(%dma_start3A_96 : memref<128x64xf32, #tpu.memory_space<vmem_shared>>) target_semaphore(%run_scoped3A : memref<!tpu.dma_semaphore, #tpu.memory_space<semaphore_mem>>)
      %dma_wait3A_97 = arith.constant 0 : i32
      %dma_wait3A_98 = tpu.memref_slice %arg10[%add3A_10, %dma_wait3A_97] : memref<10240x64xf32, #tpu.memory_space<vmem_shared>> -> memref<128x64xf32, #tpu.memory_space<vmem_shared>>
      %dma_wait3A_99 = arith.constant 0 : i32
      %dma_wait3A_100 = tpu.memref_slice %arg10[%add3A_10, %dma_wait3A_99] : memref<10240x64xf32, #tpu.memory_space<vmem_shared>> -> memref<128x64xf32, #tpu.memory_space<vmem_shared>>
      tpu.wait_dma2 semaphore(%run_scoped3A : memref<!tpu.dma_semaphore, #tpu.memory_space<semaphore_mem>>) src(%arg9 : memref<128x64xf32, #tpu.memory_space<vmem>>) dst(%dma_wait3A_100 : memref<128x64xf32, #tpu.memory_space<vmem_shared>>)
      tpu.yield
    }) : () -> ()
    %mul3A_11 = arith.constant 640 : i32
    %mul3A_12 = arith.muli %arg1, %mul3A_11 : i32
    %add3A_13 = arith.constant 128 : i32
    %add3A_14 = arith.addi %mul3A_12, %add3A_13 : i32
    "tpu.region"() ({
      %run_scoped3A = tpu.sem_alloc : memref<!tpu.dma_semaphore, #tpu.memory_space<semaphore_mem>>
      %dma_start3A_93 = arith.constant 0 : i32
      %dma_start3A_94 = tpu.memref_slice %arg10[%add3A_14, %dma_start3A_93] : memref<10240x64xf32, #tpu.memory_space<vmem_shared>> -> memref<128x64xf32, #tpu.memory_space<vmem_shared>>
      %dma_start3A_95 = arith.constant 0 : i32
      %dma_start3A_96 = tpu.memref_slice %arg10[%add3A_14, %dma_start3A_95] : memref<10240x64xf32, #tpu.memory_space<vmem_shared>> -> memref<128x64xf32, #tpu.memory_space<vmem_shared>>
      tpu.enqueue_dma source(%arg9 : memref<128x64xf32, #tpu.memory_space<vmem>>) target(%dma_start3A_96 : memref<128x64xf32, #tpu.memory_space<vmem_shared>>) target_semaphore(%run_scoped3A : memref<!tpu.dma_semaphore, #tpu.memory_space<semaphore_mem>>)
      %dma_wait3A_97 = arith.constant 0 : i32
      %dma_wait3A_98 = tpu.memref_slice %arg10[%add3A_14, %dma_wait3A_97] : memref<10240x64xf32, #tpu.memory_space<vmem_shared>> -> memref<128x64xf32, #tpu.memory_space<vmem_shared>>
      %dma_wait3A_99 = arith.constant 0 : i32
      %dma_wait3A_100 = tpu.memref_slice %arg10[%add3A_14, %dma_wait3A_99] : memref<10240x64xf32, #tpu.memory_space<vmem_shared>> -> memref<128x64xf32, #tpu.memory_space<vmem_shared>>
      tpu.wait_dma2 semaphore(%run_scoped3A : memref<!tpu.dma_semaphore, #tpu.memory_space<semaphore_mem>>) src(%arg9 : memref<128x64xf32, #tpu.memory_space<vmem>>) dst(%dma_wait3A_100 : memref<128x64xf32, #tpu.memory_space<vmem_shared>>)
      tpu.yield
    }) : () -> ()
    %mul3A_15 = arith.constant 640 : i32
    %mul3A_16 = arith.muli %arg1, %mul3A_15 : i32
    %add3A_17 = arith.constant 256 : i32
    %add3A_18 = arith.addi %mul3A_16, %add3A_17 : i32
    "tpu.region"() ({
      %run_scoped3A = tpu.sem_alloc : memref<!tpu.dma_semaphore, #tpu.memory_space<semaphore_mem>>
      %dma_start3A_93 = arith.constant 0 : i32
      %dma_start3A_94 = tpu.memref_slice %arg10[%add3A_18, %dma_start3A_93] : memref<10240x64xf32, #tpu.memory_space<vmem_shared>> -> memref<128x64xf32, #tpu.memory_space<vmem_shared>>
      %dma_start3A_95 = arith.constant 0 : i32
      %dma_start3A_96 = tpu.memref_slice %arg10[%add3A_18, %dma_start3A_95] : memref<10240x64xf32, #tpu.memory_space<vmem_shared>> -> memref<128x64xf32, #tpu.memory_space<vmem_shared>>
      tpu.enqueue_dma source(%arg9 : memref<128x64xf32, #tpu.memory_space<vmem>>) target(%dma_start3A_96 : memref<128x64xf32, #tpu.memory_space<vmem_shared>>) target_semaphore(%run_scoped3A : memref<!tpu.dma_semaphore, #tpu.memory_space<semaphore_mem>>)
      %dma_wait3A_97 = arith.constant 0 : i32
      %dma_wait3A_98 = tpu.memref_slice %arg10[%add3A_18, %dma_wait3A_97] : memref<10240x64xf32, #tpu.memory_space<vmem_shared>> -> memref<128x64xf32, #tpu.memory_space<vmem_shared>>
      %dma_wait3A_99 = arith.constant 0 : i32
      %dma_wait3A_100 = tpu.memref_slice %arg10[%add3A_18, %dma_wait3A_99] : memref<10240x64xf32, #tpu.memory_space<vmem_shared>> -> memref<128x64xf32, #tpu.memory_space<vmem_shared>>
      tpu.wait_dma2 semaphore(%run_scoped3A : memref<!tpu.dma_semaphore, #tpu.memory_space<semaphore_mem>>) src(%arg9 : memref<128x64xf32, #tpu.memory_space<vmem>>) dst(%dma_wait3A_100 : memref<128x64xf32, #tpu.memory_space<vmem_shared>>)
      tpu.yield
    }) : () -> ()
    %mul3A_19 = arith.constant 640 : i32
    %mul3A_20 = arith.muli %arg1, %mul3A_19 : i32
    %add3A_21 = arith.constant 384 : i32
    %add3A_22 = arith.addi %mul3A_20, %add3A_21 : i32
    "tpu.region"() ({
      %run_scoped3A = tpu.sem_alloc : memref<!tpu.dma_semaphore, #tpu.memory_space<semaphore_mem>>
      %dma_start3A_93 = arith.constant 0 : i32
      %dma_start3A_94 = tpu.memref_slice %arg10[%add3A_22, %dma_start3A_93] : memref<10240x64xf32, #tpu.memory_space<vmem_shared>> -> memref<128x64xf32, #tpu.memory_space<vmem_shared>>
      %dma_start3A_95 = arith.constant 0 : i32
      %dma_start3A_96 = tpu.memref_slice %arg10[%add3A_22, %dma_start3A_95] : memref<10240x64xf32, #tpu.memory_space<vmem_shared>> -> memref<128x64xf32, #tpu.memory_space<vmem_shared>>
      tpu.enqueue_dma source(%arg9 : memref<128x64xf32, #tpu.memory_space<vmem>>) target(%dma_start3A_96 : memref<128x64xf32, #tpu.memory_space<vmem_shared>>) target_semaphore(%run_scoped3A : memref<!tpu.dma_semaphore, #tpu.memory_space<semaphore_mem>>)
      %dma_wait3A_97 = arith.constant 0 : i32
      %dma_wait3A_98 = tpu.memref_slice %arg10[%add3A_22, %dma_wait3A_97] : memref<10240x64xf32, #tpu.memory_space<vmem_shared>> -> memref<128x64xf32, #tpu.memory_space<vmem_shared>>
      %dma_wait3A_99 = arith.constant 0 : i32
      %dma_wait3A_100 = tpu.memref_slice %arg10[%add3A_22, %dma_wait3A_99] : memref<10240x64xf32, #tpu.memory_space<vmem_shared>> -> memref<128x64xf32, #tpu.memory_space<vmem_shared>>
      tpu.wait_dma2 semaphore(%run_scoped3A : memref<!tpu.dma_semaphore, #tpu.memory_space<semaphore_mem>>) src(%arg9 : memref<128x64xf32, #tpu.memory_space<vmem>>) dst(%dma_wait3A_100 : memref<128x64xf32, #tpu.memory_space<vmem_shared>>)
      tpu.yield
    }) : () -> ()
    %mul3A_23 = arith.constant 640 : i32
    %mul3A_24 = arith.muli %arg1, %mul3A_23 : i32
    %add3A_25 = arith.constant 512 : i32
    %add3A_26 = arith.addi %mul3A_24, %add3A_25 : i32
    "tpu.region"() ({
      %run_scoped3A = tpu.sem_alloc : memref<!tpu.dma_semaphore, #tpu.memory_space<semaphore_mem>>
      %dma_start3A_93 = arith.constant 0 : i32
      %dma_start3A_94 = tpu.memref_slice %arg10[%add3A_26, %dma_start3A_93] : memref<10240x64xf32, #tpu.memory_space<vmem_shared>> -> memref<128x64xf32, #tpu.memory_space<vmem_shared>>
      %dma_start3A_95 = arith.constant 0 : i32
      %dma_start3A_96 = tpu.memref_slice %arg10[%add3A_26, %dma_start3A_95] : memref<10240x64xf32, #tpu.memory_space<vmem_shared>> -> memref<128x64xf32, #tpu.memory_space<vmem_shared>>
      tpu.enqueue_dma source(%arg9 : memref<128x64xf32, #tpu.memory_space<vmem>>) target(%dma_start3A_96 : memref<128x64xf32, #tpu.memory_space<vmem_shared>>) target_semaphore(%run_scoped3A : memref<!tpu.dma_semaphore, #tpu.memory_space<semaphore_mem>>)
      %dma_wait3A_97 = arith.constant 0 : i32
      %dma_wait3A_98 = tpu.memref_slice %arg10[%add3A_26, %dma_wait3A_97] : memref<10240x64xf32, #tpu.memory_space<vmem_shared>> -> memref<128x64xf32, #tpu.memory_space<vmem_shared>>
      %dma_wait3A_99 = arith.constant 0 : i32
      %dma_wait3A_100 = tpu.memref_slice %arg10[%add3A_26, %dma_wait3A_99] : memref<10240x64xf32, #tpu.memory_space<vmem_shared>> -> memref<128x64xf32, #tpu.memory_space<vmem_shared>>
      tpu.wait_dma2 semaphore(%run_scoped3A : memref<!tpu.dma_semaphore, #tpu.memory_space<semaphore_mem>>) src(%arg9 : memref<128x64xf32, #tpu.memory_space<vmem>>) dst(%dma_wait3A_100 : memref<128x64xf32, #tpu.memory_space<vmem_shared>>)
      tpu.yield
    }) : () -> ()
    %mul3A_27 = arith.constant 80 : i32
    %mul3A_28 = arith.muli %add3A, %mul3A_27 : i32
    "tpu.region"() ({
      %run_scoped3A = tpu.sem_alloc : memref<!tpu.dma_semaphore, #tpu.memory_space<semaphore_mem>>
      %dma_start3A_93 = arith.constant 0 : i32
      %dma_start3A_94 = tpu.memref_slice %arg3[%mul3A_28, %dma_start3A_93] : memref<5120x125xi32, #tpu.memory_space<hbm>> -> memref<80x125xi32, #tpu.memory_space<hbm>>
      %dma_start3A_95 = arith.constant 0 : i32
      %dma_start3A_96 = tpu.memref_slice %arg3[%mul3A_28, %dma_start3A_95] : memref<5120x125xi32, #tpu.memory_space<hbm>> -> memref<80x125xi32, #tpu.memory_space<hbm>>
      tpu.enqueue_dma source(%dma_start3A_96 : memref<80x125xi32, #tpu.memory_space<hbm>>) target(%arg6 : memref<80x125xi32, #tpu.memory_space<vmem>>) target_semaphore(%run_scoped3A : memref<!tpu.dma_semaphore, #tpu.memory_space<semaphore_mem>>)
      %dma_wait3A_97 = arith.constant 0 : i32
      %dma_wait3A_98 = tpu.memref_slice %arg3[%mul3A_28, %dma_wait3A_97] : memref<5120x125xi32, #tpu.memory_space<hbm>> -> memref<80x125xi32, #tpu.memory_space<hbm>>
      %dma_wait3A_99 = arith.constant 0 : i32
      %dma_wait3A_100 = tpu.memref_slice %arg3[%mul3A_28, %dma_wait3A_99] : memref<5120x125xi32, #tpu.memory_space<hbm>> -> memref<80x125xi32, #tpu.memory_space<hbm>>
      tpu.wait_dma2 semaphore(%run_scoped3A : memref<!tpu.dma_semaphore, #tpu.memory_space<semaphore_mem>>) src(%dma_wait3A_100 : memref<80x125xi32, #tpu.memory_space<hbm>>) dst(%arg6 : memref<80x125xi32, #tpu.memory_space<vmem>>)
      tpu.yield
    }) : () -> ()
    %mul3A_29 = arith.constant 80 : i32
    %mul3A_30 = arith.muli %add3A, %mul3A_29 : i32
    %add3A_31 = arith.constant 2560 : i32
    %add3A_32 = arith.addi %add3A_31, %mul3A_30 : i32
    "tpu.region"() ({
      %run_scoped3A = tpu.sem_alloc : memref<!tpu.dma_semaphore, #tpu.memory_space<semaphore_mem>>
      %dma_start3A_93 = arith.constant 0 : i32
      %dma_start3A_94 = tpu.memref_slice %arg3[%add3A_32, %dma_start3A_93] : memref<5120x125xi32, #tpu.memory_space<hbm>> -> memref<80x125xi32, #tpu.memory_space<hbm>>
      %dma_start3A_95 = arith.constant 0 : i32
      %dma_start3A_96 = tpu.memref_slice %arg3[%add3A_32, %dma_start3A_95] : memref<5120x125xi32, #tpu.memory_space<hbm>> -> memref<80x125xi32, #tpu.memory_space<hbm>>
      tpu.enqueue_dma source(%dma_start3A_96 : memref<80x125xi32, #tpu.memory_space<hbm>>) target(%arg7 : memref<80x125xi32, #tpu.memory_space<vmem>>) target_semaphore(%run_scoped3A : memref<!tpu.dma_semaphore, #tpu.memory_space<semaphore_mem>>)
      %dma_wait3A_97 = arith.constant 0 : i32
      %dma_wait3A_98 = tpu.memref_slice %arg3[%add3A_32, %dma_wait3A_97] : memref<5120x125xi32, #tpu.memory_space<hbm>> -> memref<80x125xi32, #tpu.memory_space<hbm>>
      %dma_wait3A_99 = arith.constant 0 : i32
      %dma_wait3A_100 = tpu.memref_slice %arg3[%add3A_32, %dma_wait3A_99] : memref<5120x125xi32, #tpu.memory_space<hbm>> -> memref<80x125xi32, #tpu.memory_space<hbm>>
      tpu.wait_dma2 semaphore(%run_scoped3A : memref<!tpu.dma_semaphore, #tpu.memory_space<semaphore_mem>>) src(%dma_wait3A_100 : memref<80x125xi32, #tpu.memory_space<hbm>>) dst(%arg7 : memref<80x125xi32, #tpu.memory_space<vmem>>)
      tpu.yield
    }) : () -> ()
    %barrier3A = arith.constant 0 : index
    tpu.barrier barrier_id(%barrier3A)
    %dma_start3A = arith.constant 0 : i32
    %dma_start3A_33 = arith.constant 0 : i32
    %dma_start3A_34 = arith.constant 0 : i32
    %dma_start3A_35 = arith.constant 0 : i32
    %dma_start3A_36 = tpu.memref_slice %arg8[%dma_start3A_33, %dma_start3A_34, %dma_start3A_35] : memref<4x125x64xf32, #tpu.memory_space<vmem>> -> memref<1x125x64xf32, #tpu.memory_space<vmem>>
    %dma_start3A_37 = tpu.memref_squeeze %dma_start3A_36 : memref<1x125x64xf32, #tpu.memory_space<vmem>> -> memref<125x64xf32, #tpu.memory_space<vmem>>
    %dma_start3A_38 = arith.constant 0 : i32
    %dma_start3A_39 = tpu.memref_slice %arg6[%dma_start3A, %dma_start3A_38] : memref<80x125xi32, #tpu.memory_space<vmem>> -> memref<1x125xi32, #tpu.memory_space<vmem>>
    %dma_start3A_40 = tpu.memref_squeeze %dma_start3A_39 : memref<1x125xi32, #tpu.memory_space<vmem>> -> memref<125xi32, #tpu.memory_space<vmem>>
    %dma_start3A_41 = arith.constant 0 : i32
    %dma_start3A_42 = arith.constant 0 : i32
    %dma_start3A_43 = tpu.memref_slice %arg2[%dma_start3A_41, %dma_start3A_42] : memref<10240x64xf32, #tpu.memory_space<hbm>> -> memref<10240x64xf32, #tpu.memory_space<hbm>>
    tpu.enqueue_indirect_dma source(%dma_start3A_43 : memref<10240x64xf32, #tpu.memory_space<hbm>>) target(%dma_start3A_37 : memref<125x64xf32, #tpu.memory_space<vmem>>) offsets(%dma_start3A_40 : memref<125xi32, #tpu.memory_space<vmem>>) semaphore(%arg11 : memref<!tpu.dma_semaphore, #tpu.memory_space<semaphore_mem>>)
    %dma_start3A_44 = arith.constant 1 : i32
    %dma_start3A_45 = arith.constant 1 : i32
    %dma_start3A_46 = arith.constant 0 : i32
    %dma_start3A_47 = arith.constant 0 : i32
    %dma_start3A_48 = tpu.memref_slice %arg8[%dma_start3A_45, %dma_start3A_46, %dma_start3A_47] : memref<4x125x64xf32, #tpu.memory_space<vmem>> -> memref<1x125x64xf32, #tpu.memory_space<vmem>>
    %dma_start3A_49 = tpu.memref_squeeze %dma_start3A_48 : memref<1x125x64xf32, #tpu.memory_space<vmem>> -> memref<125x64xf32, #tpu.memory_space<vmem>>
    %dma_start3A_50 = arith.constant 0 : i32
    %dma_start3A_51 = tpu.memref_slice %arg6[%dma_start3A_44, %dma_start3A_50] : memref<80x125xi32, #tpu.memory_space<vmem>> -> memref<1x125xi32, #tpu.memory_space<vmem>>
    %dma_start3A_52 = tpu.memref_squeeze %dma_start3A_51 : memref<1x125xi32, #tpu.memory_space<vmem>> -> memref<125xi32, #tpu.memory_space<vmem>>
    %dma_start3A_53 = arith.constant 0 : i32
    %dma_start3A_54 = arith.constant 0 : i32
    %dma_start3A_55 = tpu.memref_slice %arg2[%dma_start3A_53, %dma_start3A_54] : memref<10240x64xf32, #tpu.memory_space<hbm>> -> memref<10240x64xf32, #tpu.memory_space<hbm>>
    tpu.enqueue_indirect_dma source(%dma_start3A_55 : memref<10240x64xf32, #tpu.memory_space<hbm>>) target(%dma_start3A_49 : memref<125x64xf32, #tpu.memory_space<vmem>>) offsets(%dma_start3A_52 : memref<125xi32, #tpu.memory_space<vmem>>) semaphore(%arg12 : memref<!tpu.dma_semaphore, #tpu.memory_space<semaphore_mem>>)
    %scan3A_56 = arith.constant 0 : i32
    %scan3A_57 = arith.constant 0 : i32
    %scan3A_58 = arith.constant 20 : i32
    %scan3A_59 = arith.addi %scan3A_57, %scan3A_58 : i32
    %scan3A_60 = arith.constant 1 : i32
    scf.for %scan3A_93 = %scan3A_57 to %scan3A_59 step %scan3A_60  : i32 {
      %mul3A_94 = arith.constant 4 : i32
      %mul3A_95 = arith.muli %scan3A_93, %mul3A_94 : i32
      %add3A_96 = arith.constant 0 : i32
      %add3A_97 = arith.addi %mul3A_95, %add3A_96 : i32
      %dma_wait3A_98 = arith.constant 0 : i32
      %dma_wait3A_99 = arith.constant 0 : i32
      %dma_wait3A_100 = arith.constant 0 : i32
      %dma_wait3A_101 = tpu.memref_slice %arg8[%dma_wait3A_98, %dma_wait3A_99, %dma_wait3A_100] : memref<4x125x64xf32, #tpu.memory_space<vmem>> -> memref<1x125x64xf32, #tpu.memory_space<vmem>>
      %dma_wait3A_102 = tpu.memref_squeeze %dma_wait3A_101 : memref<1x125x64xf32, #tpu.memory_space<vmem>> -> memref<125x64xf32, #tpu.memory_space<vmem>>
      %dma_wait3A_103 = arith.constant 0 : i32
      %dma_wait3A_104 = tpu.memref_slice %arg6[%add3A_97, %dma_wait3A_103] : memref<80x125xi32, #tpu.memory_space<vmem>> -> memref<1x125xi32, #tpu.memory_space<vmem>>
      %dma_wait3A_105 = tpu.memref_squeeze %dma_wait3A_104 : memref<1x125xi32, #tpu.memory_space<vmem>> -> memref<125xi32, #tpu.memory_space<vmem>>
      %dma_wait3A_106 = arith.constant 0 : i32
      %dma_wait3A_107 = arith.constant 0 : i32
      %dma_wait3A_108 = tpu.memref_slice %arg2[%dma_wait3A_106, %dma_wait3A_107] : memref<10240x64xf32, #tpu.memory_space<hbm>> -> memref<10240x64xf32, #tpu.memory_space<hbm>>
      tpu.wait_indirect_dma semaphore(%arg11 : memref<!tpu.dma_semaphore, #tpu.memory_space<semaphore_mem>>) src(%dma_wait3A_108 : memref<10240x64xf32, #tpu.memory_space<hbm>>) dst(%dma_wait3A_102 : memref<125x64xf32, #tpu.memory_space<vmem>>)
      %dma_start3A_109 = arith.constant 0 : i32
      %dma_start3A_110 = arith.constant 0 : i32
      %dma_start3A_111 = arith.constant 0 : i32
      %dma_start3A_112 = tpu.memref_slice %arg8[%dma_start3A_109, %dma_start3A_110, %dma_start3A_111] : memref<4x125x64xf32, #tpu.memory_space<vmem>> -> memref<1x125x64xf32, #tpu.memory_space<vmem>>
      %dma_start3A_113 = tpu.memref_squeeze %dma_start3A_112 : memref<1x125x64xf32, #tpu.memory_space<vmem>> -> memref<125x64xf32, #tpu.memory_space<vmem>>
      %dma_start3A_114 = arith.constant 0 : i32
      %dma_start3A_115 = tpu.memref_slice %arg7[%add3A_97, %dma_start3A_114] : memref<80x125xi32, #tpu.memory_space<vmem>> -> memref<1x125xi32, #tpu.memory_space<vmem>>
      %dma_start3A_116 = tpu.memref_squeeze %dma_start3A_115 : memref<1x125xi32, #tpu.memory_space<vmem>> -> memref<125xi32, #tpu.memory_space<vmem>>
      %dma_start3A_117 = arith.constant 0 : i32
      %dma_start3A_118 = arith.constant 0 : i32
      %dma_start3A_119 = tpu.memref_slice %arg10[%dma_start3A_117, %dma_start3A_118] : memref<10240x64xf32, #tpu.memory_space<vmem_shared>> -> memref<10240x64xf32, #tpu.memory_space<vmem_shared>>
      tpu.enqueue_indirect_dma source(%dma_start3A_113 : memref<125x64xf32, #tpu.memory_space<vmem>>) target(%dma_start3A_119 : memref<10240x64xf32, #tpu.memory_space<vmem_shared>>) offsets(%dma_start3A_116 : memref<125xi32, #tpu.memory_space<vmem>>) semaphore(%arg15 : memref<!tpu.dma_semaphore, #tpu.memory_space<semaphore_mem>>) {add = true}
      %ge3A = arith.constant 2 : i32
      %ge3A_120 = arith.cmpi sge, %add3A_97, %ge3A : i32
      %convert_element_type3A_121 = arith.extui %ge3A_120 : i1 to i32
      %cond3A_122 = arith.constant 0 : i32
      %cond3A_123 = arith.cmpi ne, %convert_element_type3A_121, %cond3A_122 : i32
      scf.if %cond3A_123 {
        %sub3A = arith.constant 2 : i32
        %sub3A_244 = arith.subi %add3A_97, %sub3A : i32
        %dma_wait3A_245 = arith.constant 2 : i32
        %dma_wait3A_246 = arith.constant 0 : i32
        %dma_wait3A_247 = arith.constant 0 : i32
        %dma_wait3A_248 = tpu.memref_slice %arg8[%dma_wait3A_245, %dma_wait3A_246, %dma_wait3A_247] : memref<4x125x64xf32, #tpu.memory_space<vmem>> -> memref<1x125x64xf32, #tpu.memory_space<vmem>>
        %dma_wait3A_249 = tpu.memref_squeeze %dma_wait3A_248 : memref<1x125x64xf32, #tpu.memory_space<vmem>> -> memref<125x64xf32, #tpu.memory_space<vmem>>
        %dma_wait3A_250 = arith.constant 0 : i32
        %dma_wait3A_251 = tpu.memref_slice %arg7[%sub3A_244, %dma_wait3A_250] : memref<80x125xi32, #tpu.memory_space<vmem>> -> memref<1x125xi32, #tpu.memory_space<vmem>>
        %dma_wait3A_252 = tpu.memref_squeeze %dma_wait3A_251 : memref<1x125xi32, #tpu.memory_space<vmem>> -> memref<125xi32, #tpu.memory_space<vmem>>
        %dma_wait3A_253 = arith.constant 0 : i32
        %dma_wait3A_254 = arith.constant 0 : i32
        %dma_wait3A_255 = tpu.memref_slice %arg10[%dma_wait3A_253, %dma_wait3A_254] : memref<10240x64xf32, #tpu.memory_space<vmem_shared>> -> memref<10240x64xf32, #tpu.memory_space<vmem_shared>>
        tpu.wait_indirect_dma semaphore(%arg17 : memref<!tpu.dma_semaphore, #tpu.memory_space<semaphore_mem>>) src(%dma_wait3A_249 : memref<125x64xf32, #tpu.memory_space<vmem>>) dst(%dma_wait3A_255 : memref<10240x64xf32, #tpu.memory_space<vmem_shared>>)
      } else {
      }
      %add3A_124 = arith.constant 2 : i32
      %add3A_125 = arith.addi %add3A_97, %add3A_124 : i32
      %lt3A = arith.constant 80 : i32
      %lt3A_126 = arith.cmpi slt, %add3A_125, %lt3A : i32
      %convert_element_type3A_127 = arith.extui %lt3A_126 : i1 to i32
      %cond3A_128 = arith.constant 0 : i32
      %cond3A_129 = arith.cmpi ne, %convert_element_type3A_127, %cond3A_128 : i32
      scf.if %cond3A_129 {
        %add3A_244 = arith.constant 2 : i32
        %add3A_245 = arith.addi %add3A_97, %add3A_244 : i32
        %dma_start3A_246 = arith.constant 2 : i32
        %dma_start3A_247 = arith.constant 0 : i32
        %dma_start3A_248 = arith.constant 0 : i32
        %dma_start3A_249 = tpu.memref_slice %arg8[%dma_start3A_246, %dma_start3A_247, %dma_start3A_248] : memref<4x125x64xf32, #tpu.memory_space<vmem>> -> memref<1x125x64xf32, #tpu.memory_space<vmem>>
        %dma_start3A_250 = tpu.memref_squeeze %dma_start3A_249 : memref<1x125x64xf32, #tpu.memory_space<vmem>> -> memref<125x64xf32, #tpu.memory_space<vmem>>
        %dma_start3A_251 = arith.constant 0 : i32
        %dma_start3A_252 = tpu.memref_slice %arg6[%add3A_245, %dma_start3A_251] : memref<80x125xi32, #tpu.memory_space<vmem>> -> memref<1x125xi32, #tpu.memory_space<vmem>>
        %dma_start3A_253 = tpu.memref_squeeze %dma_start3A_252 : memref<1x125xi32, #tpu.memory_space<vmem>> -> memref<125xi32, #tpu.memory_space<vmem>>
        %dma_start3A_254 = arith.constant 0 : i32
        %dma_start3A_255 = arith.constant 0 : i32
        %dma_start3A_256 = tpu.memref_slice %arg2[%dma_start3A_254, %dma_start3A_255] : memref<10240x64xf32, #tpu.memory_space<hbm>> -> memref<10240x64xf32, #tpu.memory_space<hbm>>
        tpu.enqueue_indirect_dma source(%dma_start3A_256 : memref<10240x64xf32, #tpu.memory_space<hbm>>) target(%dma_start3A_250 : memref<125x64xf32, #tpu.memory_space<vmem>>) offsets(%dma_start3A_253 : memref<125xi32, #tpu.memory_space<vmem>>) semaphore(%arg13 : memref<!tpu.dma_semaphore, #tpu.memory_space<semaphore_mem>>)
      } else {
      }
      %mul3A_130 = arith.constant 4 : i32
      %mul3A_131 = arith.muli %scan3A_93, %mul3A_130 : i32
      %add3A_132 = arith.constant 1 : i32
      %add3A_133 = arith.addi %mul3A_131, %add3A_132 : i32
      %dma_wait3A_134 = arith.constant 1 : i32
      %dma_wait3A_135 = arith.constant 0 : i32
      %dma_wait3A_136 = arith.constant 0 : i32
      %dma_wait3A_137 = tpu.memref_slice %arg8[%dma_wait3A_134, %dma_wait3A_135, %dma_wait3A_136] : memref<4x125x64xf32, #tpu.memory_space<vmem>> -> memref<1x125x64xf32, #tpu.memory_space<vmem>>
      %dma_wait3A_138 = tpu.memref_squeeze %dma_wait3A_137 : memref<1x125x64xf32, #tpu.memory_space<vmem>> -> memref<125x64xf32, #tpu.memory_space<vmem>>
      %dma_wait3A_139 = arith.constant 0 : i32
      %dma_wait3A_140 = tpu.memref_slice %arg6[%add3A_133, %dma_wait3A_139] : memref<80x125xi32, #tpu.memory_space<vmem>> -> memref<1x125xi32, #tpu.memory_space<vmem>>
      %dma_wait3A_141 = tpu.memref_squeeze %dma_wait3A_140 : memref<1x125xi32, #tpu.memory_space<vmem>> -> memref<125xi32, #tpu.memory_space<vmem>>
      %dma_wait3A_142 = arith.constant 0 : i32
      %dma_wait3A_143 = arith.constant 0 : i32
      %dma_wait3A_144 = tpu.memref_slice %arg2[%dma_wait3A_142, %dma_wait3A_143] : memref<10240x64xf32, #tpu.memory_space<hbm>> -> memref<10240x64xf32, #tpu.memory_space<hbm>>
      tpu.wait_indirect_dma semaphore(%arg12 : memref<!tpu.dma_semaphore, #tpu.memory_space<semaphore_mem>>) src(%dma_wait3A_144 : memref<10240x64xf32, #tpu.memory_space<hbm>>) dst(%dma_wait3A_138 : memref<125x64xf32, #tpu.memory_space<vmem>>)
      %dma_start3A_145 = arith.constant 1 : i32
      %dma_start3A_146 = arith.constant 0 : i32
      %dma_start3A_147 = arith.constant 0 : i32
      %dma_start3A_148 = tpu.memref_slice %arg8[%dma_start3A_145, %dma_start3A_146, %dma_start3A_147] : memref<4x125x64xf32, #tpu.memory_space<vmem>> -> memref<1x125x64xf32, #tpu.memory_space<vmem>>
      %dma_start3A_149 = tpu.memref_squeeze %dma_start3A_148 : memref<1x125x64xf32, #tpu.memory_space<vmem>> -> memref<125x64xf32, #tpu.memory_space<vmem>>
      %dma_start3A_150 = arith.constant 0 : i32
      %dma_start3A_151 = tpu.memref_slice %arg7[%add3A_133, %dma_start3A_150] : memref<80x125xi32, #tpu.memory_space<vmem>> -> memref<1x125xi32, #tpu.memory_space<vmem>>
      %dma_start3A_152 = tpu.memref_squeeze %dma_start3A_151 : memref<1x125xi32, #tpu.memory_space<vmem>> -> memref<125xi32, #tpu.memory_space<vmem>>
      %dma_start3A_153 = arith.constant 0 : i32
      %dma_start3A_154 = arith.constant 0 : i32
      %dma_start3A_155 = tpu.memref_slice %arg10[%dma_start3A_153, %dma_start3A_154] : memref<10240x64xf32, #tpu.memory_space<vmem_shared>> -> memref<10240x64xf32, #tpu.memory_space<vmem_shared>>
      tpu.enqueue_indirect_dma source(%dma_start3A_149 : memref<125x64xf32, #tpu.memory_space<vmem>>) target(%dma_start3A_155 : memref<10240x64xf32, #tpu.memory_space<vmem_shared>>) offsets(%dma_start3A_152 : memref<125xi32, #tpu.memory_space<vmem>>) semaphore(%arg16 : memref<!tpu.dma_semaphore, #tpu.memory_space<semaphore_mem>>) {add = true}
      %ge3A_156 = arith.constant 2 : i32
      %ge3A_157 = arith.cmpi sge, %add3A_133, %ge3A_156 : i32
      %convert_element_type3A_158 = arith.extui %ge3A_157 : i1 to i32
      %cond3A_159 = arith.constant 0 : i32
      %cond3A_160 = arith.cmpi ne, %convert_element_type3A_158, %cond3A_159 : i32
      scf.if %cond3A_160 {
        %sub3A = arith.constant 2 : i32
        %sub3A_244 = arith.subi %add3A_133, %sub3A : i32
        %dma_wait3A_245 = arith.constant 3 : i32
        %dma_wait3A_246 = arith.constant 0 : i32
        %dma_wait3A_247 = arith.constant 0 : i32
        %dma_wait3A_248 = tpu.memref_slice %arg8[%dma_wait3A_245, %dma_wait3A_246, %dma_wait3A_247] : memref<4x125x64xf32, #tpu.memory_space<vmem>> -> memref<1x125x64xf32, #tpu.memory_space<vmem>>
        %dma_wait3A_249 = tpu.memref_squeeze %dma_wait3A_248 : memref<1x125x64xf32, #tpu.memory_space<vmem>> -> memref<125x64xf32, #tpu.memory_space<vmem>>
        %dma_wait3A_250 = arith.constant 0 : i32
        %dma_wait3A_251 = tpu.memref_slice %arg7[%sub3A_244, %dma_wait3A_250] : memref<80x125xi32, #tpu.memory_space<vmem>> -> memref<1x125xi32, #tpu.memory_space<vmem>>
        %dma_wait3A_252 = tpu.memref_squeeze %dma_wait3A_251 : memref<1x125xi32, #tpu.memory_space<vmem>> -> memref<125xi32, #tpu.memory_space<vmem>>
        %dma_wait3A_253 = arith.constant 0 : i32
        %dma_wait3A_254 = arith.constant 0 : i32
        %dma_wait3A_255 = tpu.memref_slice %arg10[%dma_wait3A_253, %dma_wait3A_254] : memref<10240x64xf32, #tpu.memory_space<vmem_shared>> -> memref<10240x64xf32, #tpu.memory_space<vmem_shared>>
        tpu.wait_indirect_dma semaphore(%arg18 : memref<!tpu.dma_semaphore, #tpu.memory_space<semaphore_mem>>) src(%dma_wait3A_249 : memref<125x64xf32, #tpu.memory_space<vmem>>) dst(%dma_wait3A_255 : memref<10240x64xf32, #tpu.memory_space<vmem_shared>>)
      } else {
      }
      %add3A_161 = arith.constant 2 : i32
      %add3A_162 = arith.addi %add3A_133, %add3A_161 : i32
      %lt3A_163 = arith.constant 80 : i32
      %lt3A_164 = arith.cmpi slt, %add3A_162, %lt3A_163 : i32
      %convert_element_type3A_165 = arith.extui %lt3A_164 : i1 to i32
      %cond3A_166 = arith.constant 0 : i32
      %cond3A_167 = arith.cmpi ne, %convert_element_type3A_165, %cond3A_166 : i32
      scf.if %cond3A_167 {
        %add3A_244 = arith.constant 2 : i32
        %add3A_245 = arith.addi %add3A_133, %add3A_244 : i32
        %dma_start3A_246 = arith.constant 3 : i32
        %dma_start3A_247 = arith.constant 0 : i32
        %dma_start3A_248 = arith.constant 0 : i32
        %dma_start3A_249 = tpu.memref_slice %arg8[%dma_start3A_246, %dma_start3A_247, %dma_start3A_248] : memref<4x125x64xf32, #tpu.memory_space<vmem>> -> memref<1x125x64xf32, #tpu.memory_space<vmem>>
        %dma_start3A_250 = tpu.memref_squeeze %dma_start3A_249 : memref<1x125x64xf32, #tpu.memory_space<vmem>> -> memref<125x64xf32, #tpu.memory_space<vmem>>
        %dma_start3A_251 = arith.constant 0 : i32
        %dma_start3A_252 = tpu.memref_slice %arg6[%add3A_245, %dma_start3A_251] : memref<80x125xi32, #tpu.memory_space<vmem>> -> memref<1x125xi32, #tpu.memory_space<vmem>>
        %dma_start3A_253 = tpu.memref_squeeze %dma_start3A_252 : memref<1x125xi32, #tpu.memory_space<vmem>> -> memref<125xi32, #tpu.memory_space<vmem>>
        %dma_start3A_254 = arith.constant 0 : i32
        %dma_start3A_255 = arith.constant 0 : i32
        %dma_start3A_256 = tpu.memref_slice %arg2[%dma_start3A_254, %dma_start3A_255] : memref<10240x64xf32, #tpu.memory_space<hbm>> -> memref<10240x64xf32, #tpu.memory_space<hbm>>
        tpu.enqueue_indirect_dma source(%dma_start3A_256 : memref<10240x64xf32, #tpu.memory_space<hbm>>) target(%dma_start3A_250 : memref<125x64xf32, #tpu.memory_space<vmem>>) offsets(%dma_start3A_253 : memref<125xi32, #tpu.memory_space<vmem>>) semaphore(%arg14 : memref<!tpu.dma_semaphore, #tpu.memory_space<semaphore_mem>>)
      } else {
      }
      %mul3A_168 = arith.constant 4 : i32
      %mul3A_169 = arith.muli %scan3A_93, %mul3A_168 : i32
      %add3A_170 = arith.constant 2 : i32
      %add3A_171 = arith.addi %mul3A_169, %add3A_170 : i32
      %dma_wait3A_172 = arith.constant 2 : i32
      %dma_wait3A_173 = arith.constant 0 : i32
      %dma_wait3A_174 = arith.constant 0 : i32
      %dma_wait3A_175 = tpu.memref_slice %arg8[%dma_wait3A_172, %dma_wait3A_173, %dma_wait3A_174] : memref<4x125x64xf32, #tpu.memory_space<vmem>> -> memref<1x125x64xf32, #tpu.memory_space<vmem>>
      %dma_wait3A_176 = tpu.memref_squeeze %dma_wait3A_175 : memref<1x125x64xf32, #tpu.memory_space<vmem>> -> memref<125x64xf32, #tpu.memory_space<vmem>>
      %dma_wait3A_177 = arith.constant 0 : i32
      %dma_wait3A_178 = tpu.memref_slice %arg6[%add3A_171, %dma_wait3A_177] : memref<80x125xi32, #tpu.memory_space<vmem>> -> memref<1x125xi32, #tpu.memory_space<vmem>>
      %dma_wait3A_179 = tpu.memref_squeeze %dma_wait3A_178 : memref<1x125xi32, #tpu.memory_space<vmem>> -> memref<125xi32, #tpu.memory_space<vmem>>
      %dma_wait3A_180 = arith.constant 0 : i32
      %dma_wait3A_181 = arith.constant 0 : i32
      %dma_wait3A_182 = tpu.memref_slice %arg2[%dma_wait3A_180, %dma_wait3A_181] : memref<10240x64xf32, #tpu.memory_space<hbm>> -> memref<10240x64xf32, #tpu.memory_space<hbm>>
      tpu.wait_indirect_dma semaphore(%arg13 : memref<!tpu.dma_semaphore, #tpu.memory_space<semaphore_mem>>) src(%dma_wait3A_182 : memref<10240x64xf32, #tpu.memory_space<hbm>>) dst(%dma_wait3A_176 : memref<125x64xf32, #tpu.memory_space<vmem>>)
      %dma_start3A_183 = arith.constant 2 : i32
      %dma_start3A_184 = arith.constant 0 : i32
      %dma_start3A_185 = arith.constant 0 : i32
      %dma_start3A_186 = tpu.memref_slice %arg8[%dma_start3A_183, %dma_start3A_184, %dma_start3A_185] : memref<4x125x64xf32, #tpu.memory_space<vmem>> -> memref<1x125x64xf32, #tpu.memory_space<vmem>>
      %dma_start3A_187 = tpu.memref_squeeze %dma_start3A_186 : memref<1x125x64xf32, #tpu.memory_space<vmem>> -> memref<125x64xf32, #tpu.memory_space<vmem>>
      %dma_start3A_188 = arith.constant 0 : i32
      %dma_start3A_189 = tpu.memref_slice %arg7[%add3A_171, %dma_start3A_188] : memref<80x125xi32, #tpu.memory_space<vmem>> -> memref<1x125xi32, #tpu.memory_space<vmem>>
      %dma_start3A_190 = tpu.memref_squeeze %dma_start3A_189 : memref<1x125xi32, #tpu.memory_space<vmem>> -> memref<125xi32, #tpu.memory_space<vmem>>
      %dma_start3A_191 = arith.constant 0 : i32
      %dma_start3A_192 = arith.constant 0 : i32
      %dma_start3A_193 = tpu.memref_slice %arg10[%dma_start3A_191, %dma_start3A_192] : memref<10240x64xf32, #tpu.memory_space<vmem_shared>> -> memref<10240x64xf32, #tpu.memory_space<vmem_shared>>
      tpu.enqueue_indirect_dma source(%dma_start3A_187 : memref<125x64xf32, #tpu.memory_space<vmem>>) target(%dma_start3A_193 : memref<10240x64xf32, #tpu.memory_space<vmem_shared>>) offsets(%dma_start3A_190 : memref<125xi32, #tpu.memory_space<vmem>>) semaphore(%arg17 : memref<!tpu.dma_semaphore, #tpu.memory_space<semaphore_mem>>) {add = true}
      %ge3A_194 = arith.constant 2 : i32
      %ge3A_195 = arith.cmpi sge, %add3A_171, %ge3A_194 : i32
      %convert_element_type3A_196 = arith.extui %ge3A_195 : i1 to i32
      %cond3A_197 = arith.constant 0 : i32
      %cond3A_198 = arith.cmpi ne, %convert_element_type3A_196, %cond3A_197 : i32
      scf.if %cond3A_198 {
        %sub3A = arith.constant 2 : i32
        %sub3A_244 = arith.subi %add3A_171, %sub3A : i32
        %dma_wait3A_245 = arith.constant 0 : i32
        %dma_wait3A_246 = arith.constant 0 : i32
        %dma_wait3A_247 = arith.constant 0 : i32
        %dma_wait3A_248 = tpu.memref_slice %arg8[%dma_wait3A_245, %dma_wait3A_246, %dma_wait3A_247] : memref<4x125x64xf32, #tpu.memory_space<vmem>> -> memref<1x125x64xf32, #tpu.memory_space<vmem>>
        %dma_wait3A_249 = tpu.memref_squeeze %dma_wait3A_248 : memref<1x125x64xf32, #tpu.memory_space<vmem>> -> memref<125x64xf32, #tpu.memory_space<vmem>>
        %dma_wait3A_250 = arith.constant 0 : i32
        %dma_wait3A_251 = tpu.memref_slice %arg7[%sub3A_244, %dma_wait3A_250] : memref<80x125xi32, #tpu.memory_space<vmem>> -> memref<1x125xi32, #tpu.memory_space<vmem>>
        %dma_wait3A_252 = tpu.memref_squeeze %dma_wait3A_251 : memref<1x125xi32, #tpu.memory_space<vmem>> -> memref<125xi32, #tpu.memory_space<vmem>>
        %dma_wait3A_253 = arith.constant 0 : i32
        %dma_wait3A_254 = arith.constant 0 : i32
        %dma_wait3A_255 = tpu.memref_slice %arg10[%dma_wait3A_253, %dma_wait3A_254] : memref<10240x64xf32, #tpu.memory_space<vmem_shared>> -> memref<10240x64xf32, #tpu.memory_space<vmem_shared>>
        tpu.wait_indirect_dma semaphore(%arg15 : memref<!tpu.dma_semaphore, #tpu.memory_space<semaphore_mem>>) src(%dma_wait3A_249 : memref<125x64xf32, #tpu.memory_space<vmem>>) dst(%dma_wait3A_255 : memref<10240x64xf32, #tpu.memory_space<vmem_shared>>)
      } else {
      }
      %add3A_199 = arith.constant 2 : i32
      %add3A_200 = arith.addi %add3A_171, %add3A_199 : i32
      %lt3A_201 = arith.constant 80 : i32
      %lt3A_202 = arith.cmpi slt, %add3A_200, %lt3A_201 : i32
      %convert_element_type3A_203 = arith.extui %lt3A_202 : i1 to i32
      %cond3A_204 = arith.constant 0 : i32
      %cond3A_205 = arith.cmpi ne, %convert_element_type3A_203, %cond3A_204 : i32
      scf.if %cond3A_205 {
        %add3A_244 = arith.constant 2 : i32
        %add3A_245 = arith.addi %add3A_171, %add3A_244 : i32
        %dma_start3A_246 = arith.constant 0 : i32
        %dma_start3A_247 = arith.constant 0 : i32
        %dma_start3A_248 = arith.constant 0 : i32
        %dma_start3A_249 = tpu.memref_slice %arg8[%dma_start3A_246, %dma_start3A_247, %dma_start3A_248] : memref<4x125x64xf32, #tpu.memory_space<vmem>> -> memref<1x125x64xf32, #tpu.memory_space<vmem>>
        %dma_start3A_250 = tpu.memref_squeeze %dma_start3A_249 : memref<1x125x64xf32, #tpu.memory_space<vmem>> -> memref<125x64xf32, #tpu.memory_space<vmem>>
        %dma_start3A_251 = arith.constant 0 : i32
        %dma_start3A_252 = tpu.memref_slice %arg6[%add3A_245, %dma_start3A_251] : memref<80x125xi32, #tpu.memory_space<vmem>> -> memref<1x125xi32, #tpu.memory_space<vmem>>
        %dma_start3A_253 = tpu.memref_squeeze %dma_start3A_252 : memref<1x125xi32, #tpu.memory_space<vmem>> -> memref<125xi32, #tpu.memory_space<vmem>>
        %dma_start3A_254 = arith.constant 0 : i32
        %dma_start3A_255 = arith.constant 0 : i32
        %dma_start3A_256 = tpu.memref_slice %arg2[%dma_start3A_254, %dma_start3A_255] : memref<10240x64xf32, #tpu.memory_space<hbm>> -> memref<10240x64xf32, #tpu.memory_space<hbm>>
        tpu.enqueue_indirect_dma source(%dma_start3A_256 : memref<10240x64xf32, #tpu.memory_space<hbm>>) target(%dma_start3A_250 : memref<125x64xf32, #tpu.memory_space<vmem>>) offsets(%dma_start3A_253 : memref<125xi32, #tpu.memory_space<vmem>>) semaphore(%arg11 : memref<!tpu.dma_semaphore, #tpu.memory_space<semaphore_mem>>)
      } else {
      }
      %mul3A_206 = arith.constant 4 : i32
      %mul3A_207 = arith.muli %scan3A_93, %mul3A_206 : i32
      %add3A_208 = arith.constant 3 : i32
      %add3A_209 = arith.addi %mul3A_207, %add3A_208 : i32
      %dma_wait3A_210 = arith.constant 3 : i32
      %dma_wait3A_211 = arith.constant 0 : i32
      %dma_wait3A_212 = arith.constant 0 : i32
      %dma_wait3A_213 = tpu.memref_slice %arg8[%dma_wait3A_210, %dma_wait3A_211, %dma_wait3A_212] : memref<4x125x64xf32, #tpu.memory_space<vmem>> -> memref<1x125x64xf32, #tpu.memory_space<vmem>>
      %dma_wait3A_214 = tpu.memref_squeeze %dma_wait3A_213 : memref<1x125x64xf32, #tpu.memory_space<vmem>> -> memref<125x64xf32, #tpu.memory_space<vmem>>
      %dma_wait3A_215 = arith.constant 0 : i32
      %dma_wait3A_216 = tpu.memref_slice %arg6[%add3A_209, %dma_wait3A_215] : memref<80x125xi32, #tpu.memory_space<vmem>> -> memref<1x125xi32, #tpu.memory_space<vmem>>
      %dma_wait3A_217 = tpu.memref_squeeze %dma_wait3A_216 : memref<1x125xi32, #tpu.memory_space<vmem>> -> memref<125xi32, #tpu.memory_space<vmem>>
      %dma_wait3A_218 = arith.constant 0 : i32
      %dma_wait3A_219 = arith.constant 0 : i32
      %dma_wait3A_220 = tpu.memref_slice %arg2[%dma_wait3A_218, %dma_wait3A_219] : memref<10240x64xf32, #tpu.memory_space<hbm>> -> memref<10240x64xf32, #tpu.memory_space<hbm>>
      tpu.wait_indirect_dma semaphore(%arg14 : memref<!tpu.dma_semaphore, #tpu.memory_space<semaphore_mem>>) src(%dma_wait3A_220 : memref<10240x64xf32, #tpu.memory_space<hbm>>) dst(%dma_wait3A_214 : memref<125x64xf32, #tpu.memory_space<vmem>>)
      %dma_start3A_221 = arith.constant 3 : i32
      %dma_start3A_222 = arith.constant 0 : i32
      %dma_start3A_223 = arith.constant 0 : i32
      %dma_start3A_224 = tpu.memref_slice %arg8[%dma_start3A_221, %dma_start3A_222, %dma_start3A_223] : memref<4x125x64xf32, #tpu.memory_space<vmem>> -> memref<1x125x64xf32, #tpu.memory_space<vmem>>
      %dma_start3A_225 = tpu.memref_squeeze %dma_start3A_224 : memref<1x125x64xf32, #tpu.memory_space<vmem>> -> memref<125x64xf32, #tpu.memory_space<vmem>>
      %dma_start3A_226 = arith.constant 0 : i32
      %dma_start3A_227 = tpu.memref_slice %arg7[%add3A_209, %dma_start3A_226] : memref<80x125xi32, #tpu.memory_space<vmem>> -> memref<1x125xi32, #tpu.memory_space<vmem>>
      %dma_start3A_228 = tpu.memref_squeeze %dma_start3A_227 : memref<1x125xi32, #tpu.memory_space<vmem>> -> memref<125xi32, #tpu.memory_space<vmem>>
      %dma_start3A_229 = arith.constant 0 : i32
      %dma_start3A_230 = arith.constant 0 : i32
      %dma_start3A_231 = tpu.memref_slice %arg10[%dma_start3A_229, %dma_start3A_230] : memref<10240x64xf32, #tpu.memory_space<vmem_shared>> -> memref<10240x64xf32, #tpu.memory_space<vmem_shared>>
      tpu.enqueue_indirect_dma source(%dma_start3A_225 : memref<125x64xf32, #tpu.memory_space<vmem>>) target(%dma_start3A_231 : memref<10240x64xf32, #tpu.memory_space<vmem_shared>>) offsets(%dma_start3A_228 : memref<125xi32, #tpu.memory_space<vmem>>) semaphore(%arg18 : memref<!tpu.dma_semaphore, #tpu.memory_space<semaphore_mem>>) {add = true}
      %ge3A_232 = arith.constant 2 : i32
      %ge3A_233 = arith.cmpi sge, %add3A_209, %ge3A_232 : i32
      %convert_element_type3A_234 = arith.extui %ge3A_233 : i1 to i32
      %cond3A_235 = arith.constant 0 : i32
      %cond3A_236 = arith.cmpi ne, %convert_element_type3A_234, %cond3A_235 : i32
      scf.if %cond3A_236 {
        %sub3A = arith.constant 2 : i32
        %sub3A_244 = arith.subi %add3A_209, %sub3A : i32
        %dma_wait3A_245 = arith.constant 1 : i32
        %dma_wait3A_246 = arith.constant 0 : i32
        %dma_wait3A_247 = arith.constant 0 : i32
        %dma_wait3A_248 = tpu.memref_slice %arg8[%dma_wait3A_245, %dma_wait3A_246, %dma_wait3A_247] : memref<4x125x64xf32, #tpu.memory_space<vmem>> -> memref<1x125x64xf32, #tpu.memory_space<vmem>>
        %dma_wait3A_249 = tpu.memref_squeeze %dma_wait3A_248 : memref<1x125x64xf32, #tpu.memory_space<vmem>> -> memref<125x64xf32, #tpu.memory_space<vmem>>
        %dma_wait3A_250 = arith.constant 0 : i32
        %dma_wait3A_251 = tpu.memref_slice %arg7[%sub3A_244, %dma_wait3A_250] : memref<80x125xi32, #tpu.memory_space<vmem>> -> memref<1x125xi32, #tpu.memory_space<vmem>>
        %dma_wait3A_252 = tpu.memref_squeeze %dma_wait3A_251 : memref<1x125xi32, #tpu.memory_space<vmem>> -> memref<125xi32, #tpu.memory_space<vmem>>
        %dma_wait3A_253 = arith.constant 0 : i32
        %dma_wait3A_254 = arith.constant 0 : i32
        %dma_wait3A_255 = tpu.memref_slice %arg10[%dma_wait3A_253, %dma_wait3A_254] : memref<10240x64xf32, #tpu.memory_space<vmem_shared>> -> memref<10240x64xf32, #tpu.memory_space<vmem_shared>>
        tpu.wait_indirect_dma semaphore(%arg16 : memref<!tpu.dma_semaphore, #tpu.memory_space<semaphore_mem>>) src(%dma_wait3A_249 : memref<125x64xf32, #tpu.memory_space<vmem>>) dst(%dma_wait3A_255 : memref<10240x64xf32, #tpu.memory_space<vmem_shared>>)
      } else {
      }
      %add3A_237 = arith.constant 2 : i32
      %add3A_238 = arith.addi %add3A_209, %add3A_237 : i32
      %lt3A_239 = arith.constant 80 : i32
      %lt3A_240 = arith.cmpi slt, %add3A_238, %lt3A_239 : i32
      %convert_element_type3A_241 = arith.extui %lt3A_240 : i1 to i32
      %cond3A_242 = arith.constant 0 : i32
      %cond3A_243 = arith.cmpi ne, %convert_element_type3A_241, %cond3A_242 : i32
      scf.if %cond3A_243 {
        %add3A_244 = arith.constant 2 : i32
        %add3A_245 = arith.addi %add3A_209, %add3A_244 : i32
        %dma_start3A_246 = arith.constant 1 : i32
        %dma_start3A_247 = arith.constant 0 : i32
        %dma_start3A_248 = arith.constant 0 : i32
        %dma_start3A_249 = tpu.memref_slice %arg8[%dma_start3A_246, %dma_start3A_247, %dma_start3A_248] : memref<4x125x64xf32, #tpu.memory_space<vmem>> -> memref<1x125x64xf32, #tpu.memory_space<vmem>>
        %dma_start3A_250 = tpu.memref_squeeze %dma_start3A_249 : memref<1x125x64xf32, #tpu.memory_space<vmem>> -> memref<125x64xf32, #tpu.memory_space<vmem>>
        %dma_start3A_251 = arith.constant 0 : i32
        %dma_start3A_252 = tpu.memref_slice %arg6[%add3A_245, %dma_start3A_251] : memref<80x125xi32, #tpu.memory_space<vmem>> -> memref<1x125xi32, #tpu.memory_space<vmem>>
        %dma_start3A_253 = tpu.memref_squeeze %dma_start3A_252 : memref<1x125xi32, #tpu.memory_space<vmem>> -> memref<125xi32, #tpu.memory_space<vmem>>
        %dma_start3A_254 = arith.constant 0 : i32
        %dma_start3A_255 = arith.constant 0 : i32
        %dma_start3A_256 = tpu.memref_slice %arg2[%dma_start3A_254, %dma_start3A_255] : memref<10240x64xf32, #tpu.memory_space<hbm>> -> memref<10240x64xf32, #tpu.memory_space<hbm>>
        tpu.enqueue_indirect_dma source(%dma_start3A_256 : memref<10240x64xf32, #tpu.memory_space<hbm>>) target(%dma_start3A_250 : memref<125x64xf32, #tpu.memory_space<vmem>>) offsets(%dma_start3A_253 : memref<125xi32, #tpu.memory_space<vmem>>) semaphore(%arg12 : memref<!tpu.dma_semaphore, #tpu.memory_space<semaphore_mem>>)
      } else {
      }
    }
    %scan3A_61 = arith.constant 20 : i32
    %dma_wait3A = arith.constant 2 : i32
    %dma_wait3A_62 = arith.constant 78 : i32
    %dma_wait3A_63 = arith.constant 0 : i32
    %dma_wait3A_64 = arith.constant 0 : i32
    %dma_wait3A_65 = tpu.memref_slice %arg8[%dma_wait3A, %dma_wait3A_63, %dma_wait3A_64] : memref<4x125x64xf32, #tpu.memory_space<vmem>> -> memref<1x125x64xf32, #tpu.memory_space<vmem>>
    %dma_wait3A_66 = tpu.memref_squeeze %dma_wait3A_65 : memref<1x125x64xf32, #tpu.memory_space<vmem>> -> memref<125x64xf32, #tpu.memory_space<vmem>>
    %dma_wait3A_67 = arith.constant 0 : i32
    %dma_wait3A_68 = tpu.memref_slice %arg7[%dma_wait3A_62, %dma_wait3A_67] : memref<80x125xi32, #tpu.memory_space<vmem>> -> memref<1x125xi32, #tpu.memory_space<vmem>>
    %dma_wait3A_69 = tpu.memref_squeeze %dma_wait3A_68 : memref<1x125xi32, #tpu.memory_space<vmem>> -> memref<125xi32, #tpu.memory_space<vmem>>
    %dma_wait3A_70 = arith.constant 0 : i32
    %dma_wait3A_71 = arith.constant 0 : i32
    %dma_wait3A_72 = tpu.memref_slice %arg10[%dma_wait3A_70, %dma_wait3A_71] : memref<10240x64xf32, #tpu.memory_space<vmem_shared>> -> memref<10240x64xf32, #tpu.memory_space<vmem_shared>>
    tpu.wait_indirect_dma semaphore(%arg17 : memref<!tpu.dma_semaphore, #tpu.memory_space<semaphore_mem>>) src(%dma_wait3A_66 : memref<125x64xf32, #tpu.memory_space<vmem>>) dst(%dma_wait3A_72 : memref<10240x64xf32, #tpu.memory_space<vmem_shared>>)
    %dma_wait3A_73 = arith.constant 3 : i32
    %dma_wait3A_74 = arith.constant 79 : i32
    %dma_wait3A_75 = arith.constant 0 : i32
    %dma_wait3A_76 = arith.constant 0 : i32
    %dma_wait3A_77 = tpu.memref_slice %arg8[%dma_wait3A_73, %dma_wait3A_75, %dma_wait3A_76] : memref<4x125x64xf32, #tpu.memory_space<vmem>> -> memref<1x125x64xf32, #tpu.memory_space<vmem>>
    %dma_wait3A_78 = tpu.memref_squeeze %dma_wait3A_77 : memref<1x125x64xf32, #tpu.memory_space<vmem>> -> memref<125x64xf32, #tpu.memory_space<vmem>>
    %dma_wait3A_79 = arith.constant 0 : i32
    %dma_wait3A_80 = tpu.memref_slice %arg7[%dma_wait3A_74, %dma_wait3A_79] : memref<80x125xi32, #tpu.memory_space<vmem>> -> memref<1x125xi32, #tpu.memory_space<vmem>>
    %dma_wait3A_81 = tpu.memref_squeeze %dma_wait3A_80 : memref<1x125xi32, #tpu.memory_space<vmem>> -> memref<125xi32, #tpu.memory_space<vmem>>
    %dma_wait3A_82 = arith.constant 0 : i32
    %dma_wait3A_83 = arith.constant 0 : i32
    %dma_wait3A_84 = tpu.memref_slice %arg10[%dma_wait3A_82, %dma_wait3A_83] : memref<10240x64xf32, #tpu.memory_space<vmem_shared>> -> memref<10240x64xf32, #tpu.memory_space<vmem_shared>>
    tpu.wait_indirect_dma semaphore(%arg18 : memref<!tpu.dma_semaphore, #tpu.memory_space<semaphore_mem>>) src(%dma_wait3A_78 : memref<125x64xf32, #tpu.memory_space<vmem>>) dst(%dma_wait3A_84 : memref<10240x64xf32, #tpu.memory_space<vmem_shared>>)
    %barrier3A_85 = arith.constant 0 : index
    tpu.barrier barrier_id(%barrier3A_85)
    %eq3A = arith.constant 0 : i32
    %eq3A_86 = arith.cmpi eq, %arg0, %eq3A : i32
    %convert_element_type3A = arith.extui %eq3A_86 : i1 to i32
    %cond3A = arith.constant 0 : i32
    %cond3A_87 = arith.cmpi ne, %convert_element_type3A, %cond3A : i32
    scf.if %cond3A_87 {
      %mul3A_93 = arith.constant 640 : i32
      %mul3A_94 = arith.muli %arg1, %mul3A_93 : i32
      %mul3A_95 = arith.constant 640 : i32
      %mul3A_96 = arith.muli %arg1, %mul3A_95 : i32
      "tpu.region"() ({
        %run_scoped3A = tpu.sem_alloc : memref<!tpu.dma_semaphore, #tpu.memory_space<semaphore_mem>>
        %dma_start3A_97 = arith.constant 0 : i32
        %dma_start3A_98 = tpu.memref_slice %arg4[%mul3A_96, %dma_start3A_97] : memref<10240x64xf32, #tpu.memory_space<hbm>> -> memref<640x64xf32, #tpu.memory_space<hbm>>
        %dma_start3A_99 = arith.constant 0 : i32
        %dma_start3A_100 = tpu.memref_slice %arg10[%mul3A_94, %dma_start3A_99] : memref<10240x64xf32, #tpu.memory_space<vmem_shared>> -> memref<640x64xf32, #tpu.memory_space<vmem_shared>>
        tpu.enqueue_dma source(%dma_start3A_100 : memref<640x64xf32, #tpu.memory_space<vmem_shared>>) target(%dma_start3A_98 : memref<640x64xf32, #tpu.memory_space<hbm>>) target_semaphore(%run_scoped3A : memref<!tpu.dma_semaphore, #tpu.memory_space<semaphore_mem>>)
        %dma_wait3A_101 = arith.constant 0 : i32
        %dma_wait3A_102 = tpu.memref_slice %arg4[%mul3A_96, %dma_wait3A_101] : memref<10240x64xf32, #tpu.memory_space<hbm>> -> memref<640x64xf32, #tpu.memory_space<hbm>>
        %dma_wait3A_103 = arith.constant 0 : i32
        %dma_wait3A_104 = tpu.memref_slice %arg10[%mul3A_94, %dma_wait3A_103] : memref<10240x64xf32, #tpu.memory_space<vmem_shared>> -> memref<640x64xf32, #tpu.memory_space<vmem_shared>>
        tpu.wait_dma2 semaphore(%run_scoped3A : memref<!tpu.dma_semaphore, #tpu.memory_space<semaphore_mem>>) src(%dma_wait3A_104 : memref<640x64xf32, #tpu.memory_space<vmem_shared>>) dst(%dma_wait3A_102 : memref<640x64xf32, #tpu.memory_space<hbm>>)
        tpu.yield
      }) : () -> ()
    } else {
    }
    %eq3A_88 = arith.constant 1 : i32
    %eq3A_89 = arith.cmpi eq, %arg0, %eq3A_88 : i32
    %convert_element_type3A_90 = arith.extui %eq3A_89 : i1 to i32
    %cond3A_91 = arith.constant 0 : i32
    %cond3A_92 = arith.cmpi ne, %convert_element_type3A_90, %cond3A_91 : i32
    scf.if %cond3A_92 {
      %mul3A_93 = arith.constant 640 : i32
      %mul3A_94 = arith.muli %arg1, %mul3A_93 : i32
      %mul3A_95 = arith.constant 640 : i32
      %mul3A_96 = arith.muli %arg1, %mul3A_95 : i32
      "tpu.region"() ({
        %run_scoped3A = tpu.sem_alloc : memref<!tpu.dma_semaphore, #tpu.memory_space<semaphore_mem>>
        %dma_start3A_97 = arith.constant 0 : i32
        %dma_start3A_98 = tpu.memref_slice %arg5[%mul3A_96, %dma_start3A_97] : memref<10240x64xf32, #tpu.memory_space<hbm>> -> memref<640x64xf32, #tpu.memory_space<hbm>>
        %dma_start3A_99 = arith.constant 0 : i32
        %dma_start3A_100 = tpu.memref_slice %arg10[%mul3A_94, %dma_start3A_99] : memref<10240x64xf32, #tpu.memory_space<vmem_shared>> -> memref<640x64xf32, #tpu.memory_space<vmem_shared>>
        tpu.enqueue_dma source(%dma_start3A_100 : memref<640x64xf32, #tpu.memory_space<vmem_shared>>) target(%dma_start3A_98 : memref<640x64xf32, #tpu.memory_space<hbm>>) target_semaphore(%run_scoped3A : memref<!tpu.dma_semaphore, #tpu.memory_space<semaphore_mem>>)
        %dma_wait3A_101 = arith.constant 0 : i32
        %dma_wait3A_102 = tpu.memref_slice %arg5[%mul3A_96, %dma_wait3A_101] : memref<10240x64xf32, #tpu.memory_space<hbm>> -> memref<640x64xf32, #tpu.memory_space<hbm>>
        %dma_wait3A_103 = arith.constant 0 : i32
        %dma_wait3A_104 = tpu.memref_slice %arg10[%mul3A_94, %dma_wait3A_103] : memref<10240x64xf32, #tpu.memory_space<vmem_shared>> -> memref<640x64xf32, #tpu.memory_space<vmem_shared>>
        tpu.wait_dma2 semaphore(%run_scoped3A : memref<!tpu.dma_semaphore, #tpu.memory_space<semaphore_mem>>) src(%dma_wait3A_104 : memref<640x64xf32, #tpu.memory_space<vmem_shared>>) dst(%dma_wait3A_102 : memref<640x64xf32, #tpu.memory_space<hbm>>)
        tpu.yield
      }) : () -> ()
    } else {
    }
    return
  }
}

#map = affine_map<(d0, d1) -> (0, 0)>
module attributes {stable_mosaic.version = 14 : i64} {
  func.func @_sc_deg(%arg0: i32, %arg1: i32, %arg2: memref<5120x125xi32, #tpu.memory_space<hbm>>, %arg3: memref<10240x16xf32, #tpu.memory_space<hbm>>, %arg4: memref<10240x16xf32, #tpu.memory_space<hbm>>, %arg5: memref<80x125xi32, #tpu.memory_space<vmem>>, %arg6: memref<125x16xf32, #tpu.memory_space<vmem>>, %arg7: memref<128x16xf32, #tpu.memory_space<vmem>>, %arg8: memref<10240x16xf32, #tpu.memory_space<vmem_shared>>) attributes {dimension_semantics = [#tpu.dimension_semantics<core_parallel>, #tpu.dimension_semantics<subcore_parallel>], iteration_bounds = array<i64: 2, 16>, scalar_prefetch = 0 : i64, scratch_operands = 4 : i64, tpu.core_type = #tpu.core_type<sc_vector_subcore>, window_params = [{transform_indices = #map}, {transform_indices = #map}, {transform_indices = #map}]} {
    %mul3A = arith.constant 2 : i32
    %mul3A_0 = arith.muli %arg1, %mul3A : i32
    %add3A = arith.addi %mul3A_0, %arg0 : i32
    %broadcast_in_dim3A = arith.constant 0.000000e+00 : f32
    %broadcast_in_dim3A_1 = vector.broadcast %broadcast_in_dim3A : f32 to vector<16xf32>
    %scan3A = arith.constant 0 : i32
    %scan3A_2 = arith.constant 0 : i32
    %scan3A_3 = arith.constant 128 : i32
    %scan3A_4 = arith.addi %scan3A_2, %scan3A_3 : i32
    %scan3A_5 = arith.constant 1 : i32
    scf.for %scan3A_53 = %scan3A_2 to %scan3A_4 step %scan3A_5  : i32 {
      %swap3A = arith.index_cast %scan3A_53 : i32 to index
      %swap3A_54 = arith.constant 0 : index
      %swap3A_55 = tpu.vector_load %arg7[%swap3A, %swap3A_54] {strides = array<i32>} : memref<128x16xf32, #tpu.memory_space<vmem>>, vector<1x16xf32>,
      %swap3A_56 = vector.shape_cast %swap3A_55 : vector<1x16xf32> to vector<16xf32>
      %swap3A_57 = vector.shape_cast %broadcast_in_dim3A_1 : vector<16xf32> to vector<1x16xf32>
      tpu.vector_store %arg7[%swap3A, %swap3A_54], %swap3A_57 {strides = array<i32>} : memref<128x16xf32, #tpu.memory_space<vmem>>, vector<1x16xf32>,
    }
    %scan3A_6 = arith.constant 128 : i32
    %mul3A_7 = arith.constant 640 : i32
    %mul3A_8 = arith.muli %arg1, %mul3A_7 : i32
    %add3A_9 = arith.constant 0 : i32
    %add3A_10 = arith.addi %mul3A_8, %add3A_9 : i32
    "tpu.region"() ({
      %run_scoped3A = tpu.sem_alloc : memref<!tpu.dma_semaphore, #tpu.memory_space<semaphore_mem>>
      %dma_start3A = arith.constant 0 : i32
      %dma_start3A_53 = tpu.memref_slice %arg8[%add3A_10, %dma_start3A] : memref<10240x16xf32, #tpu.memory_space<vmem_shared>> -> memref<128x16xf32, #tpu.memory_space<vmem_shared>>
      %dma_start3A_54 = arith.constant 0 : i32
      %dma_start3A_55 = tpu.memref_slice %arg8[%add3A_10, %dma_start3A_54] : memref<10240x16xf32, #tpu.memory_space<vmem_shared>> -> memref<128x16xf32, #tpu.memory_space<vmem_shared>>
      tpu.enqueue_dma source(%arg7 : memref<128x16xf32, #tpu.memory_space<vmem>>) target(%dma_start3A_55 : memref<128x16xf32, #tpu.memory_space<vmem_shared>>) target_semaphore(%run_scoped3A : memref<!tpu.dma_semaphore, #tpu.memory_space<semaphore_mem>>)
      %dma_wait3A = arith.constant 0 : i32
      %dma_wait3A_56 = tpu.memref_slice %arg8[%add3A_10, %dma_wait3A] : memref<10240x16xf32, #tpu.memory_space<vmem_shared>> -> memref<128x16xf32, #tpu.memory_space<vmem_shared>>
      %dma_wait3A_57 = arith.constant 0 : i32
      %dma_wait3A_58 = tpu.memref_slice %arg8[%add3A_10, %dma_wait3A_57] : memref<10240x16xf32, #tpu.memory_space<vmem_shared>> -> memref<128x16xf32, #tpu.memory_space<vmem_shared>>
      tpu.wait_dma2 semaphore(%run_scoped3A : memref<!tpu.dma_semaphore, #tpu.memory_space<semaphore_mem>>) src(%arg7 : memref<128x16xf32, #tpu.memory_space<vmem>>) dst(%dma_wait3A_58 : memref<128x16xf32, #tpu.memory_space<vmem_shared>>)
      tpu.yield
    }) : () -> ()
    %mul3A_11 = arith.constant 640 : i32
    %mul3A_12 = arith.muli %arg1, %mul3A_11 : i32
    %add3A_13 = arith.constant 128 : i32
    %add3A_14 = arith.addi %mul3A_12, %add3A_13 : i32
    "tpu.region"() ({
      %run_scoped3A = tpu.sem_alloc : memref<!tpu.dma_semaphore, #tpu.memory_space<semaphore_mem>>
      %dma_start3A = arith.constant 0 : i32
      %dma_start3A_53 = tpu.memref_slice %arg8[%add3A_14, %dma_start3A] : memref<10240x16xf32, #tpu.memory_space<vmem_shared>> -> memref<128x16xf32, #tpu.memory_space<vmem_shared>>
      %dma_start3A_54 = arith.constant 0 : i32
      %dma_start3A_55 = tpu.memref_slice %arg8[%add3A_14, %dma_start3A_54] : memref<10240x16xf32, #tpu.memory_space<vmem_shared>> -> memref<128x16xf32, #tpu.memory_space<vmem_shared>>
      tpu.enqueue_dma source(%arg7 : memref<128x16xf32, #tpu.memory_space<vmem>>) target(%dma_start3A_55 : memref<128x16xf32, #tpu.memory_space<vmem_shared>>) target_semaphore(%run_scoped3A : memref<!tpu.dma_semaphore, #tpu.memory_space<semaphore_mem>>)
      %dma_wait3A = arith.constant 0 : i32
      %dma_wait3A_56 = tpu.memref_slice %arg8[%add3A_14, %dma_wait3A] : memref<10240x16xf32, #tpu.memory_space<vmem_shared>> -> memref<128x16xf32, #tpu.memory_space<vmem_shared>>
      %dma_wait3A_57 = arith.constant 0 : i32
      %dma_wait3A_58 = tpu.memref_slice %arg8[%add3A_14, %dma_wait3A_57] : memref<10240x16xf32, #tpu.memory_space<vmem_shared>> -> memref<128x16xf32, #tpu.memory_space<vmem_shared>>
      tpu.wait_dma2 semaphore(%run_scoped3A : memref<!tpu.dma_semaphore, #tpu.memory_space<semaphore_mem>>) src(%arg7 : memref<128x16xf32, #tpu.memory_space<vmem>>) dst(%dma_wait3A_58 : memref<128x16xf32, #tpu.memory_space<vmem_shared>>)
      tpu.yield
    }) : () -> ()
    %mul3A_15 = arith.constant 640 : i32
    %mul3A_16 = arith.muli %arg1, %mul3A_15 : i32
    %add3A_17 = arith.constant 256 : i32
    %add3A_18 = arith.addi %mul3A_16, %add3A_17 : i32
    "tpu.region"() ({
      %run_scoped3A = tpu.sem_alloc : memref<!tpu.dma_semaphore, #tpu.memory_space<semaphore_mem>>
      %dma_start3A = arith.constant 0 : i32
      %dma_start3A_53 = tpu.memref_slice %arg8[%add3A_18, %dma_start3A] : memref<10240x16xf32, #tpu.memory_space<vmem_shared>> -> memref<128x16xf32, #tpu.memory_space<vmem_shared>>
      %dma_start3A_54 = arith.constant 0 : i32
      %dma_start3A_55 = tpu.memref_slice %arg8[%add3A_18, %dma_start3A_54] : memref<10240x16xf32, #tpu.memory_space<vmem_shared>> -> memref<128x16xf32, #tpu.memory_space<vmem_shared>>
      tpu.enqueue_dma source(%arg7 : memref<128x16xf32, #tpu.memory_space<vmem>>) target(%dma_start3A_55 : memref<128x16xf32, #tpu.memory_space<vmem_shared>>) target_semaphore(%run_scoped3A : memref<!tpu.dma_semaphore, #tpu.memory_space<semaphore_mem>>)
      %dma_wait3A = arith.constant 0 : i32
      %dma_wait3A_56 = tpu.memref_slice %arg8[%add3A_18, %dma_wait3A] : memref<10240x16xf32, #tpu.memory_space<vmem_shared>> -> memref<128x16xf32, #tpu.memory_space<vmem_shared>>
      %dma_wait3A_57 = arith.constant 0 : i32
      %dma_wait3A_58 = tpu.memref_slice %arg8[%add3A_18, %dma_wait3A_57] : memref<10240x16xf32, #tpu.memory_space<vmem_shared>> -> memref<128x16xf32, #tpu.memory_space<vmem_shared>>
      tpu.wait_dma2 semaphore(%run_scoped3A : memref<!tpu.dma_semaphore, #tpu.memory_space<semaphore_mem>>) src(%arg7 : memref<128x16xf32, #tpu.memory_space<vmem>>) dst(%dma_wait3A_58 : memref<128x16xf32, #tpu.memory_space<vmem_shared>>)
      tpu.yield
    }) : () -> ()
    %mul3A_19 = arith.constant 640 : i32
    %mul3A_20 = arith.muli %arg1, %mul3A_19 : i32
    %add3A_21 = arith.constant 384 : i32
    %add3A_22 = arith.addi %mul3A_20, %add3A_21 : i32
    "tpu.region"() ({
      %run_scoped3A = tpu.sem_alloc : memref<!tpu.dma_semaphore, #tpu.memory_space<semaphore_mem>>
      %dma_start3A = arith.constant 0 : i32
      %dma_start3A_53 = tpu.memref_slice %arg8[%add3A_22, %dma_start3A] : memref<10240x16xf32, #tpu.memory_space<vmem_shared>> -> memref<128x16xf32, #tpu.memory_space<vmem_shared>>
      %dma_start3A_54 = arith.constant 0 : i32
      %dma_start3A_55 = tpu.memref_slice %arg8[%add3A_22, %dma_start3A_54] : memref<10240x16xf32, #tpu.memory_space<vmem_shared>> -> memref<128x16xf32, #tpu.memory_space<vmem_shared>>
      tpu.enqueue_dma source(%arg7 : memref<128x16xf32, #tpu.memory_space<vmem>>) target(%dma_start3A_55 : memref<128x16xf32, #tpu.memory_space<vmem_shared>>) target_semaphore(%run_scoped3A : memref<!tpu.dma_semaphore, #tpu.memory_space<semaphore_mem>>)
      %dma_wait3A = arith.constant 0 : i32
      %dma_wait3A_56 = tpu.memref_slice %arg8[%add3A_22, %dma_wait3A] : memref<10240x16xf32, #tpu.memory_space<vmem_shared>> -> memref<128x16xf32, #tpu.memory_space<vmem_shared>>
      %dma_wait3A_57 = arith.constant 0 : i32
      %dma_wait3A_58 = tpu.memref_slice %arg8[%add3A_22, %dma_wait3A_57] : memref<10240x16xf32, #tpu.memory_space<vmem_shared>> -> memref<128x16xf32, #tpu.memory_space<vmem_shared>>
      tpu.wait_dma2 semaphore(%run_scoped3A : memref<!tpu.dma_semaphore, #tpu.memory_space<semaphore_mem>>) src(%arg7 : memref<128x16xf32, #tpu.memory_space<vmem>>) dst(%dma_wait3A_58 : memref<128x16xf32, #tpu.memory_space<vmem_shared>>)
      tpu.yield
    }) : () -> ()
    %mul3A_23 = arith.constant 640 : i32
    %mul3A_24 = arith.muli %arg1, %mul3A_23 : i32
    %add3A_25 = arith.constant 512 : i32
    %add3A_26 = arith.addi %mul3A_24, %add3A_25 : i32
    "tpu.region"() ({
      %run_scoped3A = tpu.sem_alloc : memref<!tpu.dma_semaphore, #tpu.memory_space<semaphore_mem>>
      %dma_start3A = arith.constant 0 : i32
      %dma_start3A_53 = tpu.memref_slice %arg8[%add3A_26, %dma_start3A] : memref<10240x16xf32, #tpu.memory_space<vmem_shared>> -> memref<128x16xf32, #tpu.memory_space<vmem_shared>>
      %dma_start3A_54 = arith.constant 0 : i32
      %dma_start3A_55 = tpu.memref_slice %arg8[%add3A_26, %dma_start3A_54] : memref<10240x16xf32, #tpu.memory_space<vmem_shared>> -> memref<128x16xf32, #tpu.memory_space<vmem_shared>>
      tpu.enqueue_dma source(%arg7 : memref<128x16xf32, #tpu.memory_space<vmem>>) target(%dma_start3A_55 : memref<128x16xf32, #tpu.memory_space<vmem_shared>>) target_semaphore(%run_scoped3A : memref<!tpu.dma_semaphore, #tpu.memory_space<semaphore_mem>>)
      %dma_wait3A = arith.constant 0 : i32
      %dma_wait3A_56 = tpu.memref_slice %arg8[%add3A_26, %dma_wait3A] : memref<10240x16xf32, #tpu.memory_space<vmem_shared>> -> memref<128x16xf32, #tpu.memory_space<vmem_shared>>
      %dma_wait3A_57 = arith.constant 0 : i32
      %dma_wait3A_58 = tpu.memref_slice %arg8[%add3A_26, %dma_wait3A_57] : memref<10240x16xf32, #tpu.memory_space<vmem_shared>> -> memref<128x16xf32, #tpu.memory_space<vmem_shared>>
      tpu.wait_dma2 semaphore(%run_scoped3A : memref<!tpu.dma_semaphore, #tpu.memory_space<semaphore_mem>>) src(%arg7 : memref<128x16xf32, #tpu.memory_space<vmem>>) dst(%dma_wait3A_58 : memref<128x16xf32, #tpu.memory_space<vmem_shared>>)
      tpu.yield
    }) : () -> ()
    %broadcast_in_dim3A_27 = arith.constant 1.000000e+00 : f32
    %broadcast_in_dim3A_28 = vector.broadcast %broadcast_in_dim3A_27 : f32 to vector<16xf32>
    %scan3A_29 = arith.constant 0 : i32
    %scan3A_30 = arith.constant 0 : i32
    %scan3A_31 = arith.constant 125 : i32
    %scan3A_32 = arith.addi %scan3A_30, %scan3A_31 : i32
    %scan3A_33 = arith.constant 1 : i32
    scf.for %scan3A_53 = %scan3A_30 to %scan3A_32 step %scan3A_33  : i32 {
      %swap3A = arith.index_cast %scan3A_53 : i32 to index
      %swap3A_54 = arith.constant 0 : index
      %swap3A_55 = tpu.vector_load %arg6[%swap3A, %swap3A_54] {strides = array<i32>} : memref<125x16xf32, #tpu.memory_space<vmem>>, vector<1x16xf32>,
      %swap3A_56 = vector.shape_cast %swap3A_55 : vector<1x16xf32> to vector<16xf32>
      %swap3A_57 = vector.shape_cast %broadcast_in_dim3A_28 : vector<16xf32> to vector<1x16xf32>
      tpu.vector_store %arg6[%swap3A, %swap3A_54], %swap3A_57 {strides = array<i32>} : memref<125x16xf32, #tpu.memory_space<vmem>>, vector<1x16xf32>,
    }
    %scan3A_34 = arith.constant 125 : i32
    %mul3A_35 = arith.constant 80 : i32
    %mul3A_36 = arith.muli %add3A, %mul3A_35 : i32
    %add3A_37 = arith.constant 2560 : i32
    %add3A_38 = arith.addi %add3A_37, %mul3A_36 : i32
    "tpu.region"() ({
      %run_scoped3A = tpu.sem_alloc : memref<!tpu.dma_semaphore, #tpu.memory_space<semaphore_mem>>
      %dma_start3A = arith.constant 0 : i32
      %dma_start3A_53 = tpu.memref_slice %arg2[%add3A_38, %dma_start3A] : memref<5120x125xi32, #tpu.memory_space<hbm>> -> memref<80x125xi32, #tpu.memory_space<hbm>>
      %dma_start3A_54 = arith.constant 0 : i32
      %dma_start3A_55 = tpu.memref_slice %arg2[%add3A_38, %dma_start3A_54] : memref<5120x125xi32, #tpu.memory_space<hbm>> -> memref<80x125xi32, #tpu.memory_space<hbm>>
      tpu.enqueue_dma source(%dma_start3A_55 : memref<80x125xi32, #tpu.memory_space<hbm>>) target(%arg5 : memref<80x125xi32, #tpu.memory_space<vmem>>) target_semaphore(%run_scoped3A : memref<!tpu.dma_semaphore, #tpu.memory_space<semaphore_mem>>)
      %dma_wait3A = arith.constant 0 : i32
      %dma_wait3A_56 = tpu.memref_slice %arg2[%add3A_38, %dma_wait3A] : memref<5120x125xi32, #tpu.memory_space<hbm>> -> memref<80x125xi32, #tpu.memory_space<hbm>>
      %dma_wait3A_57 = arith.constant 0 : i32
      %dma_wait3A_58 = tpu.memref_slice %arg2[%add3A_38, %dma_wait3A_57] : memref<5120x125xi32, #tpu.memory_space<hbm>> -> memref<80x125xi32, #tpu.memory_space<hbm>>
      tpu.wait_dma2 semaphore(%run_scoped3A : memref<!tpu.dma_semaphore, #tpu.memory_space<semaphore_mem>>) src(%dma_wait3A_58 : memref<80x125xi32, #tpu.memory_space<hbm>>) dst(%arg5 : memref<80x125xi32, #tpu.memory_space<vmem>>)
      tpu.yield
    }) : () -> ()
    %barrier3A = arith.constant 0 : index
    tpu.barrier barrier_id(%barrier3A)
    %scan3A_39 = arith.constant 0 : i32
    %scan3A_40 = arith.constant 0 : i32
    %scan3A_41 = arith.constant 80 : i32
    %scan3A_42 = arith.addi %scan3A_40, %scan3A_41 : i32
    %scan3A_43 = arith.constant 1 : i32
    scf.for %scan3A_53 = %scan3A_40 to %scan3A_42 step %scan3A_43  : i32 {
      "tpu.region"() ({
        %run_scoped3A = tpu.sem_alloc : memref<!tpu.dma_semaphore, #tpu.memory_space<semaphore_mem>>
        %dma_start3A = arith.constant 0 : i32
        %dma_start3A_54 = tpu.memref_slice %arg5[%scan3A_53, %dma_start3A] : memref<80x125xi32, #tpu.memory_space<vmem>> -> memref<1x125xi32, #tpu.memory_space<vmem>>
        %dma_start3A_55 = tpu.memref_squeeze %dma_start3A_54 : memref<1x125xi32, #tpu.memory_space<vmem>> -> memref<125xi32, #tpu.memory_space<vmem>>
        %dma_start3A_56 = arith.constant 0 : i32
        %dma_start3A_57 = arith.constant 0 : i32
        %dma_start3A_58 = tpu.memref_slice %arg8[%dma_start3A_56, %dma_start3A_57] : memref<10240x16xf32, #tpu.memory_space<vmem_shared>> -> memref<10240x16xf32, #tpu.memory_space<vmem_shared>>
        tpu.enqueue_indirect_dma source(%arg6 : memref<125x16xf32, #tpu.memory_space<vmem>>) target(%dma_start3A_58 : memref<10240x16xf32, #tpu.memory_space<vmem_shared>>) offsets(%dma_start3A_55 : memref<125xi32, #tpu.memory_space<vmem>>) semaphore(%run_scoped3A : memref<!tpu.dma_semaphore, #tpu.memory_space<semaphore_mem>>) {add = true}
        %dma_wait3A = arith.constant 0 : i32
        %dma_wait3A_59 = tpu.memref_slice %arg5[%scan3A_53, %dma_wait3A] : memref<80x125xi32, #tpu.memory_space<vmem>> -> memref<1x125xi32, #tpu.memory_space<vmem>>
        %dma_wait3A_60 = tpu.memref_squeeze %dma_wait3A_59 : memref<1x125xi32, #tpu.memory_space<vmem>> -> memref<125xi32, #tpu.memory_space<vmem>>
        %dma_wait3A_61 = arith.constant 0 : i32
        %dma_wait3A_62 = arith.constant 0 : i32
        %dma_wait3A_63 = tpu.memref_slice %arg8[%dma_wait3A_61, %dma_wait3A_62] : memref<10240x16xf32, #tpu.memory_space<vmem_shared>> -> memref<10240x16xf32, #tpu.memory_space<vmem_shared>>
        tpu.wait_indirect_dma semaphore(%run_scoped3A : memref<!tpu.dma_semaphore, #tpu.memory_space<semaphore_mem>>) src(%arg6 : memref<125x16xf32, #tpu.memory_space<vmem>>) dst(%dma_wait3A_63 : memref<10240x16xf32, #tpu.memory_space<vmem_shared>>)
        tpu.yield
      }) : () -> ()
    }
    %scan3A_44 = arith.constant 80 : i32
    %barrier3A_45 = arith.constant 0 : index
    tpu.barrier barrier_id(%barrier3A_45)
    %eq3A = arith.constant 0 : i32
    %eq3A_46 = arith.cmpi eq, %arg0, %eq3A : i32
    %convert_element_type3A = arith.extui %eq3A_46 : i1 to i32
    %cond3A = arith.constant 0 : i32
    %cond3A_47 = arith.cmpi ne, %convert_element_type3A, %cond3A : i32
    scf.if %cond3A_47 {
      %mul3A_53 = arith.constant 640 : i32
      %mul3A_54 = arith.muli %arg1, %mul3A_53 : i32
      %mul3A_55 = arith.constant 640 : i32
      %mul3A_56 = arith.muli %arg1, %mul3A_55 : i32
      "tpu.region"() ({
        %run_scoped3A = tpu.sem_alloc : memref<!tpu.dma_semaphore, #tpu.memory_space<semaphore_mem>>
        %dma_start3A = arith.constant 0 : i32
        %dma_start3A_57 = tpu.memref_slice %arg3[%mul3A_56, %dma_start3A] : memref<10240x16xf32, #tpu.memory_space<hbm>> -> memref<640x16xf32, #tpu.memory_space<hbm>>
        %dma_start3A_58 = arith.constant 0 : i32
        %dma_start3A_59 = tpu.memref_slice %arg8[%mul3A_54, %dma_start3A_58] : memref<10240x16xf32, #tpu.memory_space<vmem_shared>> -> memref<640x16xf32, #tpu.memory_space<vmem_shared>>
        tpu.enqueue_dma source(%dma_start3A_59 : memref<640x16xf32, #tpu.memory_space<vmem_shared>>) target(%dma_start3A_57 : memref<640x16xf32, #tpu.memory_space<hbm>>) target_semaphore(%run_scoped3A : memref<!tpu.dma_semaphore, #tpu.memory_space<semaphore_mem>>)
        %dma_wait3A = arith.constant 0 : i32
        %dma_wait3A_60 = tpu.memref_slice %arg3[%mul3A_56, %dma_wait3A] : memref<10240x16xf32, #tpu.memory_space<hbm>> -> memref<640x16xf32, #tpu.memory_space<hbm>>
        %dma_wait3A_61 = arith.constant 0 : i32
        %dma_wait3A_62 = tpu.memref_slice %arg8[%mul3A_54, %dma_wait3A_61] : memref<10240x16xf32, #tpu.memory_space<vmem_shared>> -> memref<640x16xf32, #tpu.memory_space<vmem_shared>>
        tpu.wait_dma2 semaphore(%run_scoped3A : memref<!tpu.dma_semaphore, #tpu.memory_space<semaphore_mem>>) src(%dma_wait3A_62 : memref<640x16xf32, #tpu.memory_space<vmem_shared>>) dst(%dma_wait3A_60 : memref<640x16xf32, #tpu.memory_space<hbm>>)
        tpu.yield
      }) : () -> ()
    } else {
    }
    %eq3A_48 = arith.constant 1 : i32
    %eq3A_49 = arith.cmpi eq, %arg0, %eq3A_48 : i32
    %convert_element_type3A_50 = arith.extui %eq3A_49 : i1 to i32
    %cond3A_51 = arith.constant 0 : i32
    %cond3A_52 = arith.cmpi ne, %convert_element_type3A_50, %cond3A_51 : i32
    scf.if %cond3A_52 {
      %mul3A_53 = arith.constant 640 : i32
      %mul3A_54 = arith.muli %arg1, %mul3A_53 : i32
      %mul3A_55 = arith.constant 640 : i32
      %mul3A_56 = arith.muli %arg1, %mul3A_55 : i32
      "tpu.region"() ({
        %run_scoped3A = tpu.sem_alloc : memref<!tpu.dma_semaphore, #tpu.memory_space<semaphore_mem>>
        %dma_start3A = arith.constant 0 : i32
        %dma_start3A_57 = tpu.memref_slice %arg4[%mul3A_56, %dma_start3A] : memref<10240x16xf32, #tpu.memory_space<hbm>> -> memref<640x16xf32, #tpu.memory_space<hbm>>
        %dma_start3A_58 = arith.constant 0 : i32
        %dma_start3A_59 = tpu.memref_slice %arg8[%mul3A_54, %dma_start3A_58] : memref<10240x16xf32, #tpu.memory_space<vmem_shared>> -> memref<640x16xf32, #tpu.memory_space<vmem_shared>>
        tpu.enqueue_dma source(%dma_start3A_59 : memref<640x16xf32, #tpu.memory_space<vmem_shared>>) target(%dma_start3A_57 : memref<640x16xf32, #tpu.memory_space<hbm>>) target_semaphore(%run_scoped3A : memref<!tpu.dma_semaphore, #tpu.memory_space<semaphore_mem>>)
        %dma_wait3A = arith.constant 0 : i32
        %dma_wait3A_60 = tpu.memref_slice %arg4[%mul3A_56, %dma_wait3A] : memref<10240x16xf32, #tpu.memory_space<hbm>> -> memref<640x16xf32, #tpu.memory_space<hbm>>
        %dma_wait3A_61 = arith.constant 0 : i32
        %dma_wait3A_62 = tpu.memref_slice %arg8[%mul3A_54, %dma_wait3A_61] : memref<10240x16xf32, #tpu.memory_space<vmem_shared>> -> memref<640x16xf32, #tpu.memory_space<vmem_shared>>
        tpu.wait_dma2 semaphore(%run_scoped3A : memref<!tpu.dma_semaphore, #tpu.memory_space<semaphore_mem>>) src(%dma_wait3A_62 : memref<640x16xf32, #tpu.memory_space<vmem_shared>>) dst(%dma_wait3A_60 : memref<640x16xf32, #tpu.memory_space<hbm>>)
        tpu.yield
      }) : () -> ()
    } else {
    }
    return
  }
}

#map = affine_map<(d0, d1) -> (0, 0)>
module attributes {stable_mosaic.version = 14 : i64} {
  func.func @_sc_hop(%arg0: i32, %arg1: i32, %arg2: memref<10240x64xf32, #tpu.memory_space<hbm>>, %arg3: memref<5120x125xi32, #tpu.memory_space<hbm>>, %arg4: memref<10240x64xf32, #tpu.memory_space<hbm>>, %arg5: memref<10240x64xf32, #tpu.memory_space<hbm>>, %arg6: memref<80x125xi32, #tpu.memory_space<vmem>>, %arg7: memref<80x125xi32, #tpu.memory_space<vmem>>, %arg8: memref<4x125x64xf32, #tpu.memory_space<vmem>>, %arg9: memref<128x64xf32, #tpu.memory_space<vmem>>, %arg10: memref<10240x64xf32, #tpu.memory_space<vmem_shared>>, %arg11: memref<!tpu.dma_semaphore, #tpu.memory_space<semaphore_mem>>, %arg12: memref<!tpu.dma_semaphore, #tpu.memory_space<semaphore_mem>>, %arg13: memref<!tpu.dma_semaphore, #tpu.memory_space<semaphore_mem>>, %arg14: memref<!tpu.dma_semaphore, #tpu.memory_space<semaphore_mem>>, %arg15: memref<!tpu.dma_semaphore, #tpu.memory_space<semaphore_mem>>, %arg16: memref<!tpu.dma_semaphore, #tpu.memory_space<semaphore_mem>>, %arg17: memref<!tpu.dma_semaphore, #tpu.memory_space<semaphore_mem>>, %arg18: memref<!tpu.dma_semaphore, #tpu.memory_space<semaphore_mem>>) attributes {dimension_semantics = [#tpu.dimension_semantics<core_parallel>, #tpu.dimension_semantics<subcore_parallel>], iteration_bounds = array<i64: 2, 16>, scalar_prefetch = 0 : i64, scratch_operands = 13 : i64, tpu.core_type = #tpu.core_type<sc_vector_subcore>, window_params = [{transform_indices = #map}, {transform_indices = #map}, {transform_indices = #map}, {transform_indices = #map}]} {
    %mul3A = arith.constant 2 : i32
    %mul3A_0 = arith.muli %arg1, %mul3A : i32
    %add3A = arith.addi %mul3A_0, %arg0 : i32
    %broadcast_in_dim3A = arith.constant 0.000000e+00 : f32
    %broadcast_in_dim3A_1 = vector.broadcast %broadcast_in_dim3A : f32 to vector<16xf32>
    %scan3A = arith.constant 0 : i32
    %scan3A_2 = arith.constant 0 : i32
    %scan3A_3 = arith.constant 128 : i32
    %scan3A_4 = arith.addi %scan3A_2, %scan3A_3 : i32
    %scan3A_5 = arith.constant 1 : i32
    scf.for %scan3A_93 = %scan3A_2 to %scan3A_4 step %scan3A_5  : i32 {
      %swap3A = arith.index_cast %scan3A_93 : i32 to index
      %swap3A_94 = arith.constant 0 : index
      %swap3A_95 = tpu.vector_load %arg9[%swap3A, %swap3A_94] {strides = array<i32>} : memref<128x64xf32, #tpu.memory_space<vmem>>, vector<1x16xf32>,
      %swap3A_96 = vector.shape_cast %swap3A_95 : vector<1x16xf32> to vector<16xf32>
      %swap3A_97 = vector.shape_cast %broadcast_in_dim3A_1 : vector<16xf32> to vector<1x16xf32>
      tpu.vector_store %arg9[%swap3A, %swap3A_94], %swap3A_97 {strides = array<i32>} : memref<128x64xf32, #tpu.memory_space<vmem>>, vector<1x16xf32>,
      %swap3A_98 = arith.index_cast %scan3A_93 : i32 to index
      %swap3A_99 = arith.constant 16 : index
      %swap3A_100 = tpu.vector_load %arg9[%swap3A_98, %swap3A_99] {strides = array<i32>} : memref<128x64xf32, #tpu.memory_space<vmem>>, vector<1x16xf32>,
      %swap3A_101 = vector.shape_cast %swap3A_100 : vector<1x16xf32> to vector<16xf32>
      %swap3A_102 = vector.shape_cast %broadcast_in_dim3A_1 : vector<16xf32> to vector<1x16xf32>
      tpu.vector_store %arg9[%swap3A_98, %swap3A_99], %swap3A_102 {strides = array<i32>} : memref<128x64xf32, #tpu.memory_space<vmem>>, vector<1x16xf32>,
      %swap3A_103 = arith.index_cast %scan3A_93 : i32 to index
      %swap3A_104 = arith.constant 32 : index
      %swap3A_105 = tpu.vector_load %arg9[%swap3A_103, %swap3A_104] {strides = array<i32>} : memref<128x64xf32, #tpu.memory_space<vmem>>, vector<1x16xf32>,
      %swap3A_106 = vector.shape_cast %swap3A_105 : vector<1x16xf32> to vector<16xf32>
      %swap3A_107 = vector.shape_cast %broadcast_in_dim3A_1 : vector<16xf32> to vector<1x16xf32>
      tpu.vector_store %arg9[%swap3A_103, %swap3A_104], %swap3A_107 {strides = array<i32>} : memref<128x64xf32, #tpu.memory_space<vmem>>, vector<1x16xf32>,
      %swap3A_108 = arith.index_cast %scan3A_93 : i32 to index
      %swap3A_109 = arith.constant 48 : index
      %swap3A_110 = tpu.vector_load %arg9[%swap3A_108, %swap3A_109] {strides = array<i32>} : memref<128x64xf32, #tpu.memory_space<vmem>>, vector<1x16xf32>,
      %swap3A_111 = vector.shape_cast %swap3A_110 : vector<1x16xf32> to vector<16xf32>
      %swap3A_112 = vector.shape_cast %broadcast_in_dim3A_1 : vector<16xf32> to vector<1x16xf32>
      tpu.vector_store %arg9[%swap3A_108, %swap3A_109], %swap3A_112 {strides = array<i32>} : memref<128x64xf32, #tpu.memory_space<vmem>>, vector<1x16xf32>,
    }
    %scan3A_6 = arith.constant 128 : i32
    %mul3A_7 = arith.constant 640 : i32
    %mul3A_8 = arith.muli %arg1, %mul3A_7 : i32
    %add3A_9 = arith.constant 0 : i32
    %add3A_10 = arith.addi %mul3A_8, %add3A_9 : i32
    "tpu.region"() ({
      %run_scoped3A = tpu.sem_alloc : memref<!tpu.dma_semaphore, #tpu.memory_space<semaphore_mem>>
      %dma_start3A_93 = arith.constant 0 : i32
      %dma_start3A_94 = tpu.memref_slice %arg10[%add3A_10, %dma_start3A_93] : memref<10240x64xf32, #tpu.memory_space<vmem_shared>> -> memref<128x64xf32, #tpu.memory_space<vmem_shared>>
      %dma_start3A_95 = arith.constant 0 : i32
      %dma_start3A_96 = tpu.memref_slice %arg10[%add3A_10, %dma_start3A_95] : memref<10240x64xf32, #tpu.memory_space<vmem_shared>> -> memref<128x64xf32, #tpu.memory_space<vmem_shared>>
      tpu.enqueue_dma source(%arg9 : memref<128x64xf32, #tpu.memory_space<vmem>>) target(%dma_start3A_96 : memref<128x64xf32, #tpu.memory_space<vmem_shared>>) target_semaphore(%run_scoped3A : memref<!tpu.dma_semaphore, #tpu.memory_space<semaphore_mem>>)
      %dma_wait3A_97 = arith.constant 0 : i32
      %dma_wait3A_98 = tpu.memref_slice %arg10[%add3A_10, %dma_wait3A_97] : memref<10240x64xf32, #tpu.memory_space<vmem_shared>> -> memref<128x64xf32, #tpu.memory_space<vmem_shared>>
      %dma_wait3A_99 = arith.constant 0 : i32
      %dma_wait3A_100 = tpu.memref_slice %arg10[%add3A_10, %dma_wait3A_99] : memref<10240x64xf32, #tpu.memory_space<vmem_shared>> -> memref<128x64xf32, #tpu.memory_space<vmem_shared>>
      tpu.wait_dma2 semaphore(%run_scoped3A : memref<!tpu.dma_semaphore, #tpu.memory_space<semaphore_mem>>) src(%arg9 : memref<128x64xf32, #tpu.memory_space<vmem>>) dst(%dma_wait3A_100 : memref<128x64xf32, #tpu.memory_space<vmem_shared>>)
      tpu.yield
    }) : () -> ()
    %mul3A_11 = arith.constant 640 : i32
    %mul3A_12 = arith.muli %arg1, %mul3A_11 : i32
    %add3A_13 = arith.constant 128 : i32
    %add3A_14 = arith.addi %mul3A_12, %add3A_13 : i32
    "tpu.region"() ({
      %run_scoped3A = tpu.sem_alloc : memref<!tpu.dma_semaphore, #tpu.memory_space<semaphore_mem>>
      %dma_start3A_93 = arith.constant 0 : i32
      %dma_start3A_94 = tpu.memref_slice %arg10[%add3A_14, %dma_start3A_93] : memref<10240x64xf32, #tpu.memory_space<vmem_shared>> -> memref<128x64xf32, #tpu.memory_space<vmem_shared>>
      %dma_start3A_95 = arith.constant 0 : i32
      %dma_start3A_96 = tpu.memref_slice %arg10[%add3A_14, %dma_start3A_95] : memref<10240x64xf32, #tpu.memory_space<vmem_shared>> -> memref<128x64xf32, #tpu.memory_space<vmem_shared>>
      tpu.enqueue_dma source(%arg9 : memref<128x64xf32, #tpu.memory_space<vmem>>) target(%dma_start3A_96 : memref<128x64xf32, #tpu.memory_space<vmem_shared>>) target_semaphore(%run_scoped3A : memref<!tpu.dma_semaphore, #tpu.memory_space<semaphore_mem>>)
      %dma_wait3A_97 = arith.constant 0 : i32
      %dma_wait3A_98 = tpu.memref_slice %arg10[%add3A_14, %dma_wait3A_97] : memref<10240x64xf32, #tpu.memory_space<vmem_shared>> -> memref<128x64xf32, #tpu.memory_space<vmem_shared>>
      %dma_wait3A_99 = arith.constant 0 : i32
      %dma_wait3A_100 = tpu.memref_slice %arg10[%add3A_14, %dma_wait3A_99] : memref<10240x64xf32, #tpu.memory_space<vmem_shared>> -> memref<128x64xf32, #tpu.memory_space<vmem_shared>>
      tpu.wait_dma2 semaphore(%run_scoped3A : memref<!tpu.dma_semaphore, #tpu.memory_space<semaphore_mem>>) src(%arg9 : memref<128x64xf32, #tpu.memory_space<vmem>>) dst(%dma_wait3A_100 : memref<128x64xf32, #tpu.memory_space<vmem_shared>>)
      tpu.yield
    }) : () -> ()
    %mul3A_15 = arith.constant 640 : i32
    %mul3A_16 = arith.muli %arg1, %mul3A_15 : i32
    %add3A_17 = arith.constant 256 : i32
    %add3A_18 = arith.addi %mul3A_16, %add3A_17 : i32
    "tpu.region"() ({
      %run_scoped3A = tpu.sem_alloc : memref<!tpu.dma_semaphore, #tpu.memory_space<semaphore_mem>>
      %dma_start3A_93 = arith.constant 0 : i32
      %dma_start3A_94 = tpu.memref_slice %arg10[%add3A_18, %dma_start3A_93] : memref<10240x64xf32, #tpu.memory_space<vmem_shared>> -> memref<128x64xf32, #tpu.memory_space<vmem_shared>>
      %dma_start3A_95 = arith.constant 0 : i32
      %dma_start3A_96 = tpu.memref_slice %arg10[%add3A_18, %dma_start3A_95] : memref<10240x64xf32, #tpu.memory_space<vmem_shared>> -> memref<128x64xf32, #tpu.memory_space<vmem_shared>>
      tpu.enqueue_dma source(%arg9 : memref<128x64xf32, #tpu.memory_space<vmem>>) target(%dma_start3A_96 : memref<128x64xf32, #tpu.memory_space<vmem_shared>>) target_semaphore(%run_scoped3A : memref<!tpu.dma_semaphore, #tpu.memory_space<semaphore_mem>>)
      %dma_wait3A_97 = arith.constant 0 : i32
      %dma_wait3A_98 = tpu.memref_slice %arg10[%add3A_18, %dma_wait3A_97] : memref<10240x64xf32, #tpu.memory_space<vmem_shared>> -> memref<128x64xf32, #tpu.memory_space<vmem_shared>>
      %dma_wait3A_99 = arith.constant 0 : i32
      %dma_wait3A_100 = tpu.memref_slice %arg10[%add3A_18, %dma_wait3A_99] : memref<10240x64xf32, #tpu.memory_space<vmem_shared>> -> memref<128x64xf32, #tpu.memory_space<vmem_shared>>
      tpu.wait_dma2 semaphore(%run_scoped3A : memref<!tpu.dma_semaphore, #tpu.memory_space<semaphore_mem>>) src(%arg9 : memref<128x64xf32, #tpu.memory_space<vmem>>) dst(%dma_wait3A_100 : memref<128x64xf32, #tpu.memory_space<vmem_shared>>)
      tpu.yield
    }) : () -> ()
    %mul3A_19 = arith.constant 640 : i32
    %mul3A_20 = arith.muli %arg1, %mul3A_19 : i32
    %add3A_21 = arith.constant 384 : i32
    %add3A_22 = arith.addi %mul3A_20, %add3A_21 : i32
    "tpu.region"() ({
      %run_scoped3A = tpu.sem_alloc : memref<!tpu.dma_semaphore, #tpu.memory_space<semaphore_mem>>
      %dma_start3A_93 = arith.constant 0 : i32
      %dma_start3A_94 = tpu.memref_slice %arg10[%add3A_22, %dma_start3A_93] : memref<10240x64xf32, #tpu.memory_space<vmem_shared>> -> memref<128x64xf32, #tpu.memory_space<vmem_shared>>
      %dma_start3A_95 = arith.constant 0 : i32
      %dma_start3A_96 = tpu.memref_slice %arg10[%add3A_22, %dma_start3A_95] : memref<10240x64xf32, #tpu.memory_space<vmem_shared>> -> memref<128x64xf32, #tpu.memory_space<vmem_shared>>
      tpu.enqueue_dma source(%arg9 : memref<128x64xf32, #tpu.memory_space<vmem>>) target(%dma_start3A_96 : memref<128x64xf32, #tpu.memory_space<vmem_shared>>) target_semaphore(%run_scoped3A : memref<!tpu.dma_semaphore, #tpu.memory_space<semaphore_mem>>)
      %dma_wait3A_97 = arith.constant 0 : i32
      %dma_wait3A_98 = tpu.memref_slice %arg10[%add3A_22, %dma_wait3A_97] : memref<10240x64xf32, #tpu.memory_space<vmem_shared>> -> memref<128x64xf32, #tpu.memory_space<vmem_shared>>
      %dma_wait3A_99 = arith.constant 0 : i32
      %dma_wait3A_100 = tpu.memref_slice %arg10[%add3A_22, %dma_wait3A_99] : memref<10240x64xf32, #tpu.memory_space<vmem_shared>> -> memref<128x64xf32, #tpu.memory_space<vmem_shared>>
      tpu.wait_dma2 semaphore(%run_scoped3A : memref<!tpu.dma_semaphore, #tpu.memory_space<semaphore_mem>>) src(%arg9 : memref<128x64xf32, #tpu.memory_space<vmem>>) dst(%dma_wait3A_100 : memref<128x64xf32, #tpu.memory_space<vmem_shared>>)
      tpu.yield
    }) : () -> ()
    %mul3A_23 = arith.constant 640 : i32
    %mul3A_24 = arith.muli %arg1, %mul3A_23 : i32
    %add3A_25 = arith.constant 512 : i32
    %add3A_26 = arith.addi %mul3A_24, %add3A_25 : i32
    "tpu.region"() ({
      %run_scoped3A = tpu.sem_alloc : memref<!tpu.dma_semaphore, #tpu.memory_space<semaphore_mem>>
      %dma_start3A_93 = arith.constant 0 : i32
      %dma_start3A_94 = tpu.memref_slice %arg10[%add3A_26, %dma_start3A_93] : memref<10240x64xf32, #tpu.memory_space<vmem_shared>> -> memref<128x64xf32, #tpu.memory_space<vmem_shared>>
      %dma_start3A_95 = arith.constant 0 : i32
      %dma_start3A_96 = tpu.memref_slice %arg10[%add3A_26, %dma_start3A_95] : memref<10240x64xf32, #tpu.memory_space<vmem_shared>> -> memref<128x64xf32, #tpu.memory_space<vmem_shared>>
      tpu.enqueue_dma source(%arg9 : memref<128x64xf32, #tpu.memory_space<vmem>>) target(%dma_start3A_96 : memref<128x64xf32, #tpu.memory_space<vmem_shared>>) target_semaphore(%run_scoped3A : memref<!tpu.dma_semaphore, #tpu.memory_space<semaphore_mem>>)
      %dma_wait3A_97 = arith.constant 0 : i32
      %dma_wait3A_98 = tpu.memref_slice %arg10[%add3A_26, %dma_wait3A_97] : memref<10240x64xf32, #tpu.memory_space<vmem_shared>> -> memref<128x64xf32, #tpu.memory_space<vmem_shared>>
      %dma_wait3A_99 = arith.constant 0 : i32
      %dma_wait3A_100 = tpu.memref_slice %arg10[%add3A_26, %dma_wait3A_99] : memref<10240x64xf32, #tpu.memory_space<vmem_shared>> -> memref<128x64xf32, #tpu.memory_space<vmem_shared>>
      tpu.wait_dma2 semaphore(%run_scoped3A : memref<!tpu.dma_semaphore, #tpu.memory_space<semaphore_mem>>) src(%arg9 : memref<128x64xf32, #tpu.memory_space<vmem>>) dst(%dma_wait3A_100 : memref<128x64xf32, #tpu.memory_space<vmem_shared>>)
      tpu.yield
    }) : () -> ()
    %mul3A_27 = arith.constant 80 : i32
    %mul3A_28 = arith.muli %add3A, %mul3A_27 : i32
    "tpu.region"() ({
      %run_scoped3A = tpu.sem_alloc : memref<!tpu.dma_semaphore, #tpu.memory_space<semaphore_mem>>
      %dma_start3A_93 = arith.constant 0 : i32
      %dma_start3A_94 = tpu.memref_slice %arg3[%mul3A_28, %dma_start3A_93] : memref<5120x125xi32, #tpu.memory_space<hbm>> -> memref<80x125xi32, #tpu.memory_space<hbm>>
      %dma_start3A_95 = arith.constant 0 : i32
      %dma_start3A_96 = tpu.memref_slice %arg3[%mul3A_28, %dma_start3A_95] : memref<5120x125xi32, #tpu.memory_space<hbm>> -> memref<80x125xi32, #tpu.memory_space<hbm>>
      tpu.enqueue_dma source(%dma_start3A_96 : memref<80x125xi32, #tpu.memory_space<hbm>>) target(%arg6 : memref<80x125xi32, #tpu.memory_space<vmem>>) target_semaphore(%run_scoped3A : memref<!tpu.dma_semaphore, #tpu.memory_space<semaphore_mem>>)
      %dma_wait3A_97 = arith.constant 0 : i32
      %dma_wait3A_98 = tpu.memref_slice %arg3[%mul3A_28, %dma_wait3A_97] : memref<5120x125xi32, #tpu.memory_space<hbm>> -> memref<80x125xi32, #tpu.memory_space<hbm>>
      %dma_wait3A_99 = arith.constant 0 : i32
      %dma_wait3A_100 = tpu.memref_slice %arg3[%mul3A_28, %dma_wait3A_99] : memref<5120x125xi32, #tpu.memory_space<hbm>> -> memref<80x125xi32, #tpu.memory_space<hbm>>
      tpu.wait_dma2 semaphore(%run_scoped3A : memref<!tpu.dma_semaphore, #tpu.memory_space<semaphore_mem>>) src(%dma_wait3A_100 : memref<80x125xi32, #tpu.memory_space<hbm>>) dst(%arg6 : memref<80x125xi32, #tpu.memory_space<vmem>>)
      tpu.yield
    }) : () -> ()
    %mul3A_29 = arith.constant 80 : i32
    %mul3A_30 = arith.muli %add3A, %mul3A_29 : i32
    %add3A_31 = arith.constant 2560 : i32
    %add3A_32 = arith.addi %add3A_31, %mul3A_30 : i32
    "tpu.region"() ({
      %run_scoped3A = tpu.sem_alloc : memref<!tpu.dma_semaphore, #tpu.memory_space<semaphore_mem>>
      %dma_start3A_93 = arith.constant 0 : i32
      %dma_start3A_94 = tpu.memref_slice %arg3[%add3A_32, %dma_start3A_93] : memref<5120x125xi32, #tpu.memory_space<hbm>> -> memref<80x125xi32, #tpu.memory_space<hbm>>
      %dma_start3A_95 = arith.constant 0 : i32
      %dma_start3A_96 = tpu.memref_slice %arg3[%add3A_32, %dma_start3A_95] : memref<5120x125xi32, #tpu.memory_space<hbm>> -> memref<80x125xi32, #tpu.memory_space<hbm>>
      tpu.enqueue_dma source(%dma_start3A_96 : memref<80x125xi32, #tpu.memory_space<hbm>>) target(%arg7 : memref<80x125xi32, #tpu.memory_space<vmem>>) target_semaphore(%run_scoped3A : memref<!tpu.dma_semaphore, #tpu.memory_space<semaphore_mem>>)
      %dma_wait3A_97 = arith.constant 0 : i32
      %dma_wait3A_98 = tpu.memref_slice %arg3[%add3A_32, %dma_wait3A_97] : memref<5120x125xi32, #tpu.memory_space<hbm>> -> memref<80x125xi32, #tpu.memory_space<hbm>>
      %dma_wait3A_99 = arith.constant 0 : i32
      %dma_wait3A_100 = tpu.memref_slice %arg3[%add3A_32, %dma_wait3A_99] : memref<5120x125xi32, #tpu.memory_space<hbm>> -> memref<80x125xi32, #tpu.memory_space<hbm>>
      tpu.wait_dma2 semaphore(%run_scoped3A : memref<!tpu.dma_semaphore, #tpu.memory_space<semaphore_mem>>) src(%dma_wait3A_100 : memref<80x125xi32, #tpu.memory_space<hbm>>) dst(%arg7 : memref<80x125xi32, #tpu.memory_space<vmem>>)
      tpu.yield
    }) : () -> ()
    %barrier3A = arith.constant 0 : index
    tpu.barrier barrier_id(%barrier3A)
    %dma_start3A = arith.constant 0 : i32
    %dma_start3A_33 = arith.constant 0 : i32
    %dma_start3A_34 = arith.constant 0 : i32
    %dma_start3A_35 = arith.constant 0 : i32
    %dma_start3A_36 = tpu.memref_slice %arg8[%dma_start3A_33, %dma_start3A_34, %dma_start3A_35] : memref<4x125x64xf32, #tpu.memory_space<vmem>> -> memref<1x125x64xf32, #tpu.memory_space<vmem>>
    %dma_start3A_37 = tpu.memref_squeeze %dma_start3A_36 : memref<1x125x64xf32, #tpu.memory_space<vmem>> -> memref<125x64xf32, #tpu.memory_space<vmem>>
    %dma_start3A_38 = arith.constant 0 : i32
    %dma_start3A_39 = tpu.memref_slice %arg6[%dma_start3A, %dma_start3A_38] : memref<80x125xi32, #tpu.memory_space<vmem>> -> memref<1x125xi32, #tpu.memory_space<vmem>>
    %dma_start3A_40 = tpu.memref_squeeze %dma_start3A_39 : memref<1x125xi32, #tpu.memory_space<vmem>> -> memref<125xi32, #tpu.memory_space<vmem>>
    %dma_start3A_41 = arith.constant 0 : i32
    %dma_start3A_42 = arith.constant 0 : i32
    %dma_start3A_43 = tpu.memref_slice %arg2[%dma_start3A_41, %dma_start3A_42] : memref<10240x64xf32, #tpu.memory_space<hbm>> -> memref<10240x64xf32, #tpu.memory_space<hbm>>
    tpu.enqueue_indirect_dma source(%dma_start3A_43 : memref<10240x64xf32, #tpu.memory_space<hbm>>) target(%dma_start3A_37 : memref<125x64xf32, #tpu.memory_space<vmem>>) offsets(%dma_start3A_40 : memref<125xi32, #tpu.memory_space<vmem>>) semaphore(%arg11 : memref<!tpu.dma_semaphore, #tpu.memory_space<semaphore_mem>>)
    %dma_start3A_44 = arith.constant 1 : i32
    %dma_start3A_45 = arith.constant 1 : i32
    %dma_start3A_46 = arith.constant 0 : i32
    %dma_start3A_47 = arith.constant 0 : i32
    %dma_start3A_48 = tpu.memref_slice %arg8[%dma_start3A_45, %dma_start3A_46, %dma_start3A_47] : memref<4x125x64xf32, #tpu.memory_space<vmem>> -> memref<1x125x64xf32, #tpu.memory_space<vmem>>
    %dma_start3A_49 = tpu.memref_squeeze %dma_start3A_48 : memref<1x125x64xf32, #tpu.memory_space<vmem>> -> memref<125x64xf32, #tpu.memory_space<vmem>>
    %dma_start3A_50 = arith.constant 0 : i32
    %dma_start3A_51 = tpu.memref_slice %arg6[%dma_start3A_44, %dma_start3A_50] : memref<80x125xi32, #tpu.memory_space<vmem>> -> memref<1x125xi32, #tpu.memory_space<vmem>>
    %dma_start3A_52 = tpu.memref_squeeze %dma_start3A_51 : memref<1x125xi32, #tpu.memory_space<vmem>> -> memref<125xi32, #tpu.memory_space<vmem>>
    %dma_start3A_53 = arith.constant 0 : i32
    %dma_start3A_54 = arith.constant 0 : i32
    %dma_start3A_55 = tpu.memref_slice %arg2[%dma_start3A_53, %dma_start3A_54] : memref<10240x64xf32, #tpu.memory_space<hbm>> -> memref<10240x64xf32, #tpu.memory_space<hbm>>
    tpu.enqueue_indirect_dma source(%dma_start3A_55 : memref<10240x64xf32, #tpu.memory_space<hbm>>) target(%dma_start3A_49 : memref<125x64xf32, #tpu.memory_space<vmem>>) offsets(%dma_start3A_52 : memref<125xi32, #tpu.memory_space<vmem>>) semaphore(%arg12 : memref<!tpu.dma_semaphore, #tpu.memory_space<semaphore_mem>>)
    %scan3A_56 = arith.constant 0 : i32
    %scan3A_57 = arith.constant 0 : i32
    %scan3A_58 = arith.constant 20 : i32
    %scan3A_59 = arith.addi %scan3A_57, %scan3A_58 : i32
    %scan3A_60 = arith.constant 1 : i32
    scf.for %scan3A_93 = %scan3A_57 to %scan3A_59 step %scan3A_60  : i32 {
      %mul3A_94 = arith.constant 4 : i32
      %mul3A_95 = arith.muli %scan3A_93, %mul3A_94 : i32
      %add3A_96 = arith.constant 0 : i32
      %add3A_97 = arith.addi %mul3A_95, %add3A_96 : i32
      %dma_wait3A_98 = arith.constant 0 : i32
      %dma_wait3A_99 = arith.constant 0 : i32
      %dma_wait3A_100 = arith.constant 0 : i32
      %dma_wait3A_101 = tpu.memref_slice %arg8[%dma_wait3A_98, %dma_wait3A_99, %dma_wait3A_100] : memref<4x125x64xf32, #tpu.memory_space<vmem>> -> memref<1x125x64xf32, #tpu.memory_space<vmem>>
      %dma_wait3A_102 = tpu.memref_squeeze %dma_wait3A_101 : memref<1x125x64xf32, #tpu.memory_space<vmem>> -> memref<125x64xf32, #tpu.memory_space<vmem>>
      %dma_wait3A_103 = arith.constant 0 : i32
      %dma_wait3A_104 = tpu.memref_slice %arg6[%add3A_97, %dma_wait3A_103] : memref<80x125xi32, #tpu.memory_space<vmem>> -> memref<1x125xi32, #tpu.memory_space<vmem>>
      %dma_wait3A_105 = tpu.memref_squeeze %dma_wait3A_104 : memref<1x125xi32, #tpu.memory_space<vmem>> -> memref<125xi32, #tpu.memory_space<vmem>>
      %dma_wait3A_106 = arith.constant 0 : i32
      %dma_wait3A_107 = arith.constant 0 : i32
      %dma_wait3A_108 = tpu.memref_slice %arg2[%dma_wait3A_106, %dma_wait3A_107] : memref<10240x64xf32, #tpu.memory_space<hbm>> -> memref<10240x64xf32, #tpu.memory_space<hbm>>
      tpu.wait_indirect_dma semaphore(%arg11 : memref<!tpu.dma_semaphore, #tpu.memory_space<semaphore_mem>>) src(%dma_wait3A_108 : memref<10240x64xf32, #tpu.memory_space<hbm>>) dst(%dma_wait3A_102 : memref<125x64xf32, #tpu.memory_space<vmem>>)
      %dma_start3A_109 = arith.constant 0 : i32
      %dma_start3A_110 = arith.constant 0 : i32
      %dma_start3A_111 = arith.constant 0 : i32
      %dma_start3A_112 = tpu.memref_slice %arg8[%dma_start3A_109, %dma_start3A_110, %dma_start3A_111] : memref<4x125x64xf32, #tpu.memory_space<vmem>> -> memref<1x125x64xf32, #tpu.memory_space<vmem>>
      %dma_start3A_113 = tpu.memref_squeeze %dma_start3A_112 : memref<1x125x64xf32, #tpu.memory_space<vmem>> -> memref<125x64xf32, #tpu.memory_space<vmem>>
      %dma_start3A_114 = arith.constant 0 : i32
      %dma_start3A_115 = tpu.memref_slice %arg7[%add3A_97, %dma_start3A_114] : memref<80x125xi32, #tpu.memory_space<vmem>> -> memref<1x125xi32, #tpu.memory_space<vmem>>
      %dma_start3A_116 = tpu.memref_squeeze %dma_start3A_115 : memref<1x125xi32, #tpu.memory_space<vmem>> -> memref<125xi32, #tpu.memory_space<vmem>>
      %dma_start3A_117 = arith.constant 0 : i32
      %dma_start3A_118 = arith.constant 0 : i32
      %dma_start3A_119 = tpu.memref_slice %arg10[%dma_start3A_117, %dma_start3A_118] : memref<10240x64xf32, #tpu.memory_space<vmem_shared>> -> memref<10240x64xf32, #tpu.memory_space<vmem_shared>>
      tpu.enqueue_indirect_dma source(%dma_start3A_113 : memref<125x64xf32, #tpu.memory_space<vmem>>) target(%dma_start3A_119 : memref<10240x64xf32, #tpu.memory_space<vmem_shared>>) offsets(%dma_start3A_116 : memref<125xi32, #tpu.memory_space<vmem>>) semaphore(%arg15 : memref<!tpu.dma_semaphore, #tpu.memory_space<semaphore_mem>>) {add = true}
      %ge3A = arith.constant 2 : i32
      %ge3A_120 = arith.cmpi sge, %add3A_97, %ge3A : i32
      %convert_element_type3A_121 = arith.extui %ge3A_120 : i1 to i32
      %cond3A_122 = arith.constant 0 : i32
      %cond3A_123 = arith.cmpi ne, %convert_element_type3A_121, %cond3A_122 : i32
      scf.if %cond3A_123 {
        %sub3A = arith.constant 2 : i32
        %sub3A_244 = arith.subi %add3A_97, %sub3A : i32
        %dma_wait3A_245 = arith.constant 2 : i32
        %dma_wait3A_246 = arith.constant 0 : i32
        %dma_wait3A_247 = arith.constant 0 : i32
        %dma_wait3A_248 = tpu.memref_slice %arg8[%dma_wait3A_245, %dma_wait3A_246, %dma_wait3A_247] : memref<4x125x64xf32, #tpu.memory_space<vmem>> -> memref<1x125x64xf32, #tpu.memory_space<vmem>>
        %dma_wait3A_249 = tpu.memref_squeeze %dma_wait3A_248 : memref<1x125x64xf32, #tpu.memory_space<vmem>> -> memref<125x64xf32, #tpu.memory_space<vmem>>
        %dma_wait3A_250 = arith.constant 0 : i32
        %dma_wait3A_251 = tpu.memref_slice %arg7[%sub3A_244, %dma_wait3A_250] : memref<80x125xi32, #tpu.memory_space<vmem>> -> memref<1x125xi32, #tpu.memory_space<vmem>>
        %dma_wait3A_252 = tpu.memref_squeeze %dma_wait3A_251 : memref<1x125xi32, #tpu.memory_space<vmem>> -> memref<125xi32, #tpu.memory_space<vmem>>
        %dma_wait3A_253 = arith.constant 0 : i32
        %dma_wait3A_254 = arith.constant 0 : i32
        %dma_wait3A_255 = tpu.memref_slice %arg10[%dma_wait3A_253, %dma_wait3A_254] : memref<10240x64xf32, #tpu.memory_space<vmem_shared>> -> memref<10240x64xf32, #tpu.memory_space<vmem_shared>>
        tpu.wait_indirect_dma semaphore(%arg17 : memref<!tpu.dma_semaphore, #tpu.memory_space<semaphore_mem>>) src(%dma_wait3A_249 : memref<125x64xf32, #tpu.memory_space<vmem>>) dst(%dma_wait3A_255 : memref<10240x64xf32, #tpu.memory_space<vmem_shared>>)
      } else {
      }
      %add3A_124 = arith.constant 2 : i32
      %add3A_125 = arith.addi %add3A_97, %add3A_124 : i32
      %lt3A = arith.constant 80 : i32
      %lt3A_126 = arith.cmpi slt, %add3A_125, %lt3A : i32
      %convert_element_type3A_127 = arith.extui %lt3A_126 : i1 to i32
      %cond3A_128 = arith.constant 0 : i32
      %cond3A_129 = arith.cmpi ne, %convert_element_type3A_127, %cond3A_128 : i32
      scf.if %cond3A_129 {
        %add3A_244 = arith.constant 2 : i32
        %add3A_245 = arith.addi %add3A_97, %add3A_244 : i32
        %dma_start3A_246 = arith.constant 2 : i32
        %dma_start3A_247 = arith.constant 0 : i32
        %dma_start3A_248 = arith.constant 0 : i32
        %dma_start3A_249 = tpu.memref_slice %arg8[%dma_start3A_246, %dma_start3A_247, %dma_start3A_248] : memref<4x125x64xf32, #tpu.memory_space<vmem>> -> memref<1x125x64xf32, #tpu.memory_space<vmem>>
        %dma_start3A_250 = tpu.memref_squeeze %dma_start3A_249 : memref<1x125x64xf32, #tpu.memory_space<vmem>> -> memref<125x64xf32, #tpu.memory_space<vmem>>
        %dma_start3A_251 = arith.constant 0 : i32
        %dma_start3A_252 = tpu.memref_slice %arg6[%add3A_245, %dma_start3A_251] : memref<80x125xi32, #tpu.memory_space<vmem>> -> memref<1x125xi32, #tpu.memory_space<vmem>>
        %dma_start3A_253 = tpu.memref_squeeze %dma_start3A_252 : memref<1x125xi32, #tpu.memory_space<vmem>> -> memref<125xi32, #tpu.memory_space<vmem>>
        %dma_start3A_254 = arith.constant 0 : i32
        %dma_start3A_255 = arith.constant 0 : i32
        %dma_start3A_256 = tpu.memref_slice %arg2[%dma_start3A_254, %dma_start3A_255] : memref<10240x64xf32, #tpu.memory_space<hbm>> -> memref<10240x64xf32, #tpu.memory_space<hbm>>
        tpu.enqueue_indirect_dma source(%dma_start3A_256 : memref<10240x64xf32, #tpu.memory_space<hbm>>) target(%dma_start3A_250 : memref<125x64xf32, #tpu.memory_space<vmem>>) offsets(%dma_start3A_253 : memref<125xi32, #tpu.memory_space<vmem>>) semaphore(%arg13 : memref<!tpu.dma_semaphore, #tpu.memory_space<semaphore_mem>>)
      } else {
      }
      %mul3A_130 = arith.constant 4 : i32
      %mul3A_131 = arith.muli %scan3A_93, %mul3A_130 : i32
      %add3A_132 = arith.constant 1 : i32
      %add3A_133 = arith.addi %mul3A_131, %add3A_132 : i32
      %dma_wait3A_134 = arith.constant 1 : i32
      %dma_wait3A_135 = arith.constant 0 : i32
      %dma_wait3A_136 = arith.constant 0 : i32
      %dma_wait3A_137 = tpu.memref_slice %arg8[%dma_wait3A_134, %dma_wait3A_135, %dma_wait3A_136] : memref<4x125x64xf32, #tpu.memory_space<vmem>> -> memref<1x125x64xf32, #tpu.memory_space<vmem>>
      %dma_wait3A_138 = tpu.memref_squeeze %dma_wait3A_137 : memref<1x125x64xf32, #tpu.memory_space<vmem>> -> memref<125x64xf32, #tpu.memory_space<vmem>>
      %dma_wait3A_139 = arith.constant 0 : i32
      %dma_wait3A_140 = tpu.memref_slice %arg6[%add3A_133, %dma_wait3A_139] : memref<80x125xi32, #tpu.memory_space<vmem>> -> memref<1x125xi32, #tpu.memory_space<vmem>>
      %dma_wait3A_141 = tpu.memref_squeeze %dma_wait3A_140 : memref<1x125xi32, #tpu.memory_space<vmem>> -> memref<125xi32, #tpu.memory_space<vmem>>
      %dma_wait3A_142 = arith.constant 0 : i32
      %dma_wait3A_143 = arith.constant 0 : i32
      %dma_wait3A_144 = tpu.memref_slice %arg2[%dma_wait3A_142, %dma_wait3A_143] : memref<10240x64xf32, #tpu.memory_space<hbm>> -> memref<10240x64xf32, #tpu.memory_space<hbm>>
      tpu.wait_indirect_dma semaphore(%arg12 : memref<!tpu.dma_semaphore, #tpu.memory_space<semaphore_mem>>) src(%dma_wait3A_144 : memref<10240x64xf32, #tpu.memory_space<hbm>>) dst(%dma_wait3A_138 : memref<125x64xf32, #tpu.memory_space<vmem>>)
      %dma_start3A_145 = arith.constant 1 : i32
      %dma_start3A_146 = arith.constant 0 : i32
      %dma_start3A_147 = arith.constant 0 : i32
      %dma_start3A_148 = tpu.memref_slice %arg8[%dma_start3A_145, %dma_start3A_146, %dma_start3A_147] : memref<4x125x64xf32, #tpu.memory_space<vmem>> -> memref<1x125x64xf32, #tpu.memory_space<vmem>>
      %dma_start3A_149 = tpu.memref_squeeze %dma_start3A_148 : memref<1x125x64xf32, #tpu.memory_space<vmem>> -> memref<125x64xf32, #tpu.memory_space<vmem>>
      %dma_start3A_150 = arith.constant 0 : i32
      %dma_start3A_151 = tpu.memref_slice %arg7[%add3A_133, %dma_start3A_150] : memref<80x125xi32, #tpu.memory_space<vmem>> -> memref<1x125xi32, #tpu.memory_space<vmem>>
      %dma_start3A_152 = tpu.memref_squeeze %dma_start3A_151 : memref<1x125xi32, #tpu.memory_space<vmem>> -> memref<125xi32, #tpu.memory_space<vmem>>
      %dma_start3A_153 = arith.constant 0 : i32
      %dma_start3A_154 = arith.constant 0 : i32
      %dma_start3A_155 = tpu.memref_slice %arg10[%dma_start3A_153, %dma_start3A_154] : memref<10240x64xf32, #tpu.memory_space<vmem_shared>> -> memref<10240x64xf32, #tpu.memory_space<vmem_shared>>
      tpu.enqueue_indirect_dma source(%dma_start3A_149 : memref<125x64xf32, #tpu.memory_space<vmem>>) target(%dma_start3A_155 : memref<10240x64xf32, #tpu.memory_space<vmem_shared>>) offsets(%dma_start3A_152 : memref<125xi32, #tpu.memory_space<vmem>>) semaphore(%arg16 : memref<!tpu.dma_semaphore, #tpu.memory_space<semaphore_mem>>) {add = true}
      %ge3A_156 = arith.constant 2 : i32
      %ge3A_157 = arith.cmpi sge, %add3A_133, %ge3A_156 : i32
      %convert_element_type3A_158 = arith.extui %ge3A_157 : i1 to i32
      %cond3A_159 = arith.constant 0 : i32
      %cond3A_160 = arith.cmpi ne, %convert_element_type3A_158, %cond3A_159 : i32
      scf.if %cond3A_160 {
        %sub3A = arith.constant 2 : i32
        %sub3A_244 = arith.subi %add3A_133, %sub3A : i32
        %dma_wait3A_245 = arith.constant 3 : i32
        %dma_wait3A_246 = arith.constant 0 : i32
        %dma_wait3A_247 = arith.constant 0 : i32
        %dma_wait3A_248 = tpu.memref_slice %arg8[%dma_wait3A_245, %dma_wait3A_246, %dma_wait3A_247] : memref<4x125x64xf32, #tpu.memory_space<vmem>> -> memref<1x125x64xf32, #tpu.memory_space<vmem>>
        %dma_wait3A_249 = tpu.memref_squeeze %dma_wait3A_248 : memref<1x125x64xf32, #tpu.memory_space<vmem>> -> memref<125x64xf32, #tpu.memory_space<vmem>>
        %dma_wait3A_250 = arith.constant 0 : i32
        %dma_wait3A_251 = tpu.memref_slice %arg7[%sub3A_244, %dma_wait3A_250] : memref<80x125xi32, #tpu.memory_space<vmem>> -> memref<1x125xi32, #tpu.memory_space<vmem>>
        %dma_wait3A_252 = tpu.memref_squeeze %dma_wait3A_251 : memref<1x125xi32, #tpu.memory_space<vmem>> -> memref<125xi32, #tpu.memory_space<vmem>>
        %dma_wait3A_253 = arith.constant 0 : i32
        %dma_wait3A_254 = arith.constant 0 : i32
        %dma_wait3A_255 = tpu.memref_slice %arg10[%dma_wait3A_253, %dma_wait3A_254] : memref<10240x64xf32, #tpu.memory_space<vmem_shared>> -> memref<10240x64xf32, #tpu.memory_space<vmem_shared>>
        tpu.wait_indirect_dma semaphore(%arg18 : memref<!tpu.dma_semaphore, #tpu.memory_space<semaphore_mem>>) src(%dma_wait3A_249 : memref<125x64xf32, #tpu.memory_space<vmem>>) dst(%dma_wait3A_255 : memref<10240x64xf32, #tpu.memory_space<vmem_shared>>)
      } else {
      }
      %add3A_161 = arith.constant 2 : i32
      %add3A_162 = arith.addi %add3A_133, %add3A_161 : i32
      %lt3A_163 = arith.constant 80 : i32
      %lt3A_164 = arith.cmpi slt, %add3A_162, %lt3A_163 : i32
      %convert_element_type3A_165 = arith.extui %lt3A_164 : i1 to i32
      %cond3A_166 = arith.constant 0 : i32
      %cond3A_167 = arith.cmpi ne, %convert_element_type3A_165, %cond3A_166 : i32
      scf.if %cond3A_167 {
        %add3A_244 = arith.constant 2 : i32
        %add3A_245 = arith.addi %add3A_133, %add3A_244 : i32
        %dma_start3A_246 = arith.constant 3 : i32
        %dma_start3A_247 = arith.constant 0 : i32
        %dma_start3A_248 = arith.constant 0 : i32
        %dma_start3A_249 = tpu.memref_slice %arg8[%dma_start3A_246, %dma_start3A_247, %dma_start3A_248] : memref<4x125x64xf32, #tpu.memory_space<vmem>> -> memref<1x125x64xf32, #tpu.memory_space<vmem>>
        %dma_start3A_250 = tpu.memref_squeeze %dma_start3A_249 : memref<1x125x64xf32, #tpu.memory_space<vmem>> -> memref<125x64xf32, #tpu.memory_space<vmem>>
        %dma_start3A_251 = arith.constant 0 : i32
        %dma_start3A_252 = tpu.memref_slice %arg6[%add3A_245, %dma_start3A_251] : memref<80x125xi32, #tpu.memory_space<vmem>> -> memref<1x125xi32, #tpu.memory_space<vmem>>
        %dma_start3A_253 = tpu.memref_squeeze %dma_start3A_252 : memref<1x125xi32, #tpu.memory_space<vmem>> -> memref<125xi32, #tpu.memory_space<vmem>>
        %dma_start3A_254 = arith.constant 0 : i32
        %dma_start3A_255 = arith.constant 0 : i32
        %dma_start3A_256 = tpu.memref_slice %arg2[%dma_start3A_254, %dma_start3A_255] : memref<10240x64xf32, #tpu.memory_space<hbm>> -> memref<10240x64xf32, #tpu.memory_space<hbm>>
        tpu.enqueue_indirect_dma source(%dma_start3A_256 : memref<10240x64xf32, #tpu.memory_space<hbm>>) target(%dma_start3A_250 : memref<125x64xf32, #tpu.memory_space<vmem>>) offsets(%dma_start3A_253 : memref<125xi32, #tpu.memory_space<vmem>>) semaphore(%arg14 : memref<!tpu.dma_semaphore, #tpu.memory_space<semaphore_mem>>)
      } else {
      }
      %mul3A_168 = arith.constant 4 : i32
      %mul3A_169 = arith.muli %scan3A_93, %mul3A_168 : i32
      %add3A_170 = arith.constant 2 : i32
      %add3A_171 = arith.addi %mul3A_169, %add3A_170 : i32
      %dma_wait3A_172 = arith.constant 2 : i32
      %dma_wait3A_173 = arith.constant 0 : i32
      %dma_wait3A_174 = arith.constant 0 : i32
      %dma_wait3A_175 = tpu.memref_slice %arg8[%dma_wait3A_172, %dma_wait3A_173, %dma_wait3A_174] : memref<4x125x64xf32, #tpu.memory_space<vmem>> -> memref<1x125x64xf32, #tpu.memory_space<vmem>>
      %dma_wait3A_176 = tpu.memref_squeeze %dma_wait3A_175 : memref<1x125x64xf32, #tpu.memory_space<vmem>> -> memref<125x64xf32, #tpu.memory_space<vmem>>
      %dma_wait3A_177 = arith.constant 0 : i32
      %dma_wait3A_178 = tpu.memref_slice %arg6[%add3A_171, %dma_wait3A_177] : memref<80x125xi32, #tpu.memory_space<vmem>> -> memref<1x125xi32, #tpu.memory_space<vmem>>
      %dma_wait3A_179 = tpu.memref_squeeze %dma_wait3A_178 : memref<1x125xi32, #tpu.memory_space<vmem>> -> memref<125xi32, #tpu.memory_space<vmem>>
      %dma_wait3A_180 = arith.constant 0 : i32
      %dma_wait3A_181 = arith.constant 0 : i32
      %dma_wait3A_182 = tpu.memref_slice %arg2[%dma_wait3A_180, %dma_wait3A_181] : memref<10240x64xf32, #tpu.memory_space<hbm>> -> memref<10240x64xf32, #tpu.memory_space<hbm>>
      tpu.wait_indirect_dma semaphore(%arg13 : memref<!tpu.dma_semaphore, #tpu.memory_space<semaphore_mem>>) src(%dma_wait3A_182 : memref<10240x64xf32, #tpu.memory_space<hbm>>) dst(%dma_wait3A_176 : memref<125x64xf32, #tpu.memory_space<vmem>>)
      %dma_start3A_183 = arith.constant 2 : i32
      %dma_start3A_184 = arith.constant 0 : i32
      %dma_start3A_185 = arith.constant 0 : i32
      %dma_start3A_186 = tpu.memref_slice %arg8[%dma_start3A_183, %dma_start3A_184, %dma_start3A_185] : memref<4x125x64xf32, #tpu.memory_space<vmem>> -> memref<1x125x64xf32, #tpu.memory_space<vmem>>
      %dma_start3A_187 = tpu.memref_squeeze %dma_start3A_186 : memref<1x125x64xf32, #tpu.memory_space<vmem>> -> memref<125x64xf32, #tpu.memory_space<vmem>>
      %dma_start3A_188 = arith.constant 0 : i32
      %dma_start3A_189 = tpu.memref_slice %arg7[%add3A_171, %dma_start3A_188] : memref<80x125xi32, #tpu.memory_space<vmem>> -> memref<1x125xi32, #tpu.memory_space<vmem>>
      %dma_start3A_190 = tpu.memref_squeeze %dma_start3A_189 : memref<1x125xi32, #tpu.memory_space<vmem>> -> memref<125xi32, #tpu.memory_space<vmem>>
      %dma_start3A_191 = arith.constant 0 : i32
      %dma_start3A_192 = arith.constant 0 : i32
      %dma_start3A_193 = tpu.memref_slice %arg10[%dma_start3A_191, %dma_start3A_192] : memref<10240x64xf32, #tpu.memory_space<vmem_shared>> -> memref<10240x64xf32, #tpu.memory_space<vmem_shared>>
      tpu.enqueue_indirect_dma source(%dma_start3A_187 : memref<125x64xf32, #tpu.memory_space<vmem>>) target(%dma_start3A_193 : memref<10240x64xf32, #tpu.memory_space<vmem_shared>>) offsets(%dma_start3A_190 : memref<125xi32, #tpu.memory_space<vmem>>) semaphore(%arg17 : memref<!tpu.dma_semaphore, #tpu.memory_space<semaphore_mem>>) {add = true}
      %ge3A_194 = arith.constant 2 : i32
      %ge3A_195 = arith.cmpi sge, %add3A_171, %ge3A_194 : i32
      %convert_element_type3A_196 = arith.extui %ge3A_195 : i1 to i32
      %cond3A_197 = arith.constant 0 : i32
      %cond3A_198 = arith.cmpi ne, %convert_element_type3A_196, %cond3A_197 : i32
      scf.if %cond3A_198 {
        %sub3A = arith.constant 2 : i32
        %sub3A_244 = arith.subi %add3A_171, %sub3A : i32
        %dma_wait3A_245 = arith.constant 0 : i32
        %dma_wait3A_246 = arith.constant 0 : i32
        %dma_wait3A_247 = arith.constant 0 : i32
        %dma_wait3A_248 = tpu.memref_slice %arg8[%dma_wait3A_245, %dma_wait3A_246, %dma_wait3A_247] : memref<4x125x64xf32, #tpu.memory_space<vmem>> -> memref<1x125x64xf32, #tpu.memory_space<vmem>>
        %dma_wait3A_249 = tpu.memref_squeeze %dma_wait3A_248 : memref<1x125x64xf32, #tpu.memory_space<vmem>> -> memref<125x64xf32, #tpu.memory_space<vmem>>
        %dma_wait3A_250 = arith.constant 0 : i32
        %dma_wait3A_251 = tpu.memref_slice %arg7[%sub3A_244, %dma_wait3A_250] : memref<80x125xi32, #tpu.memory_space<vmem>> -> memref<1x125xi32, #tpu.memory_space<vmem>>
        %dma_wait3A_252 = tpu.memref_squeeze %dma_wait3A_251 : memref<1x125xi32, #tpu.memory_space<vmem>> -> memref<125xi32, #tpu.memory_space<vmem>>
        %dma_wait3A_253 = arith.constant 0 : i32
        %dma_wait3A_254 = arith.constant 0 : i32
        %dma_wait3A_255 = tpu.memref_slice %arg10[%dma_wait3A_253, %dma_wait3A_254] : memref<10240x64xf32, #tpu.memory_space<vmem_shared>> -> memref<10240x64xf32, #tpu.memory_space<vmem_shared>>
        tpu.wait_indirect_dma semaphore(%arg15 : memref<!tpu.dma_semaphore, #tpu.memory_space<semaphore_mem>>) src(%dma_wait3A_249 : memref<125x64xf32, #tpu.memory_space<vmem>>) dst(%dma_wait3A_255 : memref<10240x64xf32, #tpu.memory_space<vmem_shared>>)
      } else {
      }
      %add3A_199 = arith.constant 2 : i32
      %add3A_200 = arith.addi %add3A_171, %add3A_199 : i32
      %lt3A_201 = arith.constant 80 : i32
      %lt3A_202 = arith.cmpi slt, %add3A_200, %lt3A_201 : i32
      %convert_element_type3A_203 = arith.extui %lt3A_202 : i1 to i32
      %cond3A_204 = arith.constant 0 : i32
      %cond3A_205 = arith.cmpi ne, %convert_element_type3A_203, %cond3A_204 : i32
      scf.if %cond3A_205 {
        %add3A_244 = arith.constant 2 : i32
        %add3A_245 = arith.addi %add3A_171, %add3A_244 : i32
        %dma_start3A_246 = arith.constant 0 : i32
        %dma_start3A_247 = arith.constant 0 : i32
        %dma_start3A_248 = arith.constant 0 : i32
        %dma_start3A_249 = tpu.memref_slice %arg8[%dma_start3A_246, %dma_start3A_247, %dma_start3A_248] : memref<4x125x64xf32, #tpu.memory_space<vmem>> -> memref<1x125x64xf32, #tpu.memory_space<vmem>>
        %dma_start3A_250 = tpu.memref_squeeze %dma_start3A_249 : memref<1x125x64xf32, #tpu.memory_space<vmem>> -> memref<125x64xf32, #tpu.memory_space<vmem>>
        %dma_start3A_251 = arith.constant 0 : i32
        %dma_start3A_252 = tpu.memref_slice %arg6[%add3A_245, %dma_start3A_251] : memref<80x125xi32, #tpu.memory_space<vmem>> -> memref<1x125xi32, #tpu.memory_space<vmem>>
        %dma_start3A_253 = tpu.memref_squeeze %dma_start3A_252 : memref<1x125xi32, #tpu.memory_space<vmem>> -> memref<125xi32, #tpu.memory_space<vmem>>
        %dma_start3A_254 = arith.constant 0 : i32
        %dma_start3A_255 = arith.constant 0 : i32
        %dma_start3A_256 = tpu.memref_slice %arg2[%dma_start3A_254, %dma_start3A_255] : memref<10240x64xf32, #tpu.memory_space<hbm>> -> memref<10240x64xf32, #tpu.memory_space<hbm>>
        tpu.enqueue_indirect_dma source(%dma_start3A_256 : memref<10240x64xf32, #tpu.memory_space<hbm>>) target(%dma_start3A_250 : memref<125x64xf32, #tpu.memory_space<vmem>>) offsets(%dma_start3A_253 : memref<125xi32, #tpu.memory_space<vmem>>) semaphore(%arg11 : memref<!tpu.dma_semaphore, #tpu.memory_space<semaphore_mem>>)
      } else {
      }
      %mul3A_206 = arith.constant 4 : i32
      %mul3A_207 = arith.muli %scan3A_93, %mul3A_206 : i32
      %add3A_208 = arith.constant 3 : i32
      %add3A_209 = arith.addi %mul3A_207, %add3A_208 : i32
      %dma_wait3A_210 = arith.constant 3 : i32
      %dma_wait3A_211 = arith.constant 0 : i32
      %dma_wait3A_212 = arith.constant 0 : i32
      %dma_wait3A_213 = tpu.memref_slice %arg8[%dma_wait3A_210, %dma_wait3A_211, %dma_wait3A_212] : memref<4x125x64xf32, #tpu.memory_space<vmem>> -> memref<1x125x64xf32, #tpu.memory_space<vmem>>
      %dma_wait3A_214 = tpu.memref_squeeze %dma_wait3A_213 : memref<1x125x64xf32, #tpu.memory_space<vmem>> -> memref<125x64xf32, #tpu.memory_space<vmem>>
      %dma_wait3A_215 = arith.constant 0 : i32
      %dma_wait3A_216 = tpu.memref_slice %arg6[%add3A_209, %dma_wait3A_215] : memref<80x125xi32, #tpu.memory_space<vmem>> -> memref<1x125xi32, #tpu.memory_space<vmem>>
      %dma_wait3A_217 = tpu.memref_squeeze %dma_wait3A_216 : memref<1x125xi32, #tpu.memory_space<vmem>> -> memref<125xi32, #tpu.memory_space<vmem>>
      %dma_wait3A_218 = arith.constant 0 : i32
      %dma_wait3A_219 = arith.constant 0 : i32
      %dma_wait3A_220 = tpu.memref_slice %arg2[%dma_wait3A_218, %dma_wait3A_219] : memref<10240x64xf32, #tpu.memory_space<hbm>> -> memref<10240x64xf32, #tpu.memory_space<hbm>>
      tpu.wait_indirect_dma semaphore(%arg14 : memref<!tpu.dma_semaphore, #tpu.memory_space<semaphore_mem>>) src(%dma_wait3A_220 : memref<10240x64xf32, #tpu.memory_space<hbm>>) dst(%dma_wait3A_214 : memref<125x64xf32, #tpu.memory_space<vmem>>)
      %dma_start3A_221 = arith.constant 3 : i32
      %dma_start3A_222 = arith.constant 0 : i32
      %dma_start3A_223 = arith.constant 0 : i32
      %dma_start3A_224 = tpu.memref_slice %arg8[%dma_start3A_221, %dma_start3A_222, %dma_start3A_223] : memref<4x125x64xf32, #tpu.memory_space<vmem>> -> memref<1x125x64xf32, #tpu.memory_space<vmem>>
      %dma_start3A_225 = tpu.memref_squeeze %dma_start3A_224 : memref<1x125x64xf32, #tpu.memory_space<vmem>> -> memref<125x64xf32, #tpu.memory_space<vmem>>
      %dma_start3A_226 = arith.constant 0 : i32
      %dma_start3A_227 = tpu.memref_slice %arg7[%add3A_209, %dma_start3A_226] : memref<80x125xi32, #tpu.memory_space<vmem>> -> memref<1x125xi32, #tpu.memory_space<vmem>>
      %dma_start3A_228 = tpu.memref_squeeze %dma_start3A_227 : memref<1x125xi32, #tpu.memory_space<vmem>> -> memref<125xi32, #tpu.memory_space<vmem>>
      %dma_start3A_229 = arith.constant 0 : i32
      %dma_start3A_230 = arith.constant 0 : i32
      %dma_start3A_231 = tpu.memref_slice %arg10[%dma_start3A_229, %dma_start3A_230] : memref<10240x64xf32, #tpu.memory_space<vmem_shared>> -> memref<10240x64xf32, #tpu.memory_space<vmem_shared>>
      tpu.enqueue_indirect_dma source(%dma_start3A_225 : memref<125x64xf32, #tpu.memory_space<vmem>>) target(%dma_start3A_231 : memref<10240x64xf32, #tpu.memory_space<vmem_shared>>) offsets(%dma_start3A_228 : memref<125xi32, #tpu.memory_space<vmem>>) semaphore(%arg18 : memref<!tpu.dma_semaphore, #tpu.memory_space<semaphore_mem>>) {add = true}
      %ge3A_232 = arith.constant 2 : i32
      %ge3A_233 = arith.cmpi sge, %add3A_209, %ge3A_232 : i32
      %convert_element_type3A_234 = arith.extui %ge3A_233 : i1 to i32
      %cond3A_235 = arith.constant 0 : i32
      %cond3A_236 = arith.cmpi ne, %convert_element_type3A_234, %cond3A_235 : i32
      scf.if %cond3A_236 {
        %sub3A = arith.constant 2 : i32
        %sub3A_244 = arith.subi %add3A_209, %sub3A : i32
        %dma_wait3A_245 = arith.constant 1 : i32
        %dma_wait3A_246 = arith.constant 0 : i32
        %dma_wait3A_247 = arith.constant 0 : i32
        %dma_wait3A_248 = tpu.memref_slice %arg8[%dma_wait3A_245, %dma_wait3A_246, %dma_wait3A_247] : memref<4x125x64xf32, #tpu.memory_space<vmem>> -> memref<1x125x64xf32, #tpu.memory_space<vmem>>
        %dma_wait3A_249 = tpu.memref_squeeze %dma_wait3A_248 : memref<1x125x64xf32, #tpu.memory_space<vmem>> -> memref<125x64xf32, #tpu.memory_space<vmem>>
        %dma_wait3A_250 = arith.constant 0 : i32
        %dma_wait3A_251 = tpu.memref_slice %arg7[%sub3A_244, %dma_wait3A_250] : memref<80x125xi32, #tpu.memory_space<vmem>> -> memref<1x125xi32, #tpu.memory_space<vmem>>
        %dma_wait3A_252 = tpu.memref_squeeze %dma_wait3A_251 : memref<1x125xi32, #tpu.memory_space<vmem>> -> memref<125xi32, #tpu.memory_space<vmem>>
        %dma_wait3A_253 = arith.constant 0 : i32
        %dma_wait3A_254 = arith.constant 0 : i32
        %dma_wait3A_255 = tpu.memref_slice %arg10[%dma_wait3A_253, %dma_wait3A_254] : memref<10240x64xf32, #tpu.memory_space<vmem_shared>> -> memref<10240x64xf32, #tpu.memory_space<vmem_shared>>
        tpu.wait_indirect_dma semaphore(%arg16 : memref<!tpu.dma_semaphore, #tpu.memory_space<semaphore_mem>>) src(%dma_wait3A_249 : memref<125x64xf32, #tpu.memory_space<vmem>>) dst(%dma_wait3A_255 : memref<10240x64xf32, #tpu.memory_space<vmem_shared>>)
      } else {
      }
      %add3A_237 = arith.constant 2 : i32
      %add3A_238 = arith.addi %add3A_209, %add3A_237 : i32
      %lt3A_239 = arith.constant 80 : i32
      %lt3A_240 = arith.cmpi slt, %add3A_238, %lt3A_239 : i32
      %convert_element_type3A_241 = arith.extui %lt3A_240 : i1 to i32
      %cond3A_242 = arith.constant 0 : i32
      %cond3A_243 = arith.cmpi ne, %convert_element_type3A_241, %cond3A_242 : i32
      scf.if %cond3A_243 {
        %add3A_244 = arith.constant 2 : i32
        %add3A_245 = arith.addi %add3A_209, %add3A_244 : i32
        %dma_start3A_246 = arith.constant 1 : i32
        %dma_start3A_247 = arith.constant 0 : i32
        %dma_start3A_248 = arith.constant 0 : i32
        %dma_start3A_249 = tpu.memref_slice %arg8[%dma_start3A_246, %dma_start3A_247, %dma_start3A_248] : memref<4x125x64xf32, #tpu.memory_space<vmem>> -> memref<1x125x64xf32, #tpu.memory_space<vmem>>
        %dma_start3A_250 = tpu.memref_squeeze %dma_start3A_249 : memref<1x125x64xf32, #tpu.memory_space<vmem>> -> memref<125x64xf32, #tpu.memory_space<vmem>>
        %dma_start3A_251 = arith.constant 0 : i32
        %dma_start3A_252 = tpu.memref_slice %arg6[%add3A_245, %dma_start3A_251] : memref<80x125xi32, #tpu.memory_space<vmem>> -> memref<1x125xi32, #tpu.memory_space<vmem>>
        %dma_start3A_253 = tpu.memref_squeeze %dma_start3A_252 : memref<1x125xi32, #tpu.memory_space<vmem>> -> memref<125xi32, #tpu.memory_space<vmem>>
        %dma_start3A_254 = arith.constant 0 : i32
        %dma_start3A_255 = arith.constant 0 : i32
        %dma_start3A_256 = tpu.memref_slice %arg2[%dma_start3A_254, %dma_start3A_255] : memref<10240x64xf32, #tpu.memory_space<hbm>> -> memref<10240x64xf32, #tpu.memory_space<hbm>>
        tpu.enqueue_indirect_dma source(%dma_start3A_256 : memref<10240x64xf32, #tpu.memory_space<hbm>>) target(%dma_start3A_250 : memref<125x64xf32, #tpu.memory_space<vmem>>) offsets(%dma_start3A_253 : memref<125xi32, #tpu.memory_space<vmem>>) semaphore(%arg12 : memref<!tpu.dma_semaphore, #tpu.memory_space<semaphore_mem>>)
      } else {
      }
    }
    %scan3A_61 = arith.constant 20 : i32
    %dma_wait3A = arith.constant 2 : i32
    %dma_wait3A_62 = arith.constant 78 : i32
    %dma_wait3A_63 = arith.constant 0 : i32
    %dma_wait3A_64 = arith.constant 0 : i32
    %dma_wait3A_65 = tpu.memref_slice %arg8[%dma_wait3A, %dma_wait3A_63, %dma_wait3A_64] : memref<4x125x64xf32, #tpu.memory_space<vmem>> -> memref<1x125x64xf32, #tpu.memory_space<vmem>>
    %dma_wait3A_66 = tpu.memref_squeeze %dma_wait3A_65 : memref<1x125x64xf32, #tpu.memory_space<vmem>> -> memref<125x64xf32, #tpu.memory_space<vmem>>
    %dma_wait3A_67 = arith.constant 0 : i32
    %dma_wait3A_68 = tpu.memref_slice %arg7[%dma_wait3A_62, %dma_wait3A_67] : memref<80x125xi32, #tpu.memory_space<vmem>> -> memref<1x125xi32, #tpu.memory_space<vmem>>
    %dma_wait3A_69 = tpu.memref_squeeze %dma_wait3A_68 : memref<1x125xi32, #tpu.memory_space<vmem>> -> memref<125xi32, #tpu.memory_space<vmem>>
    %dma_wait3A_70 = arith.constant 0 : i32
    %dma_wait3A_71 = arith.constant 0 : i32
    %dma_wait3A_72 = tpu.memref_slice %arg10[%dma_wait3A_70, %dma_wait3A_71] : memref<10240x64xf32, #tpu.memory_space<vmem_shared>> -> memref<10240x64xf32, #tpu.memory_space<vmem_shared>>
    tpu.wait_indirect_dma semaphore(%arg17 : memref<!tpu.dma_semaphore, #tpu.memory_space<semaphore_mem>>) src(%dma_wait3A_66 : memref<125x64xf32, #tpu.memory_space<vmem>>) dst(%dma_wait3A_72 : memref<10240x64xf32, #tpu.memory_space<vmem_shared>>)
    %dma_wait3A_73 = arith.constant 3 : i32
    %dma_wait3A_74 = arith.constant 79 : i32
    %dma_wait3A_75 = arith.constant 0 : i32
    %dma_wait3A_76 = arith.constant 0 : i32
    %dma_wait3A_77 = tpu.memref_slice %arg8[%dma_wait3A_73, %dma_wait3A_75, %dma_wait3A_76] : memref<4x125x64xf32, #tpu.memory_space<vmem>> -> memref<1x125x64xf32, #tpu.memory_space<vmem>>
    %dma_wait3A_78 = tpu.memref_squeeze %dma_wait3A_77 : memref<1x125x64xf32, #tpu.memory_space<vmem>> -> memref<125x64xf32, #tpu.memory_space<vmem>>
    %dma_wait3A_79 = arith.constant 0 : i32
    %dma_wait3A_80 = tpu.memref_slice %arg7[%dma_wait3A_74, %dma_wait3A_79] : memref<80x125xi32, #tpu.memory_space<vmem>> -> memref<1x125xi32, #tpu.memory_space<vmem>>
    %dma_wait3A_81 = tpu.memref_squeeze %dma_wait3A_80 : memref<1x125xi32, #tpu.memory_space<vmem>> -> memref<125xi32, #tpu.memory_space<vmem>>
    %dma_wait3A_82 = arith.constant 0 : i32
    %dma_wait3A_83 = arith.constant 0 : i32
    %dma_wait3A_84 = tpu.memref_slice %arg10[%dma_wait3A_82, %dma_wait3A_83] : memref<10240x64xf32, #tpu.memory_space<vmem_shared>> -> memref<10240x64xf32, #tpu.memory_space<vmem_shared>>
    tpu.wait_indirect_dma semaphore(%arg18 : memref<!tpu.dma_semaphore, #tpu.memory_space<semaphore_mem>>) src(%dma_wait3A_78 : memref<125x64xf32, #tpu.memory_space<vmem>>) dst(%dma_wait3A_84 : memref<10240x64xf32, #tpu.memory_space<vmem_shared>>)
    %barrier3A_85 = arith.constant 0 : index
    tpu.barrier barrier_id(%barrier3A_85)
    %eq3A = arith.constant 0 : i32
    %eq3A_86 = arith.cmpi eq, %arg0, %eq3A : i32
    %convert_element_type3A = arith.extui %eq3A_86 : i1 to i32
    %cond3A = arith.constant 0 : i32
    %cond3A_87 = arith.cmpi ne, %convert_element_type3A, %cond3A : i32
    scf.if %cond3A_87 {
      %mul3A_93 = arith.constant 640 : i32
      %mul3A_94 = arith.muli %arg1, %mul3A_93 : i32
      %mul3A_95 = arith.constant 640 : i32
      %mul3A_96 = arith.muli %arg1, %mul3A_95 : i32
      "tpu.region"() ({
        %run_scoped3A = tpu.sem_alloc : memref<!tpu.dma_semaphore, #tpu.memory_space<semaphore_mem>>
        %dma_start3A_97 = arith.constant 0 : i32
        %dma_start3A_98 = tpu.memref_slice %arg4[%mul3A_96, %dma_start3A_97] : memref<10240x64xf32, #tpu.memory_space<hbm>> -> memref<640x64xf32, #tpu.memory_space<hbm>>
        %dma_start3A_99 = arith.constant 0 : i32
        %dma_start3A_100 = tpu.memref_slice %arg10[%mul3A_94, %dma_start3A_99] : memref<10240x64xf32, #tpu.memory_space<vmem_shared>> -> memref<640x64xf32, #tpu.memory_space<vmem_shared>>
        tpu.enqueue_dma source(%dma_start3A_100 : memref<640x64xf32, #tpu.memory_space<vmem_shared>>) target(%dma_start3A_98 : memref<640x64xf32, #tpu.memory_space<hbm>>) target_semaphore(%run_scoped3A : memref<!tpu.dma_semaphore, #tpu.memory_space<semaphore_mem>>)
        %dma_wait3A_101 = arith.constant 0 : i32
        %dma_wait3A_102 = tpu.memref_slice %arg4[%mul3A_96, %dma_wait3A_101] : memref<10240x64xf32, #tpu.memory_space<hbm>> -> memref<640x64xf32, #tpu.memory_space<hbm>>
        %dma_wait3A_103 = arith.constant 0 : i32
        %dma_wait3A_104 = tpu.memref_slice %arg10[%mul3A_94, %dma_wait3A_103] : memref<10240x64xf32, #tpu.memory_space<vmem_shared>> -> memref<640x64xf32, #tpu.memory_space<vmem_shared>>
        tpu.wait_dma2 semaphore(%run_scoped3A : memref<!tpu.dma_semaphore, #tpu.memory_space<semaphore_mem>>) src(%dma_wait3A_104 : memref<640x64xf32, #tpu.memory_space<vmem_shared>>) dst(%dma_wait3A_102 : memref<640x64xf32, #tpu.memory_space<hbm>>)
        tpu.yield
      }) : () -> ()
    } else {
    }
    %eq3A_88 = arith.constant 1 : i32
    %eq3A_89 = arith.cmpi eq, %arg0, %eq3A_88 : i32
    %convert_element_type3A_90 = arith.extui %eq3A_89 : i1 to i32
    %cond3A_91 = arith.constant 0 : i32
    %cond3A_92 = arith.cmpi ne, %convert_element_type3A_90, %cond3A_91 : i32
    scf.if %cond3A_92 {
      %mul3A_93 = arith.constant 640 : i32
      %mul3A_94 = arith.muli %arg1, %mul3A_93 : i32
      %mul3A_95 = arith.constant 640 : i32
      %mul3A_96 = arith.muli %arg1, %mul3A_95 : i32
      "tpu.region"() ({
        %run_scoped3A = tpu.sem_alloc : memref<!tpu.dma_semaphore, #tpu.memory_space<semaphore_mem>>
        %dma_start3A_97 = arith.constant 0 : i32
        %dma_start3A_98 = tpu.memref_slice %arg5[%mul3A_96, %dma_start3A_97] : memref<10240x64xf32, #tpu.memory_space<hbm>> -> memref<640x64xf32, #tpu.memory_space<hbm>>
        %dma_start3A_99 = arith.constant 0 : i32
        %dma_start3A_100 = tpu.memref_slice %arg10[%mul3A_94, %dma_start3A_99] : memref<10240x64xf32, #tpu.memory_space<vmem_shared>> -> memref<640x64xf32, #tpu.memory_space<vmem_shared>>
        tpu.enqueue_dma source(%dma_start3A_100 : memref<640x64xf32, #tpu.memory_space<vmem_shared>>) target(%dma_start3A_98 : memref<640x64xf32, #tpu.memory_space<hbm>>) target_semaphore(%run_scoped3A : memref<!tpu.dma_semaphore, #tpu.memory_space<semaphore_mem>>)
        %dma_wait3A_101 = arith.constant 0 : i32
        %dma_wait3A_102 = tpu.memref_slice %arg5[%mul3A_96, %dma_wait3A_101] : memref<10240x64xf32, #tpu.memory_space<hbm>> -> memref<640x64xf32, #tpu.memory_space<hbm>>
        %dma_wait3A_103 = arith.constant 0 : i32
        %dma_wait3A_104 = tpu.memref_slice %arg10[%mul3A_94, %dma_wait3A_103] : memref<10240x64xf32, #tpu.memory_space<vmem_shared>> -> memref<640x64xf32, #tpu.memory_space<vmem_shared>>
        tpu.wait_dma2 semaphore(%run_scoped3A : memref<!tpu.dma_semaphore, #tpu.memory_space<semaphore_mem>>) src(%dma_wait3A_104 : memref<640x64xf32, #tpu.memory_space<vmem_shared>>) dst(%dma_wait3A_102 : memref<640x64xf32, #tpu.memory_space<hbm>>)
        tpu.yield
      }) : () -> ()
    } else {
    }
    return
  }
}

#map = affine_map<(d0, d1) -> (0, 0)>
module attributes {stable_mosaic.version = 14 : i64} {
  func.func @_sc_comb(%arg0: i32, %arg1: i32, %arg2: memref<10240x64xf32, #tpu.memory_space<hbm>>, %arg3: memref<10240x64xf32, #tpu.memory_space<hbm>>, %arg4: memref<10240x64xf32, #tpu.memory_space<hbm>>, %arg5: memref<10240x16xf32, #tpu.memory_space<hbm>>, %arg6: memref<10240x64xf32, #tpu.memory_space<hbm>>, %arg7: memref<10240x64xf32, #tpu.memory_space<hbm>>, %arg8: memref<320x64xf32, #tpu.memory_space<vmem>>, %arg9: memref<320x64xf32, #tpu.memory_space<vmem>>, %arg10: memref<320x64xf32, #tpu.memory_space<vmem>>, %arg11: memref<320x16xf32, #tpu.memory_space<vmem>>, %arg12: memref<320x64xf32, #tpu.memory_space<vmem>>, %arg13: memref<320x64xf32, #tpu.memory_space<vmem>>) attributes {dimension_semantics = [#tpu.dimension_semantics<core_parallel>, #tpu.dimension_semantics<subcore_parallel>], iteration_bounds = array<i64: 2, 16>, scalar_prefetch = 0 : i64, scratch_operands = 6 : i64, tpu.core_type = #tpu.core_type<sc_vector_subcore>, window_params = [{transform_indices = #map}, {transform_indices = #map}, {transform_indices = #map}, {transform_indices = #map}, {transform_indices = #map}, {transform_indices = #map}]} {
    %mul3A = arith.constant 2 : i32
    %mul3A_0 = arith.muli %arg1, %mul3A : i32
    %add3A = arith.addi %mul3A_0, %arg0 : i32
    %mul3A_1 = arith.constant 320 : i32
    %mul3A_2 = arith.muli %add3A, %mul3A_1 : i32
    "tpu.region"() ({
      %run_scoped3A = tpu.sem_alloc : memref<!tpu.dma_semaphore, #tpu.memory_space<semaphore_mem>>
      %dma_start3A = arith.constant 0 : i32
      %dma_start3A_8 = tpu.memref_slice %arg2[%mul3A_2, %dma_start3A] : memref<10240x64xf32, #tpu.memory_space<hbm>> -> memref<320x64xf32, #tpu.memory_space<hbm>>
      %dma_start3A_9 = arith.constant 0 : i32
      %dma_start3A_10 = tpu.memref_slice %arg2[%mul3A_2, %dma_start3A_9] : memref<10240x64xf32, #tpu.memory_space<hbm>> -> memref<320x64xf32, #tpu.memory_space<hbm>>
      tpu.enqueue_dma source(%dma_start3A_10 : memref<320x64xf32, #tpu.memory_space<hbm>>) target(%arg8 : memref<320x64xf32, #tpu.memory_space<vmem>>) target_semaphore(%run_scoped3A : memref<!tpu.dma_semaphore, #tpu.memory_space<semaphore_mem>>)
      %dma_wait3A = arith.constant 0 : i32
      %dma_wait3A_11 = tpu.memref_slice %arg2[%mul3A_2, %dma_wait3A] : memref<10240x64xf32, #tpu.memory_space<hbm>> -> memref<320x64xf32, #tpu.memory_space<hbm>>
      %dma_wait3A_12 = arith.constant 0 : i32
      %dma_wait3A_13 = tpu.memref_slice %arg2[%mul3A_2, %dma_wait3A_12] : memref<10240x64xf32, #tpu.memory_space<hbm>> -> memref<320x64xf32, #tpu.memory_space<hbm>>
      tpu.wait_dma2 semaphore(%run_scoped3A : memref<!tpu.dma_semaphore, #tpu.memory_space<semaphore_mem>>) src(%dma_wait3A_13 : memref<320x64xf32, #tpu.memory_space<hbm>>) dst(%arg8 : memref<320x64xf32, #tpu.memory_space<vmem>>)
      tpu.yield
    }) : () -> ()
    "tpu.region"() ({
      %run_scoped3A = tpu.sem_alloc : memref<!tpu.dma_semaphore, #tpu.memory_space<semaphore_mem>>
      %dma_start3A = arith.constant 0 : i32
      %dma_start3A_8 = tpu.memref_slice %arg3[%mul3A_2, %dma_start3A] : memref<10240x64xf32, #tpu.memory_space<hbm>> -> memref<320x64xf32, #tpu.memory_space<hbm>>
      %dma_start3A_9 = arith.constant 0 : i32
      %dma_start3A_10 = tpu.memref_slice %arg3[%mul3A_2, %dma_start3A_9] : memref<10240x64xf32, #tpu.memory_space<hbm>> -> memref<320x64xf32, #tpu.memory_space<hbm>>
      tpu.enqueue_dma source(%dma_start3A_10 : memref<320x64xf32, #tpu.memory_space<hbm>>) target(%arg9 : memref<320x64xf32, #tpu.memory_space<vmem>>) target_semaphore(%run_scoped3A : memref<!tpu.dma_semaphore, #tpu.memory_space<semaphore_mem>>)
      %dma_wait3A = arith.constant 0 : i32
      %dma_wait3A_11 = tpu.memref_slice %arg3[%mul3A_2, %dma_wait3A] : memref<10240x64xf32, #tpu.memory_space<hbm>> -> memref<320x64xf32, #tpu.memory_space<hbm>>
      %dma_wait3A_12 = arith.constant 0 : i32
      %dma_wait3A_13 = tpu.memref_slice %arg3[%mul3A_2, %dma_wait3A_12] : memref<10240x64xf32, #tpu.memory_space<hbm>> -> memref<320x64xf32, #tpu.memory_space<hbm>>
      tpu.wait_dma2 semaphore(%run_scoped3A : memref<!tpu.dma_semaphore, #tpu.memory_space<semaphore_mem>>) src(%dma_wait3A_13 : memref<320x64xf32, #tpu.memory_space<hbm>>) dst(%arg9 : memref<320x64xf32, #tpu.memory_space<vmem>>)
      tpu.yield
    }) : () -> ()
    "tpu.region"() ({
      %run_scoped3A = tpu.sem_alloc : memref<!tpu.dma_semaphore, #tpu.memory_space<semaphore_mem>>
      %dma_start3A = arith.constant 0 : i32
      %dma_start3A_8 = tpu.memref_slice %arg4[%mul3A_2, %dma_start3A] : memref<10240x64xf32, #tpu.memory_space<hbm>> -> memref<320x64xf32, #tpu.memory_space<hbm>>
      %dma_start3A_9 = arith.constant 0 : i32
      %dma_start3A_10 = tpu.memref_slice %arg4[%mul3A_2, %dma_start3A_9] : memref<10240x64xf32, #tpu.memory_space<hbm>> -> memref<320x64xf32, #tpu.memory_space<hbm>>
      tpu.enqueue_dma source(%dma_start3A_10 : memref<320x64xf32, #tpu.memory_space<hbm>>) target(%arg10 : memref<320x64xf32, #tpu.memory_space<vmem>>) target_semaphore(%run_scoped3A : memref<!tpu.dma_semaphore, #tpu.memory_space<semaphore_mem>>)
      %dma_wait3A = arith.constant 0 : i32
      %dma_wait3A_11 = tpu.memref_slice %arg4[%mul3A_2, %dma_wait3A] : memref<10240x64xf32, #tpu.memory_space<hbm>> -> memref<320x64xf32, #tpu.memory_space<hbm>>
      %dma_wait3A_12 = arith.constant 0 : i32
      %dma_wait3A_13 = tpu.memref_slice %arg4[%mul3A_2, %dma_wait3A_12] : memref<10240x64xf32, #tpu.memory_space<hbm>> -> memref<320x64xf32, #tpu.memory_space<hbm>>
      tpu.wait_dma2 semaphore(%run_scoped3A : memref<!tpu.dma_semaphore, #tpu.memory_space<semaphore_mem>>) src(%dma_wait3A_13 : memref<320x64xf32, #tpu.memory_space<hbm>>) dst(%arg10 : memref<320x64xf32, #tpu.memory_space<vmem>>)
      tpu.yield
    }) : () -> ()
    "tpu.region"() ({
      %run_scoped3A = tpu.sem_alloc : memref<!tpu.dma_semaphore, #tpu.memory_space<semaphore_mem>>
      %dma_start3A = arith.constant 0 : i32
      %dma_start3A_8 = tpu.memref_slice %arg5[%mul3A_2, %dma_start3A] : memref<10240x16xf32, #tpu.memory_space<hbm>> -> memref<320x16xf32, #tpu.memory_space<hbm>>
      %dma_start3A_9 = arith.constant 0 : i32
      %dma_start3A_10 = tpu.memref_slice %arg5[%mul3A_2, %dma_start3A_9] : memref<10240x16xf32, #tpu.memory_space<hbm>> -> memref<320x16xf32, #tpu.memory_space<hbm>>
      tpu.enqueue_dma source(%dma_start3A_10 : memref<320x16xf32, #tpu.memory_space<hbm>>) target(%arg11 : memref<320x16xf32, #tpu.memory_space<vmem>>) target_semaphore(%run_scoped3A : memref<!tpu.dma_semaphore, #tpu.memory_space<semaphore_mem>>)
      %dma_wait3A = arith.constant 0 : i32
      %dma_wait3A_11 = tpu.memref_slice %arg5[%mul3A_2, %dma_wait3A] : memref<10240x16xf32, #tpu.memory_space<hbm>> -> memref<320x16xf32, #tpu.memory_space<hbm>>
      %dma_wait3A_12 = arith.constant 0 : i32
      %dma_wait3A_13 = tpu.memref_slice %arg5[%mul3A_2, %dma_wait3A_12] : memref<10240x16xf32, #tpu.memory_space<hbm>> -> memref<320x16xf32, #tpu.memory_space<hbm>>
      tpu.wait_dma2 semaphore(%run_scoped3A : memref<!tpu.dma_semaphore, #tpu.memory_space<semaphore_mem>>) src(%dma_wait3A_13 : memref<320x16xf32, #tpu.memory_space<hbm>>) dst(%arg11 : memref<320x16xf32, #tpu.memory_space<vmem>>)
      tpu.yield
    }) : () -> ()
    %scan3A = arith.constant 0 : i32
    %scan3A_3 = arith.constant 0 : i32
    %scan3A_4 = arith.constant 320 : i32
    %scan3A_5 = arith.addi %scan3A_3, %scan3A_4 : i32
    %scan3A_6 = arith.constant 1 : i32
    scf.for %scan3A_8 = %scan3A_3 to %scan3A_5 step %scan3A_6  : i32 {
      %get3A = arith.index_cast %scan3A_8 : i32 to index
      %get3A_9 = arith.constant 0 : index
      %get3A_10 = tpu.vector_load %arg11[%get3A, %get3A_9] {strides = array<i32>} : memref<320x16xf32, #tpu.memory_space<vmem>>, vector<1x16xf32>,
      %get3A_11 = vector.shape_cast %get3A_10 : vector<1x16xf32> to vector<16xf32>
      %slice3A = vector.extract_strided_slice %get3A_11 {offsets = [0], sizes = [1], strides = [1]} : vector<16xf32> to vector<1xf32>
      %squeeze3A = vector.extract %slice3A[0] : f32 from vector<1xf32>
      %slice3A_12 = vector.extract_strided_slice %get3A_11 {offsets = [1], sizes = [1], strides = [1]} : vector<16xf32> to vector<1xf32>
      %squeeze3A_13 = vector.extract %slice3A_12[0] : f32 from vector<1xf32>
      %get3A_14 = arith.index_cast %scan3A_8 : i32 to index
      %get3A_15 = arith.constant 0 : index
      %get3A_16 = tpu.vector_load %arg8[%get3A_14, %get3A_15] {strides = array<i32>} : memref<320x64xf32, #tpu.memory_space<vmem>>, vector<1x16xf32>,
      %get3A_17 = vector.shape_cast %get3A_16 : vector<1x16xf32> to vector<16xf32>
      %get3A_18 = arith.index_cast %scan3A_8 : i32 to index
      %get3A_19 = arith.constant 0 : index
      %get3A_20 = tpu.vector_load %arg9[%get3A_18, %get3A_19] {strides = array<i32>} : memref<320x64xf32, #tpu.memory_space<vmem>>, vector<1x16xf32>,
      %get3A_21 = vector.shape_cast %get3A_20 : vector<1x16xf32> to vector<16xf32>
      %add3A_22 = arith.addf %get3A_17, %get3A_21 : vector<16xf32>
      %mul3A_23 = vector.broadcast %squeeze3A : f32 to vector<16xf32>
      %mul3A_24 = arith.mulf %mul3A_23, %add3A_22 : vector<16xf32>
      %get3A_25 = arith.index_cast %scan3A_8 : i32 to index
      %get3A_26 = arith.constant 0 : index
      %get3A_27 = tpu.vector_load %arg10[%get3A_25, %get3A_26] {strides = array<i32>} : memref<320x64xf32, #tpu.memory_space<vmem>>, vector<1x16xf32>,
      %get3A_28 = vector.shape_cast %get3A_27 : vector<1x16xf32> to vector<16xf32>
      %mul3A_29 = vector.broadcast %squeeze3A_13 : f32 to vector<16xf32>
      %mul3A_30 = arith.mulf %mul3A_29, %get3A_28 : vector<16xf32>
      %add3A_31 = arith.addf %mul3A_24, %mul3A_30 : vector<16xf32>
      %swap3A = arith.index_cast %scan3A_8 : i32 to index
      %swap3A_32 = arith.constant 0 : index
      %swap3A_33 = tpu.vector_load %arg13[%swap3A, %swap3A_32] {strides = array<i32>} : memref<320x64xf32, #tpu.memory_space<vmem>>, vector<1x16xf32>,
      %swap3A_34 = vector.shape_cast %swap3A_33 : vector<1x16xf32> to vector<16xf32>
      %swap3A_35 = vector.shape_cast %add3A_31 : vector<16xf32> to vector<1x16xf32>
      tpu.vector_store %arg13[%swap3A, %swap3A_32], %swap3A_35 {strides = array<i32>} : memref<320x64xf32, #tpu.memory_space<vmem>>, vector<1x16xf32>,
      %mul3A_36 = vector.broadcast %squeeze3A : f32 to vector<16xf32>
      %mul3A_37 = arith.mulf %mul3A_36, %add3A_31 : vector<16xf32>
      %swap3A_38 = arith.index_cast %scan3A_8 : i32 to index
      %swap3A_39 = arith.constant 0 : index
      %swap3A_40 = tpu.vector_load %arg12[%swap3A_38, %swap3A_39] {strides = array<i32>} : memref<320x64xf32, #tpu.memory_space<vmem>>, vector<1x16xf32>,
      %swap3A_41 = vector.shape_cast %swap3A_40 : vector<1x16xf32> to vector<16xf32>
      %swap3A_42 = vector.shape_cast %mul3A_37 : vector<16xf32> to vector<1x16xf32>
      tpu.vector_store %arg12[%swap3A_38, %swap3A_39], %swap3A_42 {strides = array<i32>} : memref<320x64xf32, #tpu.memory_space<vmem>>, vector<1x16xf32>,
      %get3A_43 = arith.index_cast %scan3A_8 : i32 to index
      %get3A_44 = arith.constant 16 : index
      %get3A_45 = tpu.vector_load %arg8[%get3A_43, %get3A_44] {strides = array<i32>} : memref<320x64xf32, #tpu.memory_space<vmem>>, vector<1x16xf32>,
      %get3A_46 = vector.shape_cast %get3A_45 : vector<1x16xf32> to vector<16xf32>
      %get3A_47 = arith.index_cast %scan3A_8 : i32 to index
      %get3A_48 = arith.constant 16 : index
      %get3A_49 = tpu.vector_load %arg9[%get3A_47, %get3A_48] {strides = array<i32>} : memref<320x64xf32, #tpu.memory_space<vmem>>, vector<1x16xf32>,
      %get3A_50 = vector.shape_cast %get3A_49 : vector<1x16xf32> to vector<16xf32>
      %add3A_51 = arith.addf %get3A_46, %get3A_50 : vector<16xf32>
      %mul3A_52 = vector.broadcast %squeeze3A : f32 to vector<16xf32>
      %mul3A_53 = arith.mulf %mul3A_52, %add3A_51 : vector<16xf32>
      %get3A_54 = arith.index_cast %scan3A_8 : i32 to index
      %get3A_55 = arith.constant 16 : index
      %get3A_56 = tpu.vector_load %arg10[%get3A_54, %get3A_55] {strides = array<i32>} : memref<320x64xf32, #tpu.memory_space<vmem>>, vector<1x16xf32>,
      %get3A_57 = vector.shape_cast %get3A_56 : vector<1x16xf32> to vector<16xf32>
      %mul3A_58 = vector.broadcast %squeeze3A_13 : f32 to vector<16xf32>
      %mul3A_59 = arith.mulf %mul3A_58, %get3A_57 : vector<16xf32>
      %add3A_60 = arith.addf %mul3A_53, %mul3A_59 : vector<16xf32>
      %swap3A_61 = arith.index_cast %scan3A_8 : i32 to index
      %swap3A_62 = arith.constant 16 : index
      %swap3A_63 = tpu.vector_load %arg13[%swap3A_61, %swap3A_62] {strides = array<i32>} : memref<320x64xf32, #tpu.memory_space<vmem>>, vector<1x16xf32>,
      %swap3A_64 = vector.shape_cast %swap3A_63 : vector<1x16xf32> to vector<16xf32>
      %swap3A_65 = vector.shape_cast %add3A_60 : vector<16xf32> to vector<1x16xf32>
      tpu.vector_store %arg13[%swap3A_61, %swap3A_62], %swap3A_65 {strides = array<i32>} : memref<320x64xf32, #tpu.memory_space<vmem>>, vector<1x16xf32>,
      %mul3A_66 = vector.broadcast %squeeze3A : f32 to vector<16xf32>
      %mul3A_67 = arith.mulf %mul3A_66, %add3A_60 : vector<16xf32>
      %swap3A_68 = arith.index_cast %scan3A_8 : i32 to index
      %swap3A_69 = arith.constant 16 : index
      %swap3A_70 = tpu.vector_load %arg12[%swap3A_68, %swap3A_69] {strides = array<i32>} : memref<320x64xf32, #tpu.memory_space<vmem>>, vector<1x16xf32>,
      %swap3A_71 = vector.shape_cast %swap3A_70 : vector<1x16xf32> to vector<16xf32>
      %swap3A_72 = vector.shape_cast %mul3A_67 : vector<16xf32> to vector<1x16xf32>
      tpu.vector_store %arg12[%swap3A_68, %swap3A_69], %swap3A_72 {strides = array<i32>} : memref<320x64xf32, #tpu.memory_space<vmem>>, vector<1x16xf32>,
      %get3A_73 = arith.index_cast %scan3A_8 : i32 to index
      %get3A_74 = arith.constant 32 : index
      %get3A_75 = tpu.vector_load %arg8[%get3A_73, %get3A_74] {strides = array<i32>} : memref<320x64xf32, #tpu.memory_space<vmem>>, vector<1x16xf32>,
      %get3A_76 = vector.shape_cast %get3A_75 : vector<1x16xf32> to vector<16xf32>
      %get3A_77 = arith.index_cast %scan3A_8 : i32 to index
      %get3A_78 = arith.constant 32 : index
      %get3A_79 = tpu.vector_load %arg9[%get3A_77, %get3A_78] {strides = array<i32>} : memref<320x64xf32, #tpu.memory_space<vmem>>, vector<1x16xf32>,
      %get3A_80 = vector.shape_cast %get3A_79 : vector<1x16xf32> to vector<16xf32>
      %add3A_81 = arith.addf %get3A_76, %get3A_80 : vector<16xf32>
      %mul3A_82 = vector.broadcast %squeeze3A : f32 to vector<16xf32>
      %mul3A_83 = arith.mulf %mul3A_82, %add3A_81 : vector<16xf32>
      %get3A_84 = arith.index_cast %scan3A_8 : i32 to index
      %get3A_85 = arith.constant 32 : index
      %get3A_86 = tpu.vector_load %arg10[%get3A_84, %get3A_85] {strides = array<i32>} : memref<320x64xf32, #tpu.memory_space<vmem>>, vector<1x16xf32>,
      %get3A_87 = vector.shape_cast %get3A_86 : vector<1x16xf32> to vector<16xf32>
      %mul3A_88 = vector.broadcast %squeeze3A_13 : f32 to vector<16xf32>
      %mul3A_89 = arith.mulf %mul3A_88, %get3A_87 : vector<16xf32>
      %add3A_90 = arith.addf %mul3A_83, %mul3A_89 : vector<16xf32>
      %swap3A_91 = arith.index_cast %scan3A_8 : i32 to index
      %swap3A_92 = arith.constant 32 : index
      %swap3A_93 = tpu.vector_load %arg13[%swap3A_91, %swap3A_92] {strides = array<i32>} : memref<320x64xf32, #tpu.memory_space<vmem>>, vector<1x16xf32>,
      %swap3A_94 = vector.shape_cast %swap3A_93 : vector<1x16xf32> to vector<16xf32>
      %swap3A_95 = vector.shape_cast %add3A_90 : vector<16xf32> to vector<1x16xf32>
      tpu.vector_store %arg13[%swap3A_91, %swap3A_92], %swap3A_95 {strides = array<i32>} : memref<320x64xf32, #tpu.memory_space<vmem>>, vector<1x16xf32>,
      %mul3A_96 = vector.broadcast %squeeze3A : f32 to vector<16xf32>
      %mul3A_97 = arith.mulf %mul3A_96, %add3A_90 : vector<16xf32>
      %swap3A_98 = arith.index_cast %scan3A_8 : i32 to index
      %swap3A_99 = arith.constant 32 : index
      %swap3A_100 = tpu.vector_load %arg12[%swap3A_98, %swap3A_99] {strides = array<i32>} : memref<320x64xf32, #tpu.memory_space<vmem>>, vector<1x16xf32>,
      %swap3A_101 = vector.shape_cast %swap3A_100 : vector<1x16xf32> to vector<16xf32>
      %swap3A_102 = vector.shape_cast %mul3A_97 : vector<16xf32> to vector<1x16xf32>
      tpu.vector_store %arg12[%swap3A_98, %swap3A_99], %swap3A_102 {strides = array<i32>} : memref<320x64xf32, #tpu.memory_space<vmem>>, vector<1x16xf32>,
      %get3A_103 = arith.index_cast %scan3A_8 : i32 to index
      %get3A_104 = arith.constant 48 : index
      %get3A_105 = tpu.vector_load %arg8[%get3A_103, %get3A_104] {strides = array<i32>} : memref<320x64xf32, #tpu.memory_space<vmem>>, vector<1x16xf32>,
      %get3A_106 = vector.shape_cast %get3A_105 : vector<1x16xf32> to vector<16xf32>
      %get3A_107 = arith.index_cast %scan3A_8 : i32 to index
      %get3A_108 = arith.constant 48 : index
      %get3A_109 = tpu.vector_load %arg9[%get3A_107, %get3A_108] {strides = array<i32>} : memref<320x64xf32, #tpu.memory_space<vmem>>, vector<1x16xf32>,
      %get3A_110 = vector.shape_cast %get3A_109 : vector<1x16xf32> to vector<16xf32>
      %add3A_111 = arith.addf %get3A_106, %get3A_110 : vector<16xf32>
      %mul3A_112 = vector.broadcast %squeeze3A : f32 to vector<16xf32>
      %mul3A_113 = arith.mulf %mul3A_112, %add3A_111 : vector<16xf32>
      %get3A_114 = arith.index_cast %scan3A_8 : i32 to index
      %get3A_115 = arith.constant 48 : index
      %get3A_116 = tpu.vector_load %arg10[%get3A_114, %get3A_115] {strides = array<i32>} : memref<320x64xf32, #tpu.memory_space<vmem>>, vector<1x16xf32>,
      %get3A_117 = vector.shape_cast %get3A_116 : vector<1x16xf32> to vector<16xf32>
      %mul3A_118 = vector.broadcast %squeeze3A_13 : f32 to vector<16xf32>
      %mul3A_119 = arith.mulf %mul3A_118, %get3A_117 : vector<16xf32>
      %add3A_120 = arith.addf %mul3A_113, %mul3A_119 : vector<16xf32>
      %swap3A_121 = arith.index_cast %scan3A_8 : i32 to index
      %swap3A_122 = arith.constant 48 : index
      %swap3A_123 = tpu.vector_load %arg13[%swap3A_121, %swap3A_122] {strides = array<i32>} : memref<320x64xf32, #tpu.memory_space<vmem>>, vector<1x16xf32>,
      %swap3A_124 = vector.shape_cast %swap3A_123 : vector<1x16xf32> to vector<16xf32>
      %swap3A_125 = vector.shape_cast %add3A_120 : vector<16xf32> to vector<1x16xf32>
      tpu.vector_store %arg13[%swap3A_121, %swap3A_122], %swap3A_125 {strides = array<i32>} : memref<320x64xf32, #tpu.memory_space<vmem>>, vector<1x16xf32>,
      %mul3A_126 = vector.broadcast %squeeze3A : f32 to vector<16xf32>
      %mul3A_127 = arith.mulf %mul3A_126, %add3A_120 : vector<16xf32>
      %swap3A_128 = arith.index_cast %scan3A_8 : i32 to index
      %swap3A_129 = arith.constant 48 : index
      %swap3A_130 = tpu.vector_load %arg12[%swap3A_128, %swap3A_129] {strides = array<i32>} : memref<320x64xf32, #tpu.memory_space<vmem>>, vector<1x16xf32>,
      %swap3A_131 = vector.shape_cast %swap3A_130 : vector<1x16xf32> to vector<16xf32>
      %swap3A_132 = vector.shape_cast %mul3A_127 : vector<16xf32> to vector<1x16xf32>
      tpu.vector_store %arg12[%swap3A_128, %swap3A_129], %swap3A_132 {strides = array<i32>} : memref<320x64xf32, #tpu.memory_space<vmem>>, vector<1x16xf32>,
    }
    %scan3A_7 = arith.constant 320 : i32
    "tpu.region"() ({
      %run_scoped3A = tpu.sem_alloc : memref<!tpu.dma_semaphore, #tpu.memory_space<semaphore_mem>>
      %dma_start3A = arith.constant 0 : i32
      %dma_start3A_8 = tpu.memref_slice %arg6[%mul3A_2, %dma_start3A] : memref<10240x64xf32, #tpu.memory_space<hbm>> -> memref<320x64xf32, #tpu.memory_space<hbm>>
      %dma_start3A_9 = arith.constant 0 : i32
      %dma_start3A_10 = tpu.memref_slice %arg6[%mul3A_2, %dma_start3A_9] : memref<10240x64xf32, #tpu.memory_space<hbm>> -> memref<320x64xf32, #tpu.memory_space<hbm>>
      tpu.enqueue_dma source(%arg12 : memref<320x64xf32, #tpu.memory_space<vmem>>) target(%dma_start3A_10 : memref<320x64xf32, #tpu.memory_space<hbm>>) target_semaphore(%run_scoped3A : memref<!tpu.dma_semaphore, #tpu.memory_space<semaphore_mem>>)
      %dma_wait3A = arith.constant 0 : i32
      %dma_wait3A_11 = tpu.memref_slice %arg6[%mul3A_2, %dma_wait3A] : memref<10240x64xf32, #tpu.memory_space<hbm>> -> memref<320x64xf32, #tpu.memory_space<hbm>>
      %dma_wait3A_12 = arith.constant 0 : i32
      %dma_wait3A_13 = tpu.memref_slice %arg6[%mul3A_2, %dma_wait3A_12] : memref<10240x64xf32, #tpu.memory_space<hbm>> -> memref<320x64xf32, #tpu.memory_space<hbm>>
      tpu.wait_dma2 semaphore(%run_scoped3A : memref<!tpu.dma_semaphore, #tpu.memory_space<semaphore_mem>>) src(%arg12 : memref<320x64xf32, #tpu.memory_space<vmem>>) dst(%dma_wait3A_13 : memref<320x64xf32, #tpu.memory_space<hbm>>)
      tpu.yield
    }) : () -> ()
    "tpu.region"() ({
      %run_scoped3A = tpu.sem_alloc : memref<!tpu.dma_semaphore, #tpu.memory_space<semaphore_mem>>
      %dma_start3A = arith.constant 0 : i32
      %dma_start3A_8 = tpu.memref_slice %arg7[%mul3A_2, %dma_start3A] : memref<10240x64xf32, #tpu.memory_space<hbm>> -> memref<320x64xf32, #tpu.memory_space<hbm>>
      %dma_start3A_9 = arith.constant 0 : i32
      %dma_start3A_10 = tpu.memref_slice %arg7[%mul3A_2, %dma_start3A_9] : memref<10240x64xf32, #tpu.memory_space<hbm>> -> memref<320x64xf32, #tpu.memory_space<hbm>>
      tpu.enqueue_dma source(%arg13 : memref<320x64xf32, #tpu.memory_space<vmem>>) target(%dma_start3A_10 : memref<320x64xf32, #tpu.memory_space<hbm>>) target_semaphore(%run_scoped3A : memref<!tpu.dma_semaphore, #tpu.memory_space<semaphore_mem>>)
      %dma_wait3A = arith.constant 0 : i32
      %dma_wait3A_11 = tpu.memref_slice %arg7[%mul3A_2, %dma_wait3A] : memref<10240x64xf32, #tpu.memory_space<hbm>> -> memref<320x64xf32, #tpu.memory_space<hbm>>
      %dma_wait3A_12 = arith.constant 0 : i32
      %dma_wait3A_13 = tpu.memref_slice %arg7[%mul3A_2, %dma_wait3A_12] : memref<10240x64xf32, #tpu.memory_space<hbm>> -> memref<320x64xf32, #tpu.memory_space<hbm>>
      tpu.wait_dma2 semaphore(%run_scoped3A : memref<!tpu.dma_semaphore, #tpu.memory_space<semaphore_mem>>) src(%arg13 : memref<320x64xf32, #tpu.memory_space<vmem>>) dst(%dma_wait3A_13 : memref<320x64xf32, #tpu.memory_space<hbm>>)
      tpu.yield
    }) : () -> ()
    return
  }
}

module attributes {stable_mosaic.version = 14 : i64} {
  func.func @_tc_matmul_body(%arg0: i32, %arg1: memref<2000x128xf32, #tpu.memory_space<vmem>>, %arg2: memref<64x128xf32, #tpu.memory_space<vmem>>, %arg3: memref<2000x64xf32, #tpu.memory_space<vmem>>) attributes {dimension_semantics = [#tpu.dimension_semantics<arbitrary>], iteration_bounds = array<i64: 5>, scalar_prefetch = 0 : i64, scratch_operands = 0 : i64, tpu.core_type = #tpu.core_type<tc>, window_params = [{transform_indices = @transform_0, window_bounds = array<i64: 2000, 128>}, {pipeline_mode = #tpu.pipeline_mode<synchronous>, transform_indices = @transform_1, window_bounds = array<i64: 64, 128>}, {transform_indices = @transform_2, window_bounds = array<i64: 2000, 64>}]} {
    %get3A = arith.constant 0 : index
    %get3A_0 = arith.constant 0 : index
    %get3A_1 = vector.load %arg1[%get3A, %get3A_0] : memref<2000x128xf32, #tpu.memory_space<vmem>>, vector<2000x128xf32>
    %get3A_2 = arith.constant 0 : index
    %get3A_3 = arith.constant 0 : index
    %get3A_4 = vector.load %arg2[%get3A_2, %get3A_3] : memref<64x128xf32, #tpu.memory_space<vmem>>, vector<64x128xf32>
    %dot_general3A = arith.constant dense<0.000000e+00> : vector<2000x64xf32>
    %dot_general3A_5 = tpu.matmul %get3A_1, %get3A_4, %dot_general3A {dimension_numbers = #tpu.dot_dimension_numbers<[1], [1], [0], [0], [0, 0, 1, 0], [], []>, transpose_lhs_hint = false} : vector<2000x128xf32>, vector<64x128xf32>, vector<2000x64xf32> -> vector<2000x64xf32>
    %swap3A = arith.constant 0 : index
    %swap3A_6 = arith.constant 0 : index
    %swap3A_7 = vector.load %arg3[%swap3A, %swap3A_6] : memref<2000x64xf32, #tpu.memory_space<vmem>>, vector<2000x64xf32>
    tpu.vector_store %arg3[%swap3A, %swap3A_6], %dot_general3A_5 {strides = array<i32>} : memref<2000x64xf32, #tpu.memory_space<vmem>>, vector<2000x64xf32>,
    return
  }
  func.func @transform_0(%arg0: i32) -> (i32, i32) {
    %c0_i32 = arith.constant 0 : i32
    %c0_i32_0 = arith.constant 0 : i32
    return %arg0, %c0_i32 : i32, i32
  }
  func.func @transform_1(%arg0: i32) -> (i32, i32) {
    %c0_i32 = arith.constant 0 : i32
    %c0_i32_0 = arith.constant 0 : i32
    %c0_i32_1 = arith.constant 0 : i32
    return %c0_i32, %c0_i32_0 : i32, i32
  }
  func.func @transform_2(%arg0: i32) -> (i32, i32) {
    %c0_i32 = arith.constant 0 : i32
    %c0_i32_0 = arith.constant 0 : i32
    return %arg0, %c0_i32 : i32, i32
  }
}

module attributes {stable_mosaic.version = 14 : i64} {
  func.func @_tc_scale_body(%arg0: i32, %arg1: memref<2000x64xf32, #tpu.memory_space<vmem>>, %arg2: memref<2000x16xf32, #tpu.memory_space<vmem>>, %arg3: memref<2000x16xf32, #tpu.memory_space<vmem>>, %arg4: memref<2000x64xf32, #tpu.memory_space<vmem>>, %arg5: memref<2000x16xf32, #tpu.memory_space<vmem>>) attributes {dimension_semantics = [#tpu.dimension_semantics<arbitrary>], iteration_bounds = array<i64: 5>, scalar_prefetch = 0 : i64, scratch_operands = 0 : i64, tpu.core_type = #tpu.core_type<tc>, window_params = [{transform_indices = @transform_0, window_bounds = array<i64: 2000, 64>}, {transform_indices = @transform_1, window_bounds = array<i64: 2000, 16>}, {transform_indices = @transform_2, window_bounds = array<i64: 2000, 16>}, {transform_indices = @transform_3, window_bounds = array<i64: 2000, 64>}, {transform_indices = @transform_4, window_bounds = array<i64: 2000, 16>}]} {
    %get3A = arith.constant 0 : index
    %get3A_0 = arith.constant 0 : index
    %get3A_1 = vector.load %arg2[%get3A, %get3A_0] : memref<2000x16xf32, #tpu.memory_space<vmem>>, vector<2000x16xf32>
    %slice3A = vector.extract_strided_slice %get3A_1 {offsets = [0, 0], sizes = [2000, 1], strides = [1, 1]} : vector<2000x16xf32> to vector<2000x1xf32>
    %get3A_2 = arith.constant 0 : index
    %get3A_3 = arith.constant 0 : index
    %get3A_4 = vector.load %arg3[%get3A_2, %get3A_3] : memref<2000x16xf32, #tpu.memory_space<vmem>>, vector<2000x16xf32>
    %slice3A_5 = vector.extract_strided_slice %get3A_4 {offsets = [0, 0], sizes = [2000, 1], strides = [1, 1]} : vector<2000x16xf32> to vector<2000x1xf32>
    %add3A = arith.addf %slice3A, %slice3A_5 : vector<2000x1xf32>
    %add3A_6 = arith.constant 2.000000e+00 : f32
    %add3A_7 = vector.broadcast %add3A_6 : f32 to vector<2000x1xf32>
    %add3A_8 = arith.addf %add3A, %add3A_7 : vector<2000x1xf32>
    %rsqrt3A = math.rsqrt %add3A_8 : vector<2000x1xf32>
    %div3A = arith.constant 2.000000e+00 : f32
    %div3A_9 = vector.broadcast %div3A : f32 to vector<2000x1xf32>
    %div3A_10 = arith.divf %div3A_9, %add3A_8 : vector<2000x1xf32>
    %get3A_11 = arith.constant 0 : index
    %get3A_12 = arith.constant 0 : index
    %get3A_13 = vector.load %arg1[%get3A_11, %get3A_12] : memref<2000x64xf32, #tpu.memory_space<vmem>>, vector<2000x64xf32>
    %mul3A = vector.broadcast %rsqrt3A : vector<2000x1xf32> to vector<2000x64xf32>
    %mul3A_14 = arith.mulf %get3A_13, %mul3A : vector<2000x64xf32>
    %swap3A = arith.constant 0 : index
    %swap3A_15 = arith.constant 0 : index
    %swap3A_16 = vector.load %arg4[%swap3A, %swap3A_15] : memref<2000x64xf32, #tpu.memory_space<vmem>>, vector<2000x64xf32>
    tpu.vector_store %arg4[%swap3A, %swap3A_15], %mul3A_14 {strides = array<i32>} : memref<2000x64xf32, #tpu.memory_space<vmem>>, vector<2000x64xf32>,
    %iota3A = tpu.iota {dimensions = array<i32: 1>} : vector<2000x16xi32>
    %eq3A = arith.constant 0 : i32
    %eq3A_17 = vector.broadcast %eq3A : i32 to vector<2000x16xi32>
    %eq3A_18 = arith.cmpi eq, %iota3A, %eq3A_17 : vector<2000x16xi32>
    %jit3A = arith.constant 0.000000e+00 : f32
    %broadcast_in_dim3A = vector.shape_cast %rsqrt3A : vector<2000x1xf32> to vector<2000x1xf32>
    %broadcast_in_dim3A_19 = vector.broadcast %broadcast_in_dim3A : vector<2000x1xf32> to vector<2000x16xf32>
    %broadcast_in_dim3A_20 = vector.broadcast %jit3A : f32 to vector<2000x16xf32>
    %select_n3A = arith.select %eq3A_18, %broadcast_in_dim3A_19, %broadcast_in_dim3A_20 : vector<2000x16xi1>, vector<2000x16xf32>
    %eq3A_21 = arith.constant 1 : i32
    %eq3A_22 = vector.broadcast %eq3A_21 : i32 to vector<2000x16xi32>
    %eq3A_23 = arith.cmpi eq, %iota3A, %eq3A_22 : vector<2000x16xi32>
    %jit3A_24 = arith.constant 0.000000e+00 : f32
    %broadcast_in_dim3A_25 = vector.shape_cast %div3A_10 : vector<2000x1xf32> to vector<2000x1xf32>
    %broadcast_in_dim3A_26 = vector.broadcast %broadcast_in_dim3A_25 : vector<2000x1xf32> to vector<2000x16xf32>
    %broadcast_in_dim3A_27 = vector.broadcast %jit3A_24 : f32 to vector<2000x16xf32>
    %select_n3A_28 = arith.select %eq3A_23, %broadcast_in_dim3A_26, %broadcast_in_dim3A_27 : vector<2000x16xi1>, vector<2000x16xf32>
    %add3A_29 = arith.addf %select_n3A, %select_n3A_28 : vector<2000x16xf32>
    %swap3A_30 = arith.constant 0 : index
    %swap3A_31 = arith.constant 0 : index
    %swap3A_32 = vector.load %arg5[%swap3A_30, %swap3A_31] : memref<2000x16xf32, #tpu.memory_space<vmem>>, vector<2000x16xf32>
    tpu.vector_store %arg5[%swap3A_30, %swap3A_31], %add3A_29 {strides = array<i32>} : memref<2000x16xf32, #tpu.memory_space<vmem>>, vector<2000x16xf32>,
    return
  }
  func.func @transform_0(%arg0: i32) -> (i32, i32) {
    %c0_i32 = arith.constant 0 : i32
    %c0_i32_0 = arith.constant 0 : i32
    return %arg0, %c0_i32 : i32, i32
  }
  func.func @transform_1(%arg0: i32) -> (i32, i32) {
    %c0_i32 = arith.constant 0 : i32
    %c0_i32_0 = arith.constant 0 : i32
    return %arg0, %c0_i32 : i32, i32
  }
  func.func @transform_2(%arg0: i32) -> (i32, i32) {
    %c0_i32 = arith.constant 0 : i32
    %c0_i32_0 = arith.constant 0 : i32
    return %arg0, %c0_i32 : i32, i32
  }
  func.func @transform_3(%arg0: i32) -> (i32, i32) {
    %c0_i32 = arith.constant 0 : i32
    %c0_i32_0 = arith.constant 0 : i32
    return %arg0, %c0_i32 : i32, i32
  }
  func.func @transform_4(%arg0: i32) -> (i32, i32) {
    %c0_i32 = arith.constant 0 : i32
    %c0_i32_0 = arith.constant 0 : i32
    return %arg0, %c0_i32 : i32, i32
  }
}

module attributes {stable_mosaic.version = 14 : i64} {
  func.func @_tc_comb2_body(%arg0: i32, %arg1: memref<2000x64xf32, #tpu.memory_space<vmem>>, %arg2: memref<2000x64xf32, #tpu.memory_space<vmem>>, %arg3: memref<2000x16xf32, #tpu.memory_space<vmem>>, %arg4: memref<2000x64xf32, #tpu.memory_space<vmem>>, %arg5: memref<1x64xf32, #tpu.memory_space<vmem>>, %arg6: memref<2000x64xf32, #tpu.memory_space<vmem>>) attributes {dimension_semantics = [#tpu.dimension_semantics<arbitrary>], iteration_bounds = array<i64: 5>, scalar_prefetch = 0 : i64, scratch_operands = 0 : i64, tpu.core_type = #tpu.core_type<tc>, window_params = [{transform_indices = @transform_0, window_bounds = array<i64: 2000, 64>}, {transform_indices = @transform_1, window_bounds = array<i64: 2000, 64>}, {transform_indices = @transform_2, window_bounds = array<i64: 2000, 16>}, {transform_indices = @transform_3, window_bounds = array<i64: 2000, 64>}, {pipeline_mode = #tpu.pipeline_mode<synchronous>, transform_indices = @transform_4, window_bounds = array<i64: 1, 64>}, {transform_indices = @transform_5, window_bounds = array<i64: 2000, 64>}]} {
    %get3A = arith.constant 0 : index
    %get3A_0 = arith.constant 0 : index
    %get3A_1 = vector.load %arg3[%get3A, %get3A_0] : memref<2000x16xf32, #tpu.memory_space<vmem>>, vector<2000x16xf32>
    %slice3A = vector.extract_strided_slice %get3A_1 {offsets = [0, 0], sizes = [2000, 1], strides = [1, 1]} : vector<2000x16xf32> to vector<2000x1xf32>
    %slice3A_2 = vector.extract_strided_slice %get3A_1 {offsets = [0, 1], sizes = [2000, 1], strides = [1, 1]} : vector<2000x16xf32> to vector<2000x1xf32>
    %get3A_3 = arith.constant 0 : index
    %get3A_4 = arith.constant 0 : index
    %get3A_5 = vector.load %arg1[%get3A_3, %get3A_4] : memref<2000x64xf32, #tpu.memory_space<vmem>>, vector<2000x64xf32>
    %get3A_6 = arith.constant 0 : index
    %get3A_7 = arith.constant 0 : index
    %get3A_8 = vector.load %arg2[%get3A_6, %get3A_7] : memref<2000x64xf32, #tpu.memory_space<vmem>>, vector<2000x64xf32>
    %add3A = arith.addf %get3A_5, %get3A_8 : vector<2000x64xf32>
    %mul3A = vector.broadcast %slice3A : vector<2000x1xf32> to vector<2000x64xf32>
    %mul3A_9 = arith.mulf %mul3A, %add3A : vector<2000x64xf32>
    %get3A_10 = arith.constant 0 : index
    %get3A_11 = arith.constant 0 : index
    %get3A_12 = vector.load %arg4[%get3A_10, %get3A_11] : memref<2000x64xf32, #tpu.memory_space<vmem>>, vector<2000x64xf32>
    %mul3A_13 = vector.broadcast %slice3A_2 : vector<2000x1xf32> to vector<2000x64xf32>
    %mul3A_14 = arith.mulf %mul3A_13, %get3A_12 : vector<2000x64xf32>
    %add3A_15 = arith.addf %mul3A_9, %mul3A_14 : vector<2000x64xf32>
    %get3A_16 = arith.constant 0 : index
    %get3A_17 = arith.constant 0 : index
    %get3A_18 = vector.load %arg5[%get3A_16, %get3A_17] : memref<1x64xf32, #tpu.memory_space<vmem>>, vector<1x64xf32>
    %add3A_19 = vector.broadcast %get3A_18 : vector<1x64xf32> to vector<2000x64xf32>
    %add3A_20 = arith.addf %add3A_15, %add3A_19 : vector<2000x64xf32>
    %reduce_max3A = arith.constant dense<0xFF800000> : vector<2000xf32>
    %reduce_max3A_21 = vector.multi_reduction <maximumf>, %add3A_20, %reduce_max3A [1] : vector<2000x64xf32> to vector<2000xf32>
    %broadcast_in_dim3A = vector.shape_cast %reduce_max3A_21 : vector<2000xf32> to vector<2000x1xf32>
    %sub3A = vector.broadcast %broadcast_in_dim3A : vector<2000x1xf32> to vector<2000x64xf32>
    %sub3A_22 = arith.subf %add3A_20, %sub3A : vector<2000x64xf32>
    %exp3A = math.exp %sub3A_22 : vector<2000x64xf32>
    %reduce_sum3A = arith.constant dense<0.000000e+00> : vector<2000xf32>
    %reduce_sum3A_23 = vector.multi_reduction <add>, %exp3A, %reduce_sum3A [1] : vector<2000x64xf32> to vector<2000xf32>
    %broadcast_in_dim3A_24 = vector.shape_cast %reduce_sum3A_23 : vector<2000xf32> to vector<2000x1xf32>
    %log3A = math.log %broadcast_in_dim3A_24 : vector<2000x1xf32>
    %add3A_25 = arith.addf %log3A, %broadcast_in_dim3A : vector<2000x1xf32>
    %sub3A_26 = vector.broadcast %add3A_25 : vector<2000x1xf32> to vector<2000x64xf32>
    %sub3A_27 = arith.subf %add3A_20, %sub3A_26 : vector<2000x64xf32>
    %swap3A = arith.constant 0 : index
    %swap3A_28 = arith.constant 0 : index
    %swap3A_29 = vector.load %arg6[%swap3A, %swap3A_28] : memref<2000x64xf32, #tpu.memory_space<vmem>>, vector<2000x64xf32>
    tpu.vector_store %arg6[%swap3A, %swap3A_28], %sub3A_27 {strides = array<i32>} : memref<2000x64xf32, #tpu.memory_space<vmem>>, vector<2000x64xf32>,
    return
  }
  func.func @transform_0(%arg0: i32) -> (i32, i32) {
    %c0_i32 = arith.constant 0 : i32
    %c0_i32_0 = arith.constant 0 : i32
    return %arg0, %c0_i32 : i32, i32
  }
  func.func @transform_1(%arg0: i32) -> (i32, i32) {
    %c0_i32 = arith.constant 0 : i32
    %c0_i32_0 = arith.constant 0 : i32
    return %arg0, %c0_i32 : i32, i32
  }
  func.func @transform_2(%arg0: i32) -> (i32, i32) {
    %c0_i32 = arith.constant 0 : i32
    %c0_i32_0 = arith.constant 0 : i32
    return %arg0, %c0_i32 : i32, i32
  }
  func.func @transform_3(%arg0: i32) -> (i32, i32) {
    %c0_i32 = arith.constant 0 : i32
    %c0_i32_0 = arith.constant 0 : i32
    return %arg0, %c0_i32 : i32, i32
  }
  func.func @transform_4(%arg0: i32) -> (i32, i32) {
    %c0_i32 = arith.constant 0 : i32
    %c0_i32_0 = arith.constant 0 : i32
    %c0_i32_1 = arith.constant 0 : i32
    return %c0_i32, %c0_i32_0 : i32, i32
  }
  func.func @transform_5(%arg0: i32) -> (i32, i32) {
    %c0_i32 = arith.constant 0 : i32
    %c0_i32_0 = arith.constant 0 : i32
    return %arg0, %c0_i32 : i32, i32
  }
}

</mosaic_0001>

<sc_bundles>
// kernel: kernel.12.cloned.1.call-start
scs
__scs_entry_jumppad:
0x0: {  	(pc) =	sbr.rel $0x88, $3  }
0x1: {  	(tag) =	ssettag $0x0;
	lr =	simm.s32 $0x1  }
0x2: {  	[smem:$0x3F9D] =	sst lr;
	_ =	strace $0xD0000000  }
0x3: {  	_ = 	snop  }
0x4: {  	_ = 	snop  }
0x5: {  	_ = 	snop  }
0x6: {  	_ = 	snop  }
0x7: {  	_ = 	snop  }
__scs_overlays_trampoline_lowered:
0x8: {  	[smem:$0x3FAC] =	sst s0  }
0x9: {  	[smem:$0x3FAD] =	sst s1  }
0xa: {  	[smem:$0x3FAE] =	sst s2  }
0xb: {  	[smem:$0x3FAF] =	sst s3  }
0xc: {  	[smem:$0x3FB0] =	sst s4  }
0xd: {  	[smem:$0x3FB1] =	sst s5  }
0xe: {  	[smem:$0x3FB2] =	sst s6  }
0xf: {  	[smem:$0x3FB3] =	sst s7  }
0x10: {  	[smem:$0x3FB4] =	sst s8  }
0x11: {  	[smem:$0x3FB5] =	sst s9;
	s0 =	simm.s32 @!p0 $0x0  }
0x12: {  	s1 =	sld [smem:$0x3F9B];
	s0 =	simm.s32 @p0 $0x1  }
0x13: {  	[smem:$0x3FB6] =	sst s0;
	s0 =	simm.s32 @!p1 $0x0  }
0x14: {  	s2 =	sld [smem:$0x3F9A];
	s0 =	simm.s32 @p1 $0x1  }
0x15: {  	[smem:$0x3FB7] =	sst s0;
	s0 =	simm.s32 @!p2 $0x0  }
0x16: {  	s3 =	sld [smem:$0x3FDB];
	s0 =	simm.s32 @p2 $0x1  }
0x17: {  	s4 =	simm.s32 $0x1BF5;
	[smem:$0x3FB9] =	sst s0  }
0x18: {  	s0 =	sld [smem:$0x3F9C];
	_ =	swait.ge [sflag:s4], $0x0  }
0x19: {  	s7 =	sld [smem:$0x3F9D]  }
0x1a: {  	s8 =	sadd.s32 $0xFFFFE003, lr  }
0x1b: {  	s9 =	sadd.s32 $0xFFFFFEF7, lr;
	s5 =	simm.s32 $0xFFFFFFFF;
	p2 =	slt.u32 s8, $0xFFFFF086  }
0x1c: {  	p1 =	slt.u32 s9, $0xF7A;
	s5 =	simm.s32 @!p2 $0x0  }
0x1d: {  	s5 =	simm.s32 @p1 $0x1;
	p0 =	seq.s32 s7, s2  }
0x1e: {  	s7 =	smul.u32 @!p0 $0xF7A, s2;
	p2 =	seq.s32 @!p0 s5, $0x0  }
0x1f: {  	s9 =	smul.u32 $0xF7A, s1;
	s8 =	simm.s32 @!p0 $0x1BF5;
	p2 =	por !p2, p0  }
0x20: {  	[sflag:s8] =	ssyncset.s32 @!p0 $0xFFFFF086;
	s6 =	sadd.s32 @!p0 s3, s7;
	s7 =	simm.s32 @!p0 $0x108  }
0x21: {  	s3 =	sadd.s32 s3, s9;
	s6 =	sadd.s32 @!p0 $0x88, s6;
	s7 =	simm.s32 @p2 $0x1082  }
0x22: {  	[simem:s7], [sflag:s8] =	dma.local @!p0 [hbm:s6], $0xF7A  }
0x23: {  	s9 =	sor.u32 $0xD0000000, s2;
	s6 =	simm.s32 $0x108;
	_ =	swait.ge @!p0 [sflag:s8], $0x0  }
0x24: {  	s3 =	sadd.s32 $0x88, s3;
	s6 =	simm.s32 @!p1 $0x1082;
	[sflag:s4] =	ssyncset.s32 $0xFFFFF086  }
0x25: {  	[simem:s6], [sflag:s4] =	dma.local [hbm:s3], $0xF7A  }
0x26: {  	[smem:$0x3F9D] =	sst s1;
	(tag) =	ssettag s2;
	_ =	strace s9  }
0x27: {  	s1 =	sld [smem:$0x3FAD]  }
0x28: {  	s2 =	sld [smem:$0x3FAE]  }
0x29: {  	s4 =	sld [smem:$0x3FB0]  }
0x2a: {  	p0 =	seq.s32 s5, $0x0;
	s5 =	sld [smem:$0x3FB1]  }
0x2b: {  	s6 =	sld [smem:$0x3FB2]  }
0x2c: {  	s7 =	sld [smem:$0x3FB3]  }
0x2d: {  	s3 =	simm.s32 $0x108;
	s8 =	sld [smem:$0x3FB4]  }
0x2e: {  	s3 =	simm.s32 @!p0 $0x1082;
	s9 =	sld [smem:$0x3FB5]  }
0x2f: {  	lr =	sadd.s32 s0, s3;
	s0 =	sld [smem:$0x3FAC]  }
0x30: {  	s3 =	sld [smem:$0x3FAF]  }
0x31: {  	[smem:$0x3FB8] =	sst s10  }
0x32: {  	s10 =	sld [smem:$0x3FB6];
	_ =	sdelay $0x3  }
0x33: {  	p0 =	seq.s32 s10, $0x1;
	s10 =	sld [smem:$0x3FB8];
	_ =	sdelay $0x3  }
0x34: {  	[smem:$0x3FB8] =	sst s10  }
0x35: {  	s10 =	sld [smem:$0x3FB7];
	_ =	sdelay $0x3  }
0x36: {  	p1 =	seq.s32 s10, $0x1;
	s10 =	sld [smem:$0x3FB8];
	_ =	sdelay $0x3  }
0x37: {  	[smem:$0x3FB8] =	sst s10  }
0x38: {  	s10 =	sld [smem:$0x3FB9]  }
0x39: {  	_ = 	snop;
	(pc) =	sbr.ind lr, $3  }
0x3a: {  	_ = 	snop  }
0x3b: {  	_ = 	snop  }
0x3c: {  	p2 =	seq.s32 s10, $0x1;
	s10 =	sld [smem:$0x3FB8]  }
0x3d: {  	_ =	shalt  }
0x3e: {  	_ =	shalt  }
0x3f: {  	_ =	shalt  }
0x40: {  	_ =	shalt  }
0x41: {  	_ =	shalt  }
0x42: {  	_ =	shalt  }
0x43: {  	_ =	shalt  }
0x44: {  	_ =	shalt  }
0x45: {  	_ =	shalt  }
0x46: {  	_ =	shalt  }
0x47: {  	_ =	shalt  }
0x48: {  	_ =	shalt  }
0x49: {  	_ =	shalt  }
0x4a: {  	_ =	shalt  }
0x4b: {  	_ =	shalt  }
0x4c: {  	_ =	shalt  }
0x4d: {  	_ =	shalt  }
0x4e: {  	_ =	shalt  }
0x4f: {  	_ =	shalt  }
0x50: {  	_ =	shalt  }
0x51: {  	_ =	shalt  }
0x52: {  	_ =	shalt  }
0x53: {  	_ =	shalt  }
0x54: {  	_ =	shalt  }
0x55: {  	_ =	shalt  }
0x56: {  	_ =	shalt  }
0x57: {  	_ =	shalt  }
0x58: {  	_ =	shalt  }
0x59: {  	_ =	shalt  }
0x5a: {  	_ =	shalt  }
0x5b: {  	_ =	shalt  }
0x5c: {  	_ =	shalt  }
0x5d: {  	_ =	shalt  }
0x5e: {  	_ =	shalt  }
0x5f: {  	_ =	shalt  }
0x60: {  	_ =	shalt  }
0x61: {  	_ =	shalt  }
0x62: {  	_ =	shalt  }
0x63: {  	_ =	shalt  }
0x64: {  	_ =	shalt  }
0x65: {  	_ =	shalt  }
0x66: {  	_ =	shalt  }
0x67: {  	_ =	shalt  }
0x68: {  	_ =	shalt  }
0x69: {  	_ =	shalt  }
0x6a: {  	_ =	shalt  }
0x6b: {  	_ =	shalt  }
0x6c: {  	_ =	shalt  }
0x6d: {  	_ =	shalt  }
0x6e: {  	_ =	shalt  }
0x6f: {  	_ =	shalt  }
0x70: {  	_ =	shalt  }
0x71: {  	_ =	shalt  }
0x72: {  	_ =	shalt  }
0x73: {  	_ =	shalt  }
0x74: {  	_ =	shalt  }
0x75: {  	_ =	shalt  }
0x76: {  	_ =	shalt  }
0x77: {  	_ =	shalt  }
0x78: {  	_ =	shalt  }
0x79: {  	_ =	shalt  }
0x7a: {  	_ =	shalt  }
0x7b: {  	_ =	shalt  }
0x7c: {  	_ =	shalt  }
0x7d: {  	_ =	shalt  }
0x7e: {  	_ =	shalt  }
0x7f: {  	_ =	shalt  }
0x80: {  	_ =	shalt  }
0x81: {  	_ =	shalt  }
0x82: {  	_ =	shalt  }
0x83: {  	_ =	shalt  }
0x84: {  	_ =	shalt  }
0x85: {  	_ =	shalt  }
0x86: {  	_ =	shalt  }
0x87: {  	_ =	shalt  }
.Lfunc_end0:
.L_simem_size_0:
called_computation.1_lowered:
.L_overlay_start_0:
0x88: {  	s2 =	sld [smem:$0x3FD9]  }
0x89: {  	s3 =	sld [smem:$0x3FFE];
	_ =	sdelay $0x1  }
0x8a: {  	s1 =	srdreg.scid  }
0x8b: {  	s0 =	sand.u32 $0x1, s1  }
0x8c: {  	s16 =	sshll.u32 s0, $0xA;
	s2 =	sadd.s32 s3, s2  }
0x8d: {  	s2 =	sadd.s32 s2, s16  }
0x8e: {  	[smem:$0x3FC4] =	sst s2  }
0x8f: {  	_ = 	snop  }
0x90: {  	(tm) =	ssettm $0x1  }
0x91: {  	s17 =	sld [smem:$0x3FFB];
	_ =	sdelay $0x3  }
0x92: {  	_ =	strace s17  }
0x93: {  	s2 =	sld [smem:$0x3FFC];
	_ =	sdelay $0x3  }
0x94: {  	_ =	strace s2  }
0x95: {  	s2 =	sld [smem:$0x3FFD];
	_ =	sdelay $0x3  }
0x96: {  	_ =	strace s2  }
0x97: {  	_ =	strace $0x8FFFFFFF  }
0x98: {  	s18 =	sld [smem:$0x3FDB];
	_ =	sdelay $0x1  }
0x99: {  	s19 =	simm.s32 $_scs_section_size  }
0x9a: {  	s4 =	simm.s32 $_size__tile_overlayer_lowered;
	s5 =	simm.s32 $_tile_overlayer_lowered  }
0x9b: {  	s22 =	simm.s32 $0x1BFF;
	s21 =	sshll.u32 s5, $0x1;
	s2 =	sadd.s32 s19, s18  }
0x9c: {  	s6 =	simm.s32 $0x0;
	s20 =	sshll.u32 s4, $0x1;
	s4 =	sadd.s32 s21, s2  }
0x9d: {  	[timem:s6], [sflag:s22] =	dma.local [hbm:s4], s20  }
0x9e: {  	_ =	swait.ge [sflag:s22], s20  }
0x9f: {  	s3 =	ssub.s32 $0x0, s20;
	[sflag:s22] =	ssyncset.done $0x0  }
0xa0: {  	[sflag:s22] =	ssyncadd.s32 s3;
	_ =	sdelay $0x1  }
0xa1: {  	s23 =	simm.s32 $0x1B8B  }
0xa2: {  	_ =	swait.ge [sflag:s23], $0x1  }
0xa3: {  	[sflag:s23] =	ssyncset.done $0x0  }
0xa4: {  	s25 =	simm.s32 $0x1B8E;
	s24 =	sld [smem:$0x3FFE];
	[sflag:s23] =	ssyncadd.s32 $0xFFFFFFFF  }
0xa5: {  	s26 =	simm.s32 $execute0_lowered;
	[smem:$0x3FD2] =	sst s25  }
0xa6: {  	s4 =	sshll.u32 s26, $0x1;
	_ =	strace $0x80000049;
	[dreg:$0x1] =	wrdreg $0xFFFFFFFF  }
0xa7: {  	s28 =	simm.s32 $_size_execute0_lowered;
	s2 =	sadd.s32 s2, s4;
	[dreg:$0x0] =	wrdreg $0x0  }
0xa8: {  	s4 =	sshll.u32 s28, $0x1;
	[dreg:$0x2] =	wrdreg s2  }
0xa9: {  	[dreg:$0x3] =	wrdreg s4  }
0xaa: {  	[dreg:$0x4] =	wrdreg $0xC0  }
0xab: {  	_ =	task [dreg:s6], $0x5FFFF  }
0xac: {  	[dreg:$0x1] =	wrdreg $0xFFFFFFFF  }
0xad: {  	[dreg:$0x0] =	wrdreg $0x60  }
0xae: {  	[dreg:$0x2] =	wrdreg s24  }
0xaf: {  	[dreg:$0x3] =	wrdreg $0xED000  }
0xb0: {  	[dreg:$0x4] =	wrdreg $0x9  }
0xb1: {  	_ =	task.clear_ibuf [dreg:s6], $0x5FFFF;
	_ =	strace $0x90000049  }
0xb2: {  	s29 =	simm.s32 $0x9;
	_ =	strace $0x8000004B  }
0xb3: {  	_ =	swait.ge [sflag:s29], $0x1  }
0xb4: {  	[sflag:s29] =	ssyncadd.s32 $0xFFFFFFFF  }
0xb5: {  	_ =	strace $0x9000004B  }
0xb6: {  	_ =	sfence  }
0xb7: {  	s30 =	sld [smem:$0x0];
	_ =	sdelay $0x2  }
0xb8: {  	s31 =	sshll.u32 s1, $0xD;
	s1 =	sshrl.u32 s1, $0x2  }
0xb9: {  	s3 =	sand.u32 $0x4000, s31;
	s1 =	sadd.s32 s1, s30  }
0xba: {  	s0 =	sor.u32 s3, s0;
	s1 =	sshll.u32 s1, $0x11  }
0xbb: {  	s0 =	sor.u32 s1, s0  }
0xbc: {  	s0 =	sadd.s32 $0x8F2B, s0  }
0xbd: {  	[sflag:s0] =	ssyncadd.remote.s32 $0x1  }
0xbe: {  	_ =	sfence.sel $0xFFFF  }
0xbf: {  	[dreg:$0x0] =	wrdreg $0xFFFFFFFF;
	(pc) =	sbr.abs _section_cstart, $3  }
0xc0: {  	[dreg:$0x1] =	wrdreg $0xFFFFFFFF  }
0xc1: {  	_ =	task.clear_ibuf [dreg:s6], $0x2FFFF;
	_ =	strace $0x9FFFFFFF  }
0xc2: {  	(tm) =	ssettm $0x7FFFFFFF  }
0xc3: {  	_ =	shalt  }
tec
execute0_lowered:
.L_overlay_start_1:
0x0: {  	(tag) =	ssettag $0x1  }
0x1: {  	s0 =	rddreg [dreg:$0x0]  }
0x2: {  	s1 =	rddreg [dreg:$0x1];
	s3 =	simm.s32 $0x0;
	s2 =	srdreg.scid  }
0x3: {  	s9 =	stileid.u32;
	s16 =	simm.s32 $0x2800;
	s17 =	simm.s32 $0x7D  }
0x4: {  	s18 =	simm.s32 $0x5000;
	s20 =	simm.s32 $0x6F40;
	s21 =	simm.s32 $0x1  }
0x5: {  	s23 =	simm.s32 $0x8E80;
	s28 =	simm.s32 $0xADC0;
	s29 =	simm.s32 $0x3  }
0x6: {  	s31 =	simm.s32 $0x5;
	s22 =	simm.s32 $0x6;
	s30 =	simm.s32 $0x8  }
0x7: {  	[smem:$0x7FF] =	sst s3;
	s2 =	sand.u32 $0x1, s2;
	s6 =	smul.u32 $0x28000, s9  }
0x8: {  	s4 =	sadd.s32 $0x17400, s0;
	s11 =	sadd.s32 $0x3400, s0;
	s8 =	sshll.u32 s9, $0x1  }
0x9: {  	s12 =	smul.u32 $0xA000, s9;
	_ =	strace $0x8000004A;
	s5 =	ssub.s32 $0x2, s2  }
0xa: {  	s24 =	sor.u32 s2, s8;
	p0 =	seq.s32 s2, $0x1;
	s2 =	simm.s32 $0x3F400  }
0xb: {  	s7 =	sshrl.u32 s5, $0x1;
	s6 =	sshrl.u32 s6, $0x2;
	s14 =	smul.u32 $0x500, s24  }
0xc: {  	s15 =	smul.u32 $0x2800, s24;
	s2 =	simm.s32 @!p0 $0x2B400;
	s26 =	sshrl.u32 s12, $0x3  }
0xd: {  	s24 =	simm.s32 $0x2;
	s13 =	ssub.s32 s5, s7;
	s10 =	sadd.s32 s6, s1  }
0xe: {  	s5 =	sadd.s32 s12, s1;
	s0 =	sadd.s32 s2, s0;
	s2 =	simm.s32 $0x4  }
.Ltmp0:
0xf: {  	s6 =	sadd.s32 $0x2000, s10;
	s7 =	sadd.s32 $0x4000, s10;
	(pc) =	sbr.rel .LBB2_1-.Ltmp0, $4  }
0x10: {  	s8 =	sadd.s32 $0x6000, s10;
	s9 =	sadd.s32 $0x8000, s10;
	s10 =	sadd.s32 s11, s14  }
0x11: {  	s25 =	sshrl.u32 s15, $0x3;
	s12 =	smax.u32 s13, $0x1;
	s13 =	sadd.s32 s0, s26  }
0x12: {  	s14 =	simm.s32 $0xCD00;
	s15 =	simm.s32 $0x9;
	s11 =	sadd.s32 s11, s25  }
0x13: {  	v0 =	vimm.f32 $0.0e+00;
	s26 =	simm.s32 $0x7;
	[dreg:$0x3] =	wrdreg s6;
	s11 =	sadd.s32 $0xA000, s11  }
.LBB2_6:
0x14: {  	_ =	swait.ge [sflag:s2], $0x1F40  }
0x15: {  	[sflag:s2] =	ssyncset.done $0x0  }
0x16: {  	[sflag:s2] =	ssyncadd.s32 $0xFFFFE0C0  }
0x17: {  	[spmem:s1] =	stream.indirect.scatter.add.f32 [tilespmem:s28], [sflag:$0x8], $0x40, s25, s17, $0xb8;
	[tilespmem:$0x18D00] =	vst v63  }
0x18: {  	_ =	swait.ge [sflag:s22], $0x1F40  }
0x19: {  	[sflag:s22] =	ssyncset.done $0x0  }
0x1a: {  	[sflag:s22] =	ssyncadd.s32 $0xFFFFE0C0  }
0x1b: {  	_ =	swait.ge [sflag:s26], $0x1F40  }
0x1c: {  	[sflag:s26] =	ssyncset.done $0x0  }
0x1d: {  	[sflag:s26] =	ssyncadd.s32 $0xFFFFE0C0  }
0x1e: {  	s0 =	stileid.u32;
	_ =	swait.ge [sflag:s30], $0x1F40  }
0x1f: {  	s6 =	sshrl.u32 s5, $0x3;
	s3 =	sadd.s32 $0x1, s3;
	[sflag:s30] =	ssyncset.done $0x0  }
0x20: {  	s0 =	sshll.u32 s0, $0x6;
	p0 =	sne.s32 s3, s12;
	[sflag:s30] =	ssyncadd.s32 $0xFFFFE0C0  }
.Ltmp1:
0x21: {  	s0 =	sor.u32 $0x1C09, s0;
	[bflag:$0x0] =	sbarrier.arrive $0xFFFF;
	(pc) =	sbr.rel @!p0 .LBB2_7-.Ltmp1, $4  }
0x22: {  	[hbm:s13], [sflag:s0] =	dma.local [spmem:s6], $0x1400  }
0x23: {  	_ =	swait.ge [sflag:s15], $0x1400  }
0x24: {  	[sflag:s15] =	ssyncset.done $0x0  }
0x25: {  	[sflag:s15] =	ssyncadd.s32 $0xFFFFEC00  }
.LBB2_1:
0x26: {  	s19 =	simm.s32 $0x100;
	s0 =	simm.s32 $0x0  }
.LBB2_2:
0x27: {  	p0 =	sne.s32 s19, $0x7F00;
	[tilespmem:s0+$0xCD30] =	vst v0;
	s25 =	smov.u32 s19;
	s19 =	sadd.s32 $0x100, s19  }
.Ltmp2:
0x28: {  	[tilespmem:s0+$0xCD20] =	vst v0;
	(pc) =	sbr.rel @p0 .LBB2_2-.Ltmp2, $3  }
0x29: {  	[tilespmem:s0+$0xCD00] =	vst v0  }
0x2a: {  	[tilespmem:s0+$0xCD10] =	vst v0;
	_ =	sdelay $0x1  }
0x2b: {  	s0 =	sshra.s32 s25, $0x2  }
0x2c: {  	[tilespmem:s0+$0xCD30] =	vst v0  }
0x2d: {  	[tilespmem:s0+$0xCD20] =	vst v0  }
0x2e: {  	[tilespmem:s0+$0xCD00] =	vst v0  }
0x2f: {  	[tilespmem:s0+$0xCD10] =	vst v0  }
0x30: {  	[spmem:s5] =	stream.linear.scatter [tilespmem:s14], [sflag:$0x9], $0x2000, $0x38;
	[tilespmem:$0x18D00] =	vst v63  }
0x31: {  	_ =	swait.ge [sflag:s15], $0x2000  }
0x32: {  	[sflag:s15] =	ssyncset.done $0x0  }
0x33: {  	s19 =	rddreg [dreg:$0x3];
	[sflag:s15] =	ssyncadd.s32 $0xFFFFE000  }
0x34: {  	[spmem:s19] =	stream.linear.scatter [tilespmem:s14], [sflag:$0x9], $0x2000, $0x38;
	[tilespmem:$0x18D00] =	vst v63  }
0x35: {  	_ =	swait.ge [sflag:s15], $0x2000  }
0x36: {  	[sflag:s15] =	ssyncset.done $0x0  }
0x37: {  	[sflag:s15] =	ssyncadd.s32 $0xFFFFE000  }
0x38: {  	[spmem:s7] =	stream.linear.scatter [tilespmem:s14], [sflag:$0x9], $0x2000, $0x38;
	[tilespmem:$0x18D00] =	vst v63  }
0x39: {  	_ =	swait.ge [sflag:s15], $0x2000  }
0x3a: {  	[sflag:s15] =	ssyncset.done $0x0  }
0x3b: {  	[sflag:s15] =	ssyncadd.s32 $0xFFFFE000  }
0x3c: {  	[spmem:s8] =	stream.linear.scatter [tilespmem:s14], [sflag:$0x9], $0x2000, $0x38;
	[tilespmem:$0x18D00] =	vst v63  }
0x3d: {  	_ =	swait.ge [sflag:s15], $0x2000  }
0x3e: {  	[sflag:s15] =	ssyncset.done $0x0  }
0x3f: {  	[sflag:s15] =	ssyncadd.s32 $0xFFFFE000  }
0x40: {  	[spmem:s9] =	stream.linear.scatter [tilespmem:s14], [sflag:$0x9], $0x2000, $0x38;
	[tilespmem:$0x18D00] =	vst v63  }
0x41: {  	_ =	swait.ge [sflag:s15], $0x2000  }
0x42: {  	[sflag:s15] =	ssyncset.done $0x0  }
0x43: {  	s0 =	simm.s32 $0x0;
	[sflag:s15] =	ssyncadd.s32 $0xFFFFE000  }
0x44: {  	[tilespmem:s0], [sflag:$0x9] =	stream.linear.gather [hbm4b:s10+s0], $0x2800, $0x38;
	[tilespmem:$0x18D00] =	vst v63  }
0x45: {  	_ =	swait.ge [sflag:s15], $0x2800  }
0x46: {  	[sflag:s15] =	ssyncset.done $0x0  }
0x47: {  	[sflag:s15] =	ssyncadd.s32 $0xFFFFD800  }
0x48: {  	[tilespmem:s16], [sflag:$0x9] =	stream.linear.gather [hbm4b:s11+s0], $0x2800, $0x38;
	[tilespmem:$0x18D00] =	vst v63  }
0x49: {  	_ =	swait.ge [sflag:s15], $0x2800  }
0x4a: {  	[sflag:s15] =	ssyncset.done $0x0  }
0x4b: {  	[sflag:s15] =	ssyncadd.s32 $0xFFFFD800  }
0x4c: {  	[bflag:$0x0] =	sbarrier.arrive $0xFFFF  }
0x4d: {  	[tilespmem:s18], [sflag:$0x1] =	stream.indirect.gather [hbm4b:s4+s17], $0x40, s0, s17, $0xb8;
	[tilespmem:$0x18D00] =	vst v63  }
0x4e: {  	s6 =	simm.s32 $0x80  }
0x4f: {  	[tilespmem:s20], [sflag:$0x2] =	stream.indirect.gather [hbm4b:s4+s17], $0x40, s6, s17, $0xb8;
	[tilespmem:$0x18D00] =	vst v63  }
0x50: {  	_ =	swait.ge [sflag:s21], $0x1F40  }
0x51: {  	[sflag:s21] =	ssyncset.done $0x0  }
0x52: {  	[sflag:s21] =	ssyncadd.s32 $0xFFFFE0C0  }
0x53: {  	[spmem:s1] =	stream.indirect.scatter.add.f32 [tilespmem:s18], [sflag:$0x5], $0x40, s16, s17, $0xb8;
	[tilespmem:$0x18D00] =	vst v63  }
0x54: {  	s25 =	simm.s32 $0x100  }
0x55: {  	[tilespmem:s23], [sflag:$0x3] =	stream.indirect.gather [hbm4b:s4+s17], $0x40, s25, s17, $0xb8;
	[tilespmem:$0x18D00] =	vst v63  }
0x56: {  	_ =	swait.ge [sflag:s24], $0x1F40  }
0x57: {  	[sflag:s24] =	ssyncset.done $0x0  }
0x58: {  	s19 =	simm.s32 $0x2880;
	[sflag:s24] =	ssyncadd.s32 $0xFFFFE0C0  }
0x59: {  	[spmem:s1] =	stream.indirect.scatter.add.f32 [tilespmem:s20], [sflag:$0x6], $0x40, s19, s17, $0xb8;
	[tilespmem:$0x18D00] =	vst v63  }
0x5a: {  	s25 =	simm.s32 $0x180  }
0x5b: {  	[tilespmem:s28], [sflag:$0x4] =	stream.indirect.gather [hbm4b:s4+s17], $0x40, s25, s17, $0xb8;
	[tilespmem:$0x18D00] =	vst v63  }
0x5c: {  	_ =	swait.ge [sflag:s29], $0x1F40  }
0x5d: {  	[sflag:s29] =	ssyncset.done $0x0  }
0x5e: {  	s19 =	simm.s32 $0x2900;
	[sflag:s29] =	ssyncadd.s32 $0xFFFFE0C0  }
0x5f: {  	[spmem:s1] =	stream.indirect.scatter.add.f32 [tilespmem:s23], [sflag:$0x7], $0x40, s19, s17, $0xb8;
	[tilespmem:$0x18D00] =	vst v63  }
0x60: {  	_ =	swait.ge [sflag:s31], $0x1F40  }
0x61: {  	[sflag:s31] =	ssyncset.done $0x0  }
0x62: {  	s25 =	simm.s32 $0x200;
	[sflag:s31] =	ssyncadd.s32 $0xFFFFE0C0  }
0x63: {  	[tilespmem:s18], [sflag:$0x1] =	stream.indirect.gather [hbm4b:s4+s17], $0x40, s25, s17, $0xb8;
	[tilespmem:$0x18D00] =	vst v63  }
0x64: {  	_ =	swait.ge [sflag:s2], $0x1F40  }
0x65: {  	[sflag:s2] =	ssyncset.done $0x0  }
0x66: {  	s19 =	simm.s32 $0x2980;
	[sflag:s2] =	ssyncadd.s32 $0xFFFFE0C0  }
0x67: {  	[spmem:s1] =	stream.indirect.scatter.add.f32 [tilespmem:s28], [sflag:$0x8], $0x40, s19, s17, $0xb8;
	[tilespmem:$0x18D00] =	vst v63  }
0x68: {  	_ =	swait.ge [sflag:s22], $0x1F40  }
0x69: {  	[sflag:s22] =	ssyncset.done $0x0  }
0x6a: {  	s25 =	simm.s32 $0x280;
	[sflag:s22] =	ssyncadd.s32 $0xFFFFE0C0  }
0x6b: {  	[tilespmem:s20], [sflag:$0x2] =	stream.indirect.gather [hbm4b:s4+s17], $0x40, s25, s17, $0xb8;
	[tilespmem:$0x18D00] =	vst v63  }
.LBB2_4:
0x6c: {  	_ =	swait.ge [sflag:s21], $0x1F40  }
0x6d: {  	s19 =	sshra.s32 s0, $0x2;
	[sflag:s21] =	ssyncset.done $0x0  }
0x6e: {  	s25 =	sadd.s32 $0x2A00, s19;
	[sflag:s21] =	ssyncadd.s32 $0xFFFFE0C0  }
0x6f: {  	[spmem:s1] =	stream.indirect.scatter.add.f32 [tilespmem:s18], [sflag:$0x5], $0x40, s25, s17, $0xb8;
	[tilespmem:$0x18D00] =	vst v63  }
0x70: {  	_ =	swait.ge [sflag:s26], $0x1F40  }
0x71: {  	[sflag:s26] =	ssyncset.done $0x0  }
0x72: {  	s6 =	sadd.s32 $0x300, s19;
	[sflag:s26] =	ssyncadd.s32 $0xFFFFE0C0  }
0x73: {  	[tilespmem:s23], [sflag:$0x3] =	stream.indirect.gather [hbm4b:s4+s17], $0x40, s6, s17, $0xb8;
	[tilespmem:$0x18D00] =	vst v63  }
0x74: {  	_ =	swait.ge [sflag:s24], $0x1F40  }
0x75: {  	[sflag:s24] =	ssyncset.done $0x0  }
0x76: {  	s6 =	sadd.s32 $0x2A80, s19;
	[sflag:s24] =	ssyncadd.s32 $0xFFFFE0C0  }
0x77: {  	[spmem:s1] =	stream.indirect.scatter.add.f32 [tilespmem:s20], [sflag:$0x6], $0x40, s6, s17, $0xb8;
	[tilespmem:$0x18D00] =	vst v63  }
0x78: {  	_ =	swait.ge [sflag:s30], $0x1F40  }
0x79: {  	[sflag:s30] =	ssyncset.done $0x0  }
0x7a: {  	s6 =	sadd.s32 $0x380, s19;
	[sflag:s30] =	ssyncadd.s32 $0xFFFFE0C0  }
0x7b: {  	[tilespmem:s28], [sflag:$0x4] =	stream.indirect.gather [hbm4b:s4+s17], $0x40, s6, s17, $0xb8;
	[tilespmem:$0x18D00] =	vst v63  }
0x7c: {  	_ =	swait.ge [sflag:s29], $0x1F40  }
0x7d: {  	p0 =	seq.s32 s0, $0x9000;
	[sflag:s29] =	ssyncset.done $0x0  }
.Ltmp3:
0x7e: {  	s6 =	sadd.s32 $0x2B00, s19;
	[sflag:s29] =	ssyncadd.s32 $0xFFFFE0C0;
	(pc) =	sbr.rel @p0 .LBB2_6-.Ltmp3, $4  }
0x7f: {  	[spmem:s1] =	stream.indirect.scatter.add.f32 [tilespmem:s23], [sflag:$0x7], $0x40, s6, s17, $0xb8;
	[tilespmem:$0x18D00] =	vst v63  }
0x80: {  	_ =	swait.ge [sflag:s31], $0x1F40  }
0x81: {  	[sflag:s31] =	ssyncset.done $0x0  }
0x82: {  	s25 =	sadd.s32 $0x2B80, s19;
	[sflag:s31] =	ssyncadd.s32 $0xFFFFE0C0  }
0x83: {  	s6 =	sadd.s32 $0x400, s19  }
0x84: {  	[tilespmem:s18], [sflag:$0x1] =	stream.indirect.gather [hbm4b:s4+s17], $0x40, s6, s17, $0xb8;
	[tilespmem:$0x18D00] =	vst v63  }
0x85: {  	_ =	swait.ge [sflag:s2], $0x1F40  }
0x86: {  	[sflag:s2] =	ssyncset.done $0x0  }
0x87: {  	[sflag:s2] =	ssyncadd.s32 $0xFFFFE0C0  }
0x88: {  	[spmem:s1] =	stream.indirect.scatter.add.f32 [tilespmem:s28], [sflag:$0x8], $0x40, s25, s17, $0xb8;
	[tilespmem:$0x18D00] =	vst v63  }
.Ltmp4:
0x89: {  	_ = 	snop;
	(pc) =	sbr.rel .LBB2_4-.Ltmp4, $4  }
0x8a: {  	_ =	swait.ge [sflag:s22], $0x1F40  }
0x8b: {  	[sflag:s22] =	ssyncset.done $0x0  }
0x8c: {  	s0 =	sadd.s32 $0x800, s0;
	s25 =	sadd.s32 $0x480, s19;
	[sflag:s22] =	ssyncadd.s32 $0xFFFFE0C0  }
0x8d: {  	[tilespmem:s20], [sflag:$0x2] =	stream.indirect.gather [hbm4b:s4+s17], $0x40, s25, s17, $0xb8;
	[tilespmem:$0x18D00] =	vst v63  }
.LBB2_7:
0x8e: {  	_ =	sfence.sel $0x180000  }
0x8f: {  	[bflag:$0x0] =	sbarrier.arrive $0xFFFF  }
0x90: {  	_ =	strace $0x9000004A  }
0x91: {  	s0 =	stileid.u32;
	[bflag:$0x2] =	sbarrier.arrive $0xFFFF  }
0x92: {  	p0 =	sne.s32 s0, $0x0;
	s0 =	rddreg [dreg:$0x2]  }
0x93: {  	s0 =	sadd.s32 @!p0 $0x100000, s0  }
0x94: {  	[sflag:s0] =	ssyncadd.tile.s32 @!p0 $0x1;
	_ =	shalt  }
.Lfunc_end2:
_tile_overlayer_lowered:
.L_overlay_start_2:
0x95: {  	(tag) =	ssettag $0x2  }
0x96: {  	s0 =	rddreg [dreg:$0x0];
	s2 =	stileid.u32  }
0x97: {  	s1 =	rddreg [dreg:$0x1];
	p0 =	sne.s32 s2, $0x0  }
0x98: {  	s3 =	rddreg [dreg:$0x2];
	[bflag:$0x3] =	sbarrier.arrive $0xFFFF;
	s2 =	simm.s32 @!p0 $0x1C09  }
0x99: {  	[timem:s3], [sflag:s2] =	dma.local @!p0 [hbm:s0], s1  }
0x9a: {  	s0 =	simm.s32 @!p0 $0x9  }
0x9b: {  	_ =	swait.ge @!p0 [sflag:s0], s1  }
0x9c: {  	s1 =	ssub.s32 @!p0 $0x0, s1;
	[sflag:s0] =	ssyncset.done @!p0 $0x0  }
0x9d: {  	[sflag:s0] =	ssyncadd.s32 @!p0 s1  }
0x9e: {  	[bflag:$0x3] =	sbarrier.arrive $0xFFFF  }
0x9f: {  	_ =	shalt  }

// kernel: kernel.15.cloned.1.call-start
scs
__scs_entry_jumppad:
0x0: {  	(pc) =	sbr.rel $0x88, $3  }
0x1: {  	(tag) =	ssettag $0x0;
	lr =	simm.s32 $0x1  }
0x2: {  	[smem:$0x3F9D] =	sst lr;
	_ =	strace $0xD0000000  }
0x3: {  	_ = 	snop  }
0x4: {  	_ = 	snop  }
0x5: {  	_ = 	snop  }
0x6: {  	_ = 	snop  }
0x7: {  	_ = 	snop  }
__scs_overlays_trampoline_lowered:
0x8: {  	[smem:$0x3FAC] =	sst s0  }
0x9: {  	[smem:$0x3FAD] =	sst s1  }
0xa: {  	[smem:$0x3FAE] =	sst s2  }
0xb: {  	[smem:$0x3FAF] =	sst s3  }
0xc: {  	[smem:$0x3FB0] =	sst s4  }
0xd: {  	[smem:$0x3FB1] =	sst s5  }
0xe: {  	[smem:$0x3FB2] =	sst s6  }
0xf: {  	[smem:$0x3FB3] =	sst s7  }
0x10: {  	[smem:$0x3FB4] =	sst s8  }
0x11: {  	[smem:$0x3FB5] =	sst s9;
	s0 =	simm.s32 @!p0 $0x0  }
0x12: {  	s1 =	sld [smem:$0x3F9B];
	s0 =	simm.s32 @p0 $0x1  }
0x13: {  	[smem:$0x3FB6] =	sst s0;
	s0 =	simm.s32 @!p1 $0x0  }
0x14: {  	s2 =	sld [smem:$0x3F9A];
	s0 =	simm.s32 @p1 $0x1  }
0x15: {  	[smem:$0x3FB7] =	sst s0;
	s0 =	simm.s32 @!p2 $0x0  }
0x16: {  	s3 =	sld [smem:$0x3FDB];
	s0 =	simm.s32 @p2 $0x1  }
0x17: {  	s4 =	simm.s32 $0x1BF5;
	[smem:$0x3FB9] =	sst s0  }
0x18: {  	s0 =	sld [smem:$0x3F9C];
	_ =	swait.ge [sflag:s4], $0x0  }
0x19: {  	s7 =	sld [smem:$0x3F9D]  }
0x1a: {  	s8 =	sadd.s32 $0xFFFFE003, lr  }
0x1b: {  	s9 =	sadd.s32 $0xFFFFFEF7, lr;
	s5 =	simm.s32 $0xFFFFFFFF;
	p2 =	slt.u32 s8, $0xFFFFF086  }
0x1c: {  	p1 =	slt.u32 s9, $0xF7A;
	s5 =	simm.s32 @!p2 $0x0  }
0x1d: {  	s5 =	simm.s32 @p1 $0x1;
	p0 =	seq.s32 s7, s2  }
0x1e: {  	s7 =	smul.u32 @!p0 $0xF7A, s2;
	p2 =	seq.s32 @!p0 s5, $0x0  }
0x1f: {  	s9 =	smul.u32 $0xF7A, s1;
	s8 =	simm.s32 @!p0 $0x1BF5;
	p2 =	por !p2, p0  }
0x20: {  	[sflag:s8] =	ssyncset.s32 @!p0 $0xFFFFF086;
	s6 =	sadd.s32 @!p0 s3, s7;
	s7 =	simm.s32 @!p0 $0x108  }
0x21: {  	s3 =	sadd.s32 s3, s9;
	s6 =	sadd.s32 @!p0 $0x88, s6;
	s7 =	simm.s32 @p2 $0x1082  }
0x22: {  	[simem:s7], [sflag:s8] =	dma.local @!p0 [hbm:s6], $0xF7A  }
0x23: {  	s9 =	sor.u32 $0xD0000000, s2;
	s6 =	simm.s32 $0x108;
	_ =	swait.ge @!p0 [sflag:s8], $0x0  }
0x24: {  	s3 =	sadd.s32 $0x88, s3;
	s6 =	simm.s32 @!p1 $0x1082;
	[sflag:s4] =	ssyncset.s32 $0xFFFFF086  }
0x25: {  	[simem:s6], [sflag:s4] =	dma.local [hbm:s3], $0xF7A  }
0x26: {  	[smem:$0x3F9D] =	sst s1;
	(tag) =	ssettag s2;
	_ =	strace s9  }
0x27: {  	s1 =	sld [smem:$0x3FAD]  }
0x28: {  	s2 =	sld [smem:$0x3FAE]  }
0x29: {  	s4 =	sld [smem:$0x3FB0]  }
0x2a: {  	p0 =	seq.s32 s5, $0x0;
	s5 =	sld [smem:$0x3FB1]  }
0x2b: {  	s6 =	sld [smem:$0x3FB2]  }
0x2c: {  	s7 =	sld [smem:$0x3FB3]  }
0x2d: {  	s3 =	simm.s32 $0x108;
	s8 =	sld [smem:$0x3FB4]  }
0x2e: {  	s3 =	simm.s32 @!p0 $0x1082;
	s9 =	sld [smem:$0x3FB5]  }
0x2f: {  	lr =	sadd.s32 s0, s3;
	s0 =	sld [smem:$0x3FAC]  }
0x30: {  	s3 =	sld [smem:$0x3FAF]  }
0x31: {  	[smem:$0x3FB8] =	sst s10  }
0x32: {  	s10 =	sld [smem:$0x3FB6];
	_ =	sdelay $0x3  }
0x33: {  	p0 =	seq.s32 s10, $0x1;
	s10 =	sld [smem:$0x3FB8];
	_ =	sdelay $0x3  }
0x34: {  	[smem:$0x3FB8] =	sst s10  }
0x35: {  	s10 =	sld [smem:$0x3FB7];
	_ =	sdelay $0x3  }
0x36: {  	p1 =	seq.s32 s10, $0x1;
	s10 =	sld [smem:$0x3FB8];
	_ =	sdelay $0x3  }
0x37: {  	[smem:$0x3FB8] =	sst s10  }
0x38: {  	s10 =	sld [smem:$0x3FB9]  }
0x39: {  	_ = 	snop;
	(pc) =	sbr.ind lr, $3  }
0x3a: {  	_ = 	snop  }
0x3b: {  	_ = 	snop  }
0x3c: {  	p2 =	seq.s32 s10, $0x1;
	s10 =	sld [smem:$0x3FB8]  }
0x3d: {  	_ =	shalt  }
0x3e: {  	_ =	shalt  }
0x3f: {  	_ =	shalt  }
0x40: {  	_ =	shalt  }
0x41: {  	_ =	shalt  }
0x42: {  	_ =	shalt  }
0x43: {  	_ =	shalt  }
0x44: {  	_ =	shalt  }
0x45: {  	_ =	shalt  }
0x46: {  	_ =	shalt  }
0x47: {  	_ =	shalt  }
0x48: {  	_ =	shalt  }
0x49: {  	_ =	shalt  }
0x4a: {  	_ =	shalt  }
0x4b: {  	_ =	shalt  }
0x4c: {  	_ =	shalt  }
0x4d: {  	_ =	shalt  }
0x4e: {  	_ =	shalt  }
0x4f: {  	_ =	shalt  }
0x50: {  	_ =	shalt  }
0x51: {  	_ =	shalt  }
0x52: {  	_ =	shalt  }
0x53: {  	_ =	shalt  }
0x54: {  	_ =	shalt  }
0x55: {  	_ =	shalt  }
0x56: {  	_ =	shalt  }
0x57: {  	_ =	shalt  }
0x58: {  	_ =	shalt  }
0x59: {  	_ =	shalt  }
0x5a: {  	_ =	shalt  }
0x5b: {  	_ =	shalt  }
0x5c: {  	_ =	shalt  }
0x5d: {  	_ =	shalt  }
0x5e: {  	_ =	shalt  }
0x5f: {  	_ =	shalt  }
0x60: {  	_ =	shalt  }
0x61: {  	_ =	shalt  }
0x62: {  	_ =	shalt  }
0x63: {  	_ =	shalt  }
0x64: {  	_ =	shalt  }
0x65: {  	_ =	shalt  }
0x66: {  	_ =	shalt  }
0x67: {  	_ =	shalt  }
0x68: {  	_ =	shalt  }
0x69: {  	_ =	shalt  }
0x6a: {  	_ =	shalt  }
0x6b: {  	_ =	shalt  }
0x6c: {  	_ =	shalt  }
0x6d: {  	_ =	shalt  }
0x6e: {  	_ =	shalt  }
0x6f: {  	_ =	shalt  }
0x70: {  	_ =	shalt  }
0x71: {  	_ =	shalt  }
0x72: {  	_ =	shalt  }
0x73: {  	_ =	shalt  }
0x74: {  	_ =	shalt  }
0x75: {  	_ =	shalt  }
0x76: {  	_ =	shalt  }
0x77: {  	_ =	shalt  }
0x78: {  	_ =	shalt  }
0x79: {  	_ =	shalt  }
0x7a: {  	_ =	shalt  }
0x7b: {  	_ =	shalt  }
0x7c: {  	_ =	shalt  }
0x7d: {  	_ =	shalt  }
0x7e: {  	_ =	shalt  }
0x7f: {  	_ =	shalt  }
0x80: {  	_ =	shalt  }
0x81: {  	_ =	shalt  }
0x82: {  	_ =	shalt  }
0x83: {  	_ =	shalt  }
0x84: {  	_ =	shalt  }
0x85: {  	_ =	shalt  }
0x86: {  	_ =	shalt  }
0x87: {  	_ =	shalt  }
.Lfunc_end0:
.L_simem_size_0:
called_computation.2_lowered:
.L_overlay_start_0:
0x88: {  	s2 =	sld [smem:$0x3FD9]  }
0x89: {  	s3 =	sld [smem:$0x3FFE];
	_ =	sdelay $0x1  }
0x8a: {  	s1 =	srdreg.scid  }
0x8b: {  	s0 =	sand.u32 $0x1, s1  }
0x8c: {  	s17 =	sshll.u32 s0, $0xA;
	s2 =	sadd.s32 s3, s2  }
0x8d: {  	s2 =	sadd.s32 s2, s17  }
0x8e: {  	[smem:$0x3FC4] =	sst s2  }
0x8f: {  	_ = 	snop  }
0x90: {  	s2 =	sld [smem:$0x3FD0];
	(tm) =	ssettm $0x1  }
0x91: {  	s18 =	sld [smem:$0x3FFB];
	_ =	sdelay $0x3  }
0x92: {  	_ =	strace s18  }
0x93: {  	s3 =	sld [smem:$0x3FFC];
	_ =	sdelay $0x3  }
0x94: {  	_ =	strace s3  }
0x95: {  	s3 =	sld [smem:$0x3FFD];
	_ =	sdelay $0x3  }
0x96: {  	_ =	strace s3  }
0x97: {  	_ =	strace $0x8FFFFFFF  }
0x98: {  	s19 =	sld [smem:$0x3FDB];
	_ =	sdelay $0x1  }
0x99: {  	s4 =	simm.s32 $_scs_section_size  }
0x9a: {  	s5 =	simm.s32 $_size__tile_overlayer_lowered;
	s6 =	simm.s32 $_tile_overlayer_lowered  }
0x9b: {  	s22 =	simm.s32 $0x1BFF;
	s21 =	sshll.u32 s6, $0x1;
	s3 =	sadd.s32 s4, s19  }
0x9c: {  	s7 =	simm.s32 $0x0;
	s20 =	sshll.u32 s5, $0x1;
	s5 =	sadd.s32 s21, s3  }
0x9d: {  	[timem:s7], [sflag:s22] =	dma.local [hbm:s5], s20  }
0x9e: {  	_ =	swait.ge [sflag:s22], s20  }
0x9f: {  	s4 =	ssub.s32 $0x0, s20;
	[sflag:s22] =	ssyncset.done $0x0  }
0xa0: {  	[sflag:s22] =	ssyncadd.s32 s4;
	_ =	sdelay $0x1  }
0xa1: {  	s23 =	simm.s32 $0x1B8B  }
0xa2: {  	_ =	swait.ge [sflag:s23], $0x1  }
0xa3: {  	[sflag:s23] =	ssyncset.done $0x0  }
0xa4: {  	s25 =	simm.s32 $0x1B8E;
	s24 =	sld [smem:$0x3FFE];
	[sflag:s23] =	ssyncadd.s32 $0xFFFFFFFF  }
0xa5: {  	s26 =	simm.s32 $execute0_lowered;
	[smem:$0x3FD2] =	sst s25  }
0xa6: {  	s5 =	sshll.u32 s26, $0x1;
	_ =	strace $0x8000004C;
	[dreg:$0x1] =	wrdreg $0xFFFFFFFF  }
0xa7: {  	s28 =	simm.s32 $_size_execute0_lowered;
	s3 =	sadd.s32 s3, s5;
	[dreg:$0x0] =	wrdreg $0x0  }
0xa8: {  	s5 =	sshll.u32 s28, $0x1;
	[dreg:$0x2] =	wrdreg s3  }
0xa9: {  	[dreg:$0x3] =	wrdreg s5  }
0xaa: {  	[dreg:$0x4] =	wrdreg $0xC0  }
0xab: {  	_ =	task [dreg:s7], $0x5FFFF  }
0xac: {  	[dreg:$0x1] =	wrdreg $0xFFFFFFFF  }
0xad: {  	[dreg:$0x0] =	wrdreg $0x60  }
0xae: {  	[dreg:$0x2] =	wrdreg s24  }
0xaf: {  	[dreg:$0x3] =	wrdreg s2  }
0xb0: {  	[dreg:$0x4] =	wrdreg $0x9  }
0xb1: {  	_ =	task.clear_ibuf [dreg:s7], $0x5FFFF;
	_ =	strace $0x9000004C  }
0xb2: {  	s29 =	simm.s32 $0x9;
	_ =	strace $0x8000004E  }
0xb3: {  	_ =	swait.ge [sflag:s29], $0x1  }
0xb4: {  	[sflag:s29] =	ssyncadd.s32 $0xFFFFFFFF  }
0xb5: {  	_ =	strace $0x9000004E  }
0xb6: {  	_ =	sfence  }
0xb7: {  	s30 =	sld [smem:$0x0];
	_ =	sdelay $0x2  }
0xb8: {  	s31 =	sshll.u32 s1, $0xD;
	s1 =	sshrl.u32 s1, $0x2  }
0xb9: {  	s3 =	sand.u32 $0x4000, s31;
	s1 =	sadd.s32 s1, s30  }
0xba: {  	s0 =	sor.u32 s3, s0;
	s1 =	sshll.u32 s1, $0x11  }
0xbb: {  	s0 =	sor.u32 s1, s0  }
0xbc: {  	s0 =	sadd.s32 $0x8F2B, s0  }
0xbd: {  	[sflag:s0] =	ssyncadd.remote.s32 $0x1  }
0xbe: {  	_ =	sfence.sel $0xFFFF  }
0xbf: {  	[dreg:$0x0] =	wrdreg $0xFFFFFFFF;
	(pc) =	sbr.abs _section_cstart, $3  }
0xc0: {  	[dreg:$0x1] =	wrdreg $0xFFFFFFFF  }
0xc1: {  	_ =	task.clear_ibuf [dreg:s7], $0x2FFFF;
	_ =	strace $0x9FFFFFFF  }
0xc2: {  	(tm) =	ssettm $0x7FFFFFFF  }
0xc3: {  	_ =	shalt  }
tec
execute0_lowered:
.L_overlay_start_1:
0x0: {  	(tag) =	ssettag $0x1  }
0x1: {  	s1 =	srdreg.scid  }
0x2: {  	s0 =	stileid.u32;
	s3 =	rddreg [dreg:$0x0]  }
0x3: {  	s6 =	rddreg [dreg:$0x1];
	s2 =	simm.s32 $0x0;
	s10 =	simm.s32 $0x1  }
0x4: {  	s11 =	simm.s32 $0x5000;
	s4 =	sand.u32 $0x1, s1;
	s29 =	sshll.u32 s0, $0x1  }
0x5: {  	s12 =	simm.s32 $0xA000;
	s13 =	simm.s32 $0x10400;
	s5 =	sor.u32 s4, s29  }
0x6: {  	s14 =	simm.s32 $0x15400;
	s15 =	simm.s32 $0x0;
	s7 =	smul.u32 $0xA00, s5  }
0x7: {  	[smem:$0x7FF] =	sst s2;
	s4 =	ssub.s32 $0x2, s4;
	s31 =	smul.u32 $0x280, s5  }
0x8: {  	s1 =	rddreg [dreg:$0x2];
	_ =	strace $0x8000004D;
	s30 =	sshrl.u32 s4, $0x1  }
0x9: {  	s9 =	ssub.s32 s4, s30;
	s8 =	sadd.s32 s7, s3;
	s6 =	sadd.s32 s6, s31  }
0xa: {  	s9 =	smax.u32 s9, $0x1;
	s3 =	sadd.s32 $0x2B400, s8;
	s4 =	sadd.s32 $0x3F400, s8  }
0xb: {  	s5 =	sadd.s32 $0x53400, s8;
	s7 =	sadd.s32 $0x67400, s8;
	s8 =	sadd.s32 $0x17400, s8  }
.LBB2_1:
0xc: {  	[tilespmem:s2], [sflag:$0x1] =	stream.linear.gather [hbm4b:s3+s2], $0x5000, $0x38;
	[tilespmem:$0x1A400] =	vst v63  }
0xd: {  	_ =	swait.ge [sflag:s10], $0x5000  }
0xe: {  	[sflag:s10] =	ssyncset.done $0x0  }
0xf: {  	[sflag:s10] =	ssyncadd.s32 $0xFFFFB000  }
0x10: {  	[tilespmem:s11], [sflag:$0x1] =	stream.linear.gather [hbm4b:s4+s2], $0x5000, $0x38;
	[tilespmem:$0x1A400] =	vst v63  }
0x11: {  	_ =	swait.ge [sflag:s10], $0x5000  }
0x12: {  	[sflag:s10] =	ssyncset.done $0x0  }
0x13: {  	[sflag:s10] =	ssyncadd.s32 $0xFFFFB000  }
0x14: {  	[tilespmem:s12], [sflag:$0x1] =	stream.linear.gather [hbm4b:s5+s2], $0x5000, $0x38;
	[tilespmem:$0x1A400] =	vst v63  }
0x15: {  	_ =	swait.ge [sflag:s10], $0x5000  }
0x16: {  	[sflag:s10] =	ssyncset.done $0x0  }
0x17: {  	s17 =	simm.s32 $0xF000;
	[sflag:s10] =	ssyncadd.s32 $0xFFFFB000  }
0x18: {  	[tilespmem:s17], [sflag:$0x1] =	stream.linear.gather [hbm4b:s6+s2], $0x1400, $0x38;
	[tilespmem:$0x1A400] =	vst v63  }
0x19: {  	_ =	swait.ge [sflag:s10], $0x1400  }
0x1a: {  	[sflag:s10] =	ssyncset.done $0x0  }
0x1b: {  	s16 =	simm.s32 $0x0;
	[sflag:s10] =	ssyncadd.s32 $0xFFFFEC00  }
0x1c: {  	v1 =	vld [tilespmem:s16+$0xA000]  }
0x1d: {  	v0 =	vld [tilespmem:s16+$0xA010]  }
0x1e: {  	v2 =	vld [tilespmem:s16+$0x0]  }
0x1f: {  	v6 =	vld [tilespmem:s16+$0x5000]  }
0x20: {  	v3 =	vld [tilespmem:s16+$0x10]  }
0x21: {  	v5 =	vld [tilespmem:s16+$0x5010]  }
0x22: {  	s18 =	simm.s32 $0x100;
	v4 =	vld [tilespmem:s16+$0x20]  }
.LBB2_2:
0x23: {  	p0 =	sne.s32 s18, $0x13F00;
	v7 =	vld [tilespmem:s17+$0x0]  }
0x24: {  	v8 =	vld [tilespmem:s16+$0x5020]  }
0x25: {  	v9 =	vld [tilespmem:s16+$0x30]  }
0x26: {  	v10 =	vld [tilespmem:s16+$0x5030]  }
0x27: {  	v11 =	vld [tilespmem:s16+$0xA020]  }
0x28: {  	v2 =	vadd.f32 v6, v2;
	v6 =	vbroadcast v7, $0x0;
	v7 =	vbroadcast v7, $0x1;
	v12 =	vld [tilespmem:s16+$0xA030]  }
0x29: {  	v3 =	vadd.f32 v5, v3  }
0x2a: {  	v4 =	vadd.f32 v8, v4;
	v2 =	vmul.f32 v2, v6;
	v1 =	vmul.f32 v1, v7  }
0x2b: {  	v3 =	vmul.f32 v3, v6;
	v0 =	vmul.f32 v0, v7;
	v5 =	vadd.f32 v10, v9  }
0x2c: {  	v1 =	vadd.f32 v1, v2;
	v2 =	vmul.f32 v4, v6;
	v4 =	vmul.f32 v11, v7  }
0x2d: {  	v0 =	vadd.f32 v0, v3;
	v3 =	vmul.f32 v5, v6;
	v5 =	vmul.f32 v12, v7  }
0x2e: {  	s19 =	sshra.s32 s18, $0x2;
	[tilespmem:s16+$0x15400] =	vst v1;
	v7 =	vmul.f32 v1, v6;
	v4 =	vadd.f32 v4, v2  }
0x2f: {  	v8 =	vmul.f32 v0, v6;
	v1 =	vld [tilespmem:s19+$0xA000];
	[tilespmem:s16+$0x15410] =	vst v0;
	v9 =	vadd.f32 v5, v3  }
0x30: {  	v0 =	vld [tilespmem:s19+$0xA010];
	[tilespmem:s16+$0x10400] =	vst v7;
	v3 =	vmul.f32 v4, v6  }
.Ltmp0:
0x31: {  	v2 =	vld [tilespmem:s19+$0x0];
	[tilespmem:s16+$0x10410] =	vst v8;
	v5 =	vmul.f32 v9, v6;
	(pc) =	sbr.rel @p0 .LBB2_2-.Ltmp0, $4  }
0x32: {  	v6 =	vld [tilespmem:s19+$0x5000];
	[tilespmem:s16+$0x10420] =	vst v3  }
0x33: {  	v3 =	vld [tilespmem:s19+$0x10];
	[tilespmem:s16+$0x10430] =	vst v5  }
0x34: {  	v5 =	vld [tilespmem:s19+$0x5010];
	[tilespmem:s16+$0x15420] =	vst v4  }
0x35: {  	s18 =	sadd.s32 $0x100, s18;
	s17 =	sadd.s32 $0x10, s17;
	v4 =	vld [tilespmem:s19+$0x20];
	[tilespmem:s16+$0x15430] =	vst v9;
	s16 =	smov.u32 s19  }
0x36: {  	v7 =	vld [tilespmem:s17+$0x0]  }
0x37: {  	v8 =	vld [tilespmem:s16+$0x5020]  }
0x38: {  	v9 =	vld [tilespmem:s16+$0x30]  }
0x39: {  	v10 =	vld [tilespmem:s16+$0x5030]  }
0x3a: {  	v11 =	vld [tilespmem:s16+$0xA020]  }
0x3b: {  	v12 =	vld [tilespmem:s16+$0xA030];
	v2 =	vadd.f32 v6, v2;
	v56 =	vbroadcast v7, $0x0;
	v7 =	vbroadcast v7, $0x1  }
0x3c: {  	v3 =	vadd.f32 v5, v3  }
0x3d: {  	v4 =	vadd.f32 v8, v4;
	v2 =	vmul.f32 v2, v56;
	v1 =	vmul.f32 v1, v7  }
0x3e: {  	v57 =	vadd.f32 v10, v9;
	v3 =	vmul.f32 v3, v56;
	v0 =	vmul.f32 v0, v7  }
0x3f: {  	v58 =	vmul.f32 v4, v56;
	v59 =	vmul.f32 v11, v7;
	v1 =	vadd.f32 v1, v2  }
0x40: {  	v60 =	vmul.f32 v57, v56;
	v61 =	vmul.f32 v12, v7;
	v0 =	vadd.f32 v0, v3  }
0x41: {  	v2 =	vadd.f32 v59, v58;
	[tilespmem:s16+$0x15400] =	vst v1  }
0x42: {  	v3 =	vadd.f32 v61, v60;
	[tilespmem:s16+$0x15410] =	vst v0  }
0x43: {  	v1 =	vmul.f32 v1, v56;
	[tilespmem:s16+$0x15420] =	vst v2  }
0x44: {  	v0 =	vmul.f32 v0, v56;
	[tilespmem:s16+$0x15430] =	vst v3  }
0x45: {  	v62 =	vmul.f32 v2, v56;
	[tilespmem:s16+$0x10400] =	vst v1  }
0x46: {  	v63 =	vmul.f32 v3, v56;
	[tilespmem:s16+$0x10410] =	vst v0  }
0x47: {  	[tilespmem:s16+$0x10420] =	vst v62  }
0x48: {  	[tilespmem:s16+$0x10430] =	vst v63  }
0x49: {  	[hbm4b:s7+s2] =	stream.linear.scatter [tilespmem:s13], [sflag:$0x1], $0x5000, $0x38;
	[tilespmem:$0x1A400] =	vst v63  }
0x4a: {  	s15 =	sadd.s32 $0x1, s15;
	_ =	swait.ge [sflag:s10], $0x5000  }
0x4b: {  	p0 =	sne.s32 s15, s9;
	[sflag:s10] =	ssyncset.done $0x0  }
.Ltmp1:
0x4c: {  	[sflag:s10] =	ssyncadd.s32 $0xFFFFB000;
	(pc) =	sbr.rel @p0 .LBB2_1-.Ltmp1, $4  }
0x4d: {  	[hbm4b:s8+s2] =	stream.linear.scatter [tilespmem:s14], [sflag:$0x1], $0x5000, $0x38;
	[tilespmem:$0x1A400] =	vst v63  }
0x4e: {  	_ =	swait.ge [sflag:s10], $0x5000  }
0x4f: {  	[sflag:s10] =	ssyncset.done $0x0  }
0x50: {  	[sflag:s10] =	ssyncadd.s32 $0xFFFFB000  }
0x51: {  	_ =	sfence.sel $0x180000  }
0x52: {  	[bflag:$0x0] =	sbarrier.arrive $0xFFFF  }
0x53: {  	p0 =	sne.s32 s0, $0x0;
	_ =	strace $0x9000004D  }
0x54: {  	s0 =	sadd.s32 @!p0 $0x100000, s1;
	[bflag:$0x2] =	sbarrier.arrive $0xFFFF  }
0x55: {  	[sflag:s0] =	ssyncadd.tile.s32 @!p0 $0x1;
	_ =	shalt  }
.Lfunc_end2:
_tile_overlayer_lowered:
.L_overlay_start_2:
0x56: {  	(tag) =	ssettag $0x2  }
0x57: {  	s0 =	rddreg [dreg:$0x0];
	s2 =	stileid.u32  }
0x58: {  	s1 =	rddreg [dreg:$0x1];
	p0 =	sne.s32 s2, $0x0  }
0x59: {  	s3 =	rddreg [dreg:$0x2];
	[bflag:$0x3] =	sbarrier.arrive $0xFFFF;
	s2 =	simm.s32 @!p0 $0x1C01  }
0x5a: {  	[timem:s3], [sflag:s2] =	dma.local @!p0 [hbm:s0], s1  }
0x5b: {  	s0 =	simm.s32 @!p0 $0x1  }
0x5c: {  	_ =	swait.ge @!p0 [sflag:s0], s1  }
0x5d: {  	s1 =	ssub.s32 @!p0 $0x0, s1;
	[sflag:s0] =	ssyncset.done @!p0 $0x0  }
0x5e: {  	[sflag:s0] =	ssyncadd.s32 @!p0 s1  }
0x5f: {  	[bflag:$0x3] =	sbarrier.arrive $0xFFFF  }
0x60: {  	_ =	shalt  }

// kernel: kernel.18.cloned.1.call-start
scs
__scs_entry_jumppad:
0x0: {  	(pc) =	sbr.rel $0x88, $3  }
0x1: {  	(tag) =	ssettag $0x0;
	lr =	simm.s32 $0x1  }
0x2: {  	[smem:$0x3F9D] =	sst lr;
	_ =	strace $0xD0000000  }
0x3: {  	_ = 	snop  }
0x4: {  	_ = 	snop  }
0x5: {  	_ = 	snop  }
0x6: {  	_ = 	snop  }
0x7: {  	_ = 	snop  }
__scs_overlays_trampoline_lowered:
0x8: {  	[smem:$0x3FAC] =	sst s0  }
0x9: {  	[smem:$0x3FAD] =	sst s1  }
0xa: {  	[smem:$0x3FAE] =	sst s2  }
0xb: {  	[smem:$0x3FAF] =	sst s3  }
0xc: {  	[smem:$0x3FB0] =	sst s4  }
0xd: {  	[smem:$0x3FB1] =	sst s5  }
0xe: {  	[smem:$0x3FB2] =	sst s6  }
0xf: {  	[smem:$0x3FB3] =	sst s7  }
0x10: {  	[smem:$0x3FB4] =	sst s8  }
0x11: {  	[smem:$0x3FB5] =	sst s9;
	s0 =	simm.s32 @!p0 $0x0  }
0x12: {  	s1 =	sld [smem:$0x3F9B];
	s0 =	simm.s32 @p0 $0x1  }
0x13: {  	[smem:$0x3FB6] =	sst s0;
	s0 =	simm.s32 @!p1 $0x0  }
0x14: {  	s2 =	sld [smem:$0x3F9A];
	s0 =	simm.s32 @p1 $0x1  }
0x15: {  	[smem:$0x3FB7] =	sst s0;
	s0 =	simm.s32 @!p2 $0x0  }
0x16: {  	s3 =	sld [smem:$0x3FDB];
	s0 =	simm.s32 @p2 $0x1  }
0x17: {  	s4 =	simm.s32 $0x1BF5;
	[smem:$0x3FB9] =	sst s0  }
0x18: {  	s0 =	sld [smem:$0x3F9C];
	_ =	swait.ge [sflag:s4], $0x0  }
0x19: {  	s7 =	sld [smem:$0x3F9D]  }
0x1a: {  	s8 =	sadd.s32 $0xFFFFE003, lr  }
0x1b: {  	s9 =	sadd.s32 $0xFFFFFEF7, lr;
	s5 =	simm.s32 $0xFFFFFFFF;
	p2 =	slt.u32 s8, $0xFFFFF086  }
0x1c: {  	p1 =	slt.u32 s9, $0xF7A;
	s5 =	simm.s32 @!p2 $0x0  }
0x1d: {  	s5 =	simm.s32 @p1 $0x1;
	p0 =	seq.s32 s7, s2  }
0x1e: {  	s7 =	smul.u32 @!p0 $0xF7A, s2;
	p2 =	seq.s32 @!p0 s5, $0x0  }
0x1f: {  	s9 =	smul.u32 $0xF7A, s1;
	s8 =	simm.s32 @!p0 $0x1BF5;
	p2 =	por !p2, p0  }
0x20: {  	[sflag:s8] =	ssyncset.s32 @!p0 $0xFFFFF086;
	s6 =	sadd.s32 @!p0 s3, s7;
	s7 =	simm.s32 @!p0 $0x108  }
0x21: {  	s3 =	sadd.s32 s3, s9;
	s6 =	sadd.s32 @!p0 $0x88, s6;
	s7 =	simm.s32 @p2 $0x1082  }
0x22: {  	[simem:s7], [sflag:s8] =	dma.local @!p0 [hbm:s6], $0xF7A  }
0x23: {  	s9 =	sor.u32 $0xD0000000, s2;
	s6 =	simm.s32 $0x108;
	_ =	swait.ge @!p0 [sflag:s8], $0x0  }
0x24: {  	s3 =	sadd.s32 $0x88, s3;
	s6 =	simm.s32 @!p1 $0x1082;
	[sflag:s4] =	ssyncset.s32 $0xFFFFF086  }
0x25: {  	[simem:s6], [sflag:s4] =	dma.local [hbm:s3], $0xF7A  }
0x26: {  	[smem:$0x3F9D] =	sst s1;
	(tag) =	ssettag s2;
	_ =	strace s9  }
0x27: {  	s1 =	sld [smem:$0x3FAD]  }
0x28: {  	s2 =	sld [smem:$0x3FAE]  }
0x29: {  	s4 =	sld [smem:$0x3FB0]  }
0x2a: {  	p0 =	seq.s32 s5, $0x0;
	s5 =	sld [smem:$0x3FB1]  }
0x2b: {  	s6 =	sld [smem:$0x3FB2]  }
0x2c: {  	s7 =	sld [smem:$0x3FB3]  }
0x2d: {  	s3 =	simm.s32 $0x108;
	s8 =	sld [smem:$0x3FB4]  }
0x2e: {  	s3 =	simm.s32 @!p0 $0x1082;
	s9 =	sld [smem:$0x3FB5]  }
0x2f: {  	lr =	sadd.s32 s0, s3;
	s0 =	sld [smem:$0x3FAC]  }
0x30: {  	s3 =	sld [smem:$0x3FAF]  }
0x31: {  	[smem:$0x3FB8] =	sst s10  }
0x32: {  	s10 =	sld [smem:$0x3FB6];
	_ =	sdelay $0x3  }
0x33: {  	p0 =	seq.s32 s10, $0x1;
	s10 =	sld [smem:$0x3FB8];
	_ =	sdelay $0x3  }
0x34: {  	[smem:$0x3FB8] =	sst s10  }
0x35: {  	s10 =	sld [smem:$0x3FB7];
	_ =	sdelay $0x3  }
0x36: {  	p1 =	seq.s32 s10, $0x1;
	s10 =	sld [smem:$0x3FB8];
	_ =	sdelay $0x3  }
0x37: {  	[smem:$0x3FB8] =	sst s10  }
0x38: {  	s10 =	sld [smem:$0x3FB9]  }
0x39: {  	_ = 	snop;
	(pc) =	sbr.ind lr, $3  }
0x3a: {  	_ = 	snop  }
0x3b: {  	_ = 	snop  }
0x3c: {  	p2 =	seq.s32 s10, $0x1;
	s10 =	sld [smem:$0x3FB8]  }
0x3d: {  	_ =	shalt  }
0x3e: {  	_ =	shalt  }
0x3f: {  	_ =	shalt  }
0x40: {  	_ =	shalt  }
0x41: {  	_ =	shalt  }
0x42: {  	_ =	shalt  }
0x43: {  	_ =	shalt  }
0x44: {  	_ =	shalt  }
0x45: {  	_ =	shalt  }
0x46: {  	_ =	shalt  }
0x47: {  	_ =	shalt  }
0x48: {  	_ =	shalt  }
0x49: {  	_ =	shalt  }
0x4a: {  	_ =	shalt  }
0x4b: {  	_ =	shalt  }
0x4c: {  	_ =	shalt  }
0x4d: {  	_ =	shalt  }
0x4e: {  	_ =	shalt  }
0x4f: {  	_ =	shalt  }
0x50: {  	_ =	shalt  }
0x51: {  	_ =	shalt  }
0x52: {  	_ =	shalt  }
0x53: {  	_ =	shalt  }
0x54: {  	_ =	shalt  }
0x55: {  	_ =	shalt  }
0x56: {  	_ =	shalt  }
0x57: {  	_ =	shalt  }
0x58: {  	_ =	shalt  }
0x59: {  	_ =	shalt  }
0x5a: {  	_ =	shalt  }
0x5b: {  	_ =	shalt  }
0x5c: {  	_ =	shalt  }
0x5d: {  	_ =	shalt  }
0x5e: {  	_ =	shalt  }
0x5f: {  	_ =	shalt  }
0x60: {  	_ =	shalt  }
0x61: {  	_ =	shalt  }
0x62: {  	_ =	shalt  }
0x63: {  	_ =	shalt  }
0x64: {  	_ =	shalt  }
0x65: {  	_ =	shalt  }
0x66: {  	_ =	shalt  }
0x67: {  	_ =	shalt  }
0x68: {  	_ =	shalt  }
0x69: {  	_ =	shalt  }
0x6a: {  	_ =	shalt  }
0x6b: {  	_ =	shalt  }
0x6c: {  	_ =	shalt  }
0x6d: {  	_ =	shalt  }
0x6e: {  	_ =	shalt  }
0x6f: {  	_ =	shalt  }
0x70: {  	_ =	shalt  }
0x71: {  	_ =	shalt  }
0x72: {  	_ =	shalt  }
0x73: {  	_ =	shalt  }
0x74: {  	_ =	shalt  }
0x75: {  	_ =	shalt  }
0x76: {  	_ =	shalt  }
0x77: {  	_ =	shalt  }
0x78: {  	_ =	shalt  }
0x79: {  	_ =	shalt  }
0x7a: {  	_ =	shalt  }
0x7b: {  	_ =	shalt  }
0x7c: {  	_ =	shalt  }
0x7d: {  	_ =	shalt  }
0x7e: {  	_ =	shalt  }
0x7f: {  	_ =	shalt  }
0x80: {  	_ =	shalt  }
0x81: {  	_ =	shalt  }
0x82: {  	_ =	shalt  }
0x83: {  	_ =	shalt  }
0x84: {  	_ =	shalt  }
0x85: {  	_ =	shalt  }
0x86: {  	_ =	shalt  }
0x87: {  	_ =	shalt  }
.Lfunc_end0:
.L_simem_size_0:
called_computation.3_lowered:
.L_overlay_start_0:
0x88: {  	s2 =	sld [smem:$0x3FD9]  }
0x89: {  	s3 =	sld [smem:$0x3FFE];
	_ =	sdelay $0x1  }
0x8a: {  	s1 =	srdreg.scid  }
0x8b: {  	s0 =	sand.u32 $0x1, s1  }
0x8c: {  	s16 =	sshll.u32 s0, $0xA;
	s2 =	sadd.s32 s3, s2  }
0x8d: {  	s2 =	sadd.s32 s2, s16  }
0x8e: {  	[smem:$0x3FC4] =	sst s2  }
0x8f: {  	_ = 	snop  }
0x90: {  	(tm) =	ssettm $0x1  }
0x91: {  	s17 =	sld [smem:$0x3FFB];
	_ =	sdelay $0x3  }
0x92: {  	_ =	strace s17  }
0x93: {  	s2 =	sld [smem:$0x3FFC];
	_ =	sdelay $0x3  }
0x94: {  	_ =	strace s2  }
0x95: {  	s2 =	sld [smem:$0x3FFD];
	_ =	sdelay $0x3  }
0x96: {  	_ =	strace s2  }
0x97: {  	_ =	strace $0x8FFFFFFF  }
0x98: {  	s18 =	sld [smem:$0x3FDB];
	_ =	sdelay $0x1  }
0x99: {  	s19 =	simm.s32 $_scs_section_size  }
0x9a: {  	s4 =	simm.s32 $_size__tile_overlayer_lowered;
	s5 =	simm.s32 $_tile_overlayer_lowered  }
0x9b: {  	s22 =	simm.s32 $0x1BFF;
	s21 =	sshll.u32 s5, $0x1;
	s2 =	sadd.s32 s19, s18  }
0x9c: {  	s6 =	simm.s32 $0x0;
	s20 =	sshll.u32 s4, $0x1;
	s4 =	sadd.s32 s21, s2  }
0x9d: {  	[timem:s6], [sflag:s22] =	dma.local [hbm:s4], s20  }
0x9e: {  	_ =	swait.ge [sflag:s22], s20  }
0x9f: {  	s3 =	ssub.s32 $0x0, s20;
	[sflag:s22] =	ssyncset.done $0x0  }
0xa0: {  	[sflag:s22] =	ssyncadd.s32 s3;
	_ =	sdelay $0x1  }
0xa1: {  	s23 =	simm.s32 $0x1B8B  }
0xa2: {  	_ =	swait.ge [sflag:s23], $0x1  }
0xa3: {  	[sflag:s23] =	ssyncset.done $0x0  }
0xa4: {  	s25 =	simm.s32 $0x1B8E;
	s24 =	sld [smem:$0x3FFE];
	[sflag:s23] =	ssyncadd.s32 $0xFFFFFFFF  }
0xa5: {  	s26 =	simm.s32 $execute0_lowered;
	[smem:$0x3FD2] =	sst s25  }
0xa6: {  	s4 =	sshll.u32 s26, $0x1;
	_ =	strace $0x8000004F;
	[dreg:$0x1] =	wrdreg $0xFFFFFFFF  }
0xa7: {  	s28 =	simm.s32 $_size_execute0_lowered;
	s2 =	sadd.s32 s2, s4;
	[dreg:$0x0] =	wrdreg $0x0  }
0xa8: {  	s4 =	sshll.u32 s28, $0x1;
	[dreg:$0x2] =	wrdreg s2  }
0xa9: {  	[dreg:$0x3] =	wrdreg s4  }
0xaa: {  	[dreg:$0x4] =	wrdreg $0xC0  }
0xab: {  	_ =	task [dreg:s6], $0x5FFFF  }
0xac: {  	[dreg:$0x1] =	wrdreg $0xFFFFFFFF  }
0xad: {  	[dreg:$0x0] =	wrdreg $0x60  }
0xae: {  	[dreg:$0x2] =	wrdreg s24  }
0xaf: {  	[dreg:$0x3] =	wrdreg $0xED000  }
0xb0: {  	[dreg:$0x4] =	wrdreg $0x9  }
0xb1: {  	_ =	task.clear_ibuf [dreg:s6], $0x5FFFF;
	_ =	strace $0x9000004F  }
0xb2: {  	s29 =	simm.s32 $0x9;
	_ =	strace $0x80000051  }
0xb3: {  	_ =	swait.ge [sflag:s29], $0x1  }
0xb4: {  	[sflag:s29] =	ssyncadd.s32 $0xFFFFFFFF  }
0xb5: {  	_ =	strace $0x90000051  }
0xb6: {  	_ =	sfence  }
0xb7: {  	s30 =	sld [smem:$0x0];
	_ =	sdelay $0x2  }
0xb8: {  	s31 =	sshll.u32 s1, $0xD;
	s1 =	sshrl.u32 s1, $0x2  }
0xb9: {  	s3 =	sand.u32 $0x4000, s31;
	s1 =	sadd.s32 s1, s30  }
0xba: {  	s0 =	sor.u32 s3, s0;
	s1 =	sshll.u32 s1, $0x11  }
0xbb: {  	s0 =	sor.u32 s1, s0  }
0xbc: {  	s0 =	sadd.s32 $0x8F2B, s0  }
0xbd: {  	[sflag:s0] =	ssyncadd.remote.s32 $0x1  }
0xbe: {  	_ =	sfence.sel $0xFFFF  }
0xbf: {  	[dreg:$0x0] =	wrdreg $0xFFFFFFFF;
	(pc) =	sbr.abs _section_cstart, $3  }
0xc0: {  	[dreg:$0x1] =	wrdreg $0xFFFFFFFF  }
0xc1: {  	_ =	task.clear_ibuf [dreg:s6], $0x2FFFF;
	_ =	strace $0x9FFFFFFF  }
0xc2: {  	(tm) =	ssettm $0x7FFFFFFF  }
0xc3: {  	_ =	shalt  }
tec
execute0_lowered:
.L_overlay_start_1:
0x0: {  	(tag) =	ssettag $0x1  }
0x1: {  	s0 =	rddreg [dreg:$0x0]  }
0x2: {  	s1 =	rddreg [dreg:$0x1];
	s3 =	simm.s32 $0x0;
	s2 =	srdreg.scid  }
0x3: {  	s9 =	stileid.u32;
	s16 =	simm.s32 $0x2800;
	s17 =	simm.s32 $0x7D  }
0x4: {  	s18 =	simm.s32 $0x5000;
	s20 =	simm.s32 $0x6F40;
	s21 =	simm.s32 $0x1  }
0x5: {  	s23 =	simm.s32 $0x8E80;
	s28 =	simm.s32 $0xADC0;
	s29 =	simm.s32 $0x3  }
0x6: {  	s31 =	simm.s32 $0x5;
	s22 =	simm.s32 $0x6;
	s30 =	simm.s32 $0x8  }
0x7: {  	[smem:$0x7FF] =	sst s3;
	s2 =	sand.u32 $0x1, s2;
	s6 =	smul.u32 $0x28000, s9  }
0x8: {  	s4 =	sadd.s32 $0x67400, s0;
	s11 =	sadd.s32 $0x3400, s0;
	s8 =	sshll.u32 s9, $0x1  }
0x9: {  	s12 =	smul.u32 $0xA000, s9;
	_ =	strace $0x80000050;
	s5 =	ssub.s32 $0x2, s2  }
0xa: {  	s24 =	sor.u32 s2, s8;
	p0 =	seq.s32 s2, $0x1;
	s2 =	simm.s32 $0x2B400  }
0xb: {  	s7 =	sshrl.u32 s5, $0x1;
	s6 =	sshrl.u32 s6, $0x2;
	s14 =	smul.u32 $0x500, s24  }
0xc: {  	s15 =	smul.u32 $0x2800, s24;
	s2 =	simm.s32 @!p0 $0x3F400;
	s26 =	sshrl.u32 s12, $0x3  }
0xd: {  	s24 =	simm.s32 $0x2;
	s13 =	ssub.s32 s5, s7;
	s10 =	sadd.s32 s6, s1  }
0xe: {  	s5 =	sadd.s32 s12, s1;
	s0 =	sadd.s32 s2, s0;
	s2 =	simm.s32 $0x4  }
.Ltmp0:
0xf: {  	s6 =	sadd.s32 $0x2000, s10;
	s7 =	sadd.s32 $0x4000, s10;
	(pc) =	sbr.rel .LBB2_1-.Ltmp0, $4  }
0x10: {  	s8 =	sadd.s32 $0x6000, s10;
	s9 =	sadd.s32 $0x8000, s10;
	s10 =	sadd.s32 s11, s14  }
0x11: {  	s25 =	sshrl.u32 s15, $0x3;
	s12 =	smax.u32 s13, $0x1;
	s13 =	sadd.s32 s0, s26  }
0x12: {  	s14 =	simm.s32 $0xCD00;
	s15 =	simm.s32 $0x9;
	s11 =	sadd.s32 s11, s25  }
0x13: {  	v0 =	vimm.f32 $0.0e+00;
	s26 =	simm.s32 $0x7;
	[dreg:$0x3] =	wrdreg s6;
	s11 =	sadd.s32 $0xA000, s11  }
.LBB2_6:
0x14: {  	_ =	swait.ge [sflag:s2], $0x1F40  }
0x15: {  	[sflag:s2] =	ssyncset.done $0x0  }
0x16: {  	[sflag:s2] =	ssyncadd.s32 $0xFFFFE0C0  }
0x17: {  	[spmem:s1] =	stream.indirect.scatter.add.f32 [tilespmem:s28], [sflag:$0x8], $0x40, s25, s17, $0xb8;
	[tilespmem:$0x18D00] =	vst v63  }
0x18: {  	_ =	swait.ge [sflag:s22], $0x1F40  }
0x19: {  	[sflag:s22] =	ssyncset.done $0x0  }
0x1a: {  	[sflag:s22] =	ssyncadd.s32 $0xFFFFE0C0  }
0x1b: {  	_ =	swait.ge [sflag:s26], $0x1F40  }
0x1c: {  	[sflag:s26] =	ssyncset.done $0x0  }
0x1d: {  	[sflag:s26] =	ssyncadd.s32 $0xFFFFE0C0  }
0x1e: {  	s0 =	stileid.u32;
	_ =	swait.ge [sflag:s30], $0x1F40  }
0x1f: {  	s6 =	sshrl.u32 s5, $0x3;
	s3 =	sadd.s32 $0x1, s3;
	[sflag:s30] =	ssyncset.done $0x0  }
0x20: {  	s0 =	sshll.u32 s0, $0x6;
	p0 =	sne.s32 s3, s12;
	[sflag:s30] =	ssyncadd.s32 $0xFFFFE0C0  }
.Ltmp1:
0x21: {  	s0 =	sor.u32 $0x1C09, s0;
	[bflag:$0x0] =	sbarrier.arrive $0xFFFF;
	(pc) =	sbr.rel @!p0 .LBB2_7-.Ltmp1, $4  }
0x22: {  	[hbm:s13], [sflag:s0] =	dma.local [spmem:s6], $0x1400  }
0x23: {  	_ =	swait.ge [sflag:s15], $0x1400  }
0x24: {  	[sflag:s15] =	ssyncset.done $0x0  }
0x25: {  	[sflag:s15] =	ssyncadd.s32 $0xFFFFEC00  }
.LBB2_1:
0x26: {  	s19 =	simm.s32 $0x100;
	s0 =	simm.s32 $0x0  }
.LBB2_2:
0x27: {  	p0 =	sne.s32 s19, $0x7F00;
	[tilespmem:s0+$0xCD30] =	vst v0;
	s25 =	smov.u32 s19;
	s19 =	sadd.s32 $0x100, s19  }
.Ltmp2:
0x28: {  	[tilespmem:s0+$0xCD20] =	vst v0;
	(pc) =	sbr.rel @p0 .LBB2_2-.Ltmp2, $3  }
0x29: {  	[tilespmem:s0+$0xCD00] =	vst v0  }
0x2a: {  	[tilespmem:s0+$0xCD10] =	vst v0;
	_ =	sdelay $0x1  }
0x2b: {  	s0 =	sshra.s32 s25, $0x2  }
0x2c: {  	[tilespmem:s0+$0xCD30] =	vst v0  }
0x2d: {  	[tilespmem:s0+$0xCD20] =	vst v0  }
0x2e: {  	[tilespmem:s0+$0xCD00] =	vst v0  }
0x2f: {  	[tilespmem:s0+$0xCD10] =	vst v0  }
0x30: {  	[spmem:s5] =	stream.linear.scatter [tilespmem:s14], [sflag:$0x9], $0x2000, $0x38;
	[tilespmem:$0x18D00] =	vst v63  }
0x31: {  	_ =	swait.ge [sflag:s15], $0x2000  }
0x32: {  	[sflag:s15] =	ssyncset.done $0x0  }
0x33: {  	s19 =	rddreg [dreg:$0x3];
	[sflag:s15] =	ssyncadd.s32 $0xFFFFE000  }
0x34: {  	[spmem:s19] =	stream.linear.scatter [tilespmem:s14], [sflag:$0x9], $0x2000, $0x38;
	[tilespmem:$0x18D00] =	vst v63  }
0x35: {  	_ =	swait.ge [sflag:s15], $0x2000  }
0x36: {  	[sflag:s15] =	ssyncset.done $0x0  }
0x37: {  	[sflag:s15] =	ssyncadd.s32 $0xFFFFE000  }
0x38: {  	[spmem:s7] =	stream.linear.scatter [tilespmem:s14], [sflag:$0x9], $0x2000, $0x38;
	[tilespmem:$0x18D00] =	vst v63  }
0x39: {  	_ =	swait.ge [sflag:s15], $0x2000  }
0x3a: {  	[sflag:s15] =	ssyncset.done $0x0  }
0x3b: {  	[sflag:s15] =	ssyncadd.s32 $0xFFFFE000  }
0x3c: {  	[spmem:s8] =	stream.linear.scatter [tilespmem:s14], [sflag:$0x9], $0x2000, $0x38;
	[tilespmem:$0x18D00] =	vst v63  }
0x3d: {  	_ =	swait.ge [sflag:s15], $0x2000  }
0x3e: {  	[sflag:s15] =	ssyncset.done $0x0  }
0x3f: {  	[sflag:s15] =	ssyncadd.s32 $0xFFFFE000  }
0x40: {  	[spmem:s9] =	stream.linear.scatter [tilespmem:s14], [sflag:$0x9], $0x2000, $0x38;
	[tilespmem:$0x18D00] =	vst v63  }
0x41: {  	_ =	swait.ge [sflag:s15], $0x2000  }
0x42: {  	[sflag:s15] =	ssyncset.done $0x0  }
0x43: {  	s0 =	simm.s32 $0x0;
	[sflag:s15] =	ssyncadd.s32 $0xFFFFE000  }
0x44: {  	[tilespmem:s0], [sflag:$0x9] =	stream.linear.gather [hbm4b:s10+s0], $0x2800, $0x38;
	[tilespmem:$0x18D00] =	vst v63  }
0x45: {  	_ =	swait.ge [sflag:s15], $0x2800  }
0x46: {  	[sflag:s15] =	ssyncset.done $0x0  }
0x47: {  	[sflag:s15] =	ssyncadd.s32 $0xFFFFD800  }
0x48: {  	[tilespmem:s16], [sflag:$0x9] =	stream.linear.gather [hbm4b:s11+s0], $0x2800, $0x38;
	[tilespmem:$0x18D00] =	vst v63  }
0x49: {  	_ =	swait.ge [sflag:s15], $0x2800  }
0x4a: {  	[sflag:s15] =	ssyncset.done $0x0  }
0x4b: {  	[sflag:s15] =	ssyncadd.s32 $0xFFFFD800  }
0x4c: {  	[bflag:$0x0] =	sbarrier.arrive $0xFFFF  }
0x4d: {  	[tilespmem:s18], [sflag:$0x1] =	stream.indirect.gather [hbm4b:s4+s17], $0x40, s0, s17, $0xb8;
	[tilespmem:$0x18D00] =	vst v63  }
0x4e: {  	s6 =	simm.s32 $0x80  }
0x4f: {  	[tilespmem:s20], [sflag:$0x2] =	stream.indirect.gather [hbm4b:s4+s17], $0x40, s6, s17, $0xb8;
	[tilespmem:$0x18D00] =	vst v63  }
0x50: {  	_ =	swait.ge [sflag:s21], $0x1F40  }
0x51: {  	[sflag:s21] =	ssyncset.done $0x0  }
0x52: {  	[sflag:s21] =	ssyncadd.s32 $0xFFFFE0C0  }
0x53: {  	[spmem:s1] =	stream.indirect.scatter.add.f32 [tilespmem:s18], [sflag:$0x5], $0x40, s16, s17, $0xb8;
	[tilespmem:$0x18D00] =	vst v63  }
0x54: {  	s25 =	simm.s32 $0x100  }
0x55: {  	[tilespmem:s23], [sflag:$0x3] =	stream.indirect.gather [hbm4b:s4+s17], $0x40, s25, s17, $0xb8;
	[tilespmem:$0x18D00] =	vst v63  }
0x56: {  	_ =	swait.ge [sflag:s24], $0x1F40  }
0x57: {  	[sflag:s24] =	ssyncset.done $0x0  }
0x58: {  	s19 =	simm.s32 $0x2880;
	[sflag:s24] =	ssyncadd.s32 $0xFFFFE0C0  }
0x59: {  	[spmem:s1] =	stream.indirect.scatter.add.f32 [tilespmem:s20], [sflag:$0x6], $0x40, s19, s17, $0xb8;
	[tilespmem:$0x18D00] =	vst v63  }
0x5a: {  	s25 =	simm.s32 $0x180  }
0x5b: {  	[tilespmem:s28], [sflag:$0x4] =	stream.indirect.gather [hbm4b:s4+s17], $0x40, s25, s17, $0xb8;
	[tilespmem:$0x18D00] =	vst v63  }
0x5c: {  	_ =	swait.ge [sflag:s29], $0x1F40  }
0x5d: {  	[sflag:s29] =	ssyncset.done $0x0  }
0x5e: {  	s19 =	simm.s32 $0x2900;
	[sflag:s29] =	ssyncadd.s32 $0xFFFFE0C0  }
0x5f: {  	[spmem:s1] =	stream.indirect.scatter.add.f32 [tilespmem:s23], [sflag:$0x7], $0x40, s19, s17, $0xb8;
	[tilespmem:$0x18D00] =	vst v63  }
0x60: {  	_ =	swait.ge [sflag:s31], $0x1F40  }
0x61: {  	[sflag:s31] =	ssyncset.done $0x0  }
0x62: {  	s25 =	simm.s32 $0x200;
	[sflag:s31] =	ssyncadd.s32 $0xFFFFE0C0  }
0x63: {  	[tilespmem:s18], [sflag:$0x1] =	stream.indirect.gather [hbm4b:s4+s17], $0x40, s25, s17, $0xb8;
	[tilespmem:$0x18D00] =	vst v63  }
0x64: {  	_ =	swait.ge [sflag:s2], $0x1F40  }
0x65: {  	[sflag:s2] =	ssyncset.done $0x0  }
0x66: {  	s19 =	simm.s32 $0x2980;
	[sflag:s2] =	ssyncadd.s32 $0xFFFFE0C0  }
0x67: {  	[spmem:s1] =	stream.indirect.scatter.add.f32 [tilespmem:s28], [sflag:$0x8], $0x40, s19, s17, $0xb8;
	[tilespmem:$0x18D00] =	vst v63  }
0x68: {  	_ =	swait.ge [sflag:s22], $0x1F40  }
0x69: {  	[sflag:s22] =	ssyncset.done $0x0  }
0x6a: {  	s25 =	simm.s32 $0x280;
	[sflag:s22] =	ssyncadd.s32 $0xFFFFE0C0  }
0x6b: {  	[tilespmem:s20], [sflag:$0x2] =	stream.indirect.gather [hbm4b:s4+s17], $0x40, s25, s17, $0xb8;
	[tilespmem:$0x18D00] =	vst v63  }
.LBB2_4:
0x6c: {  	_ =	swait.ge [sflag:s21], $0x1F40  }
0x6d: {  	s19 =	sshra.s32 s0, $0x2;
	[sflag:s21] =	ssyncset.done $0x0  }
0x6e: {  	s25 =	sadd.s32 $0x2A00, s19;
	[sflag:s21] =	ssyncadd.s32 $0xFFFFE0C0  }
0x6f: {  	[spmem:s1] =	stream.indirect.scatter.add.f32 [tilespmem:s18], [sflag:$0x5], $0x40, s25, s17, $0xb8;
	[tilespmem:$0x18D00] =	vst v63  }
0x70: {  	_ =	swait.ge [sflag:s26], $0x1F40  }
0x71: {  	[sflag:s26] =	ssyncset.done $0x0  }
0x72: {  	s6 =	sadd.s32 $0x300, s19;
	[sflag:s26] =	ssyncadd.s32 $0xFFFFE0C0  }
0x73: {  	[tilespmem:s23], [sflag:$0x3] =	stream.indirect.gather [hbm4b:s4+s17], $0x40, s6, s17, $0xb8;
	[tilespmem:$0x18D00] =	vst v63  }
0x74: {  	_ =	swait.ge [sflag:s24], $0x1F40  }
0x75: {  	[sflag:s24] =	ssyncset.done $0x0  }
0x76: {  	s6 =	sadd.s32 $0x2A80, s19;
	[sflag:s24] =	ssyncadd.s32 $0xFFFFE0C0  }
0x77: {  	[spmem:s1] =	stream.indirect.scatter.add.f32 [tilespmem:s20], [sflag:$0x6], $0x40, s6, s17, $0xb8;
	[tilespmem:$0x18D00] =	vst v63  }
0x78: {  	_ =	swait.ge [sflag:s30], $0x1F40  }
0x79: {  	[sflag:s30] =	ssyncset.done $0x0  }
0x7a: {  	s6 =	sadd.s32 $0x380, s19;
	[sflag:s30] =	ssyncadd.s32 $0xFFFFE0C0  }
0x7b: {  	[tilespmem:s28], [sflag:$0x4] =	stream.indirect.gather [hbm4b:s4+s17], $0x40, s6, s17, $0xb8;
	[tilespmem:$0x18D00] =	vst v63  }
0x7c: {  	_ =	swait.ge [sflag:s29], $0x1F40  }
0x7d: {  	p0 =	seq.s32 s0, $0x9000;
	[sflag:s29] =	ssyncset.done $0x0  }
.Ltmp3:
0x7e: {  	s6 =	sadd.s32 $0x2B00, s19;
	[sflag:s29] =	ssyncadd.s32 $0xFFFFE0C0;
	(pc) =	sbr.rel @p0 .LBB2_6-.Ltmp3, $4  }
0x7f: {  	[spmem:s1] =	stream.indirect.scatter.add.f32 [tilespmem:s23], [sflag:$0x7], $0x40, s6, s17, $0xb8;
	[tilespmem:$0x18D00] =	vst v63  }
0x80: {  	_ =	swait.ge [sflag:s31], $0x1F40  }
0x81: {  	[sflag:s31] =	ssyncset.done $0x0  }
0x82: {  	s25 =	sadd.s32 $0x2B80, s19;
	[sflag:s31] =	ssyncadd.s32 $0xFFFFE0C0  }
0x83: {  	s6 =	sadd.s32 $0x400, s19  }
0x84: {  	[tilespmem:s18], [sflag:$0x1] =	stream.indirect.gather [hbm4b:s4+s17], $0x40, s6, s17, $0xb8;
	[tilespmem:$0x18D00] =	vst v63  }
0x85: {  	_ =	swait.ge [sflag:s2], $0x1F40  }
0x86: {  	[sflag:s2] =	ssyncset.done $0x0  }
0x87: {  	[sflag:s2] =	ssyncadd.s32 $0xFFFFE0C0  }
0x88: {  	[spmem:s1] =	stream.indirect.scatter.add.f32 [tilespmem:s28], [sflag:$0x8], $0x40, s25, s17, $0xb8;
	[tilespmem:$0x18D00] =	vst v63  }
.Ltmp4:
0x89: {  	_ = 	snop;
	(pc) =	sbr.rel .LBB2_4-.Ltmp4, $4  }
0x8a: {  	_ =	swait.ge [sflag:s22], $0x1F40  }
0x8b: {  	[sflag:s22] =	ssyncset.done $0x0  }
0x8c: {  	s0 =	sadd.s32 $0x800, s0;
	s25 =	sadd.s32 $0x480, s19;
	[sflag:s22] =	ssyncadd.s32 $0xFFFFE0C0  }
0x8d: {  	[tilespmem:s20], [sflag:$0x2] =	stream.indirect.gather [hbm4b:s4+s17], $0x40, s25, s17, $0xb8;
	[tilespmem:$0x18D00] =	vst v63  }
.LBB2_7:
0x8e: {  	_ =	sfence.sel $0x180000  }
0x8f: {  	[bflag:$0x0] =	sbarrier.arrive $0xFFFF  }
0x90: {  	_ =	strace $0x90000050  }
0x91: {  	s0 =	stileid.u32;
	[bflag:$0x2] =	sbarrier.arrive $0xFFFF  }
0x92: {  	p0 =	sne.s32 s0, $0x0;
	s0 =	rddreg [dreg:$0x2]  }
0x93: {  	s0 =	sadd.s32 @!p0 $0x100000, s0  }
0x94: {  	[sflag:s0] =	ssyncadd.tile.s32 @!p0 $0x1;
	_ =	shalt  }
.Lfunc_end2:
_tile_overlayer_lowered:
.L_overlay_start_2:
0x95: {  	(tag) =	ssettag $0x2  }
0x96: {  	s0 =	rddreg [dreg:$0x0];
	s2 =	stileid.u32  }
0x97: {  	s1 =	rddreg [dreg:$0x1];
	p0 =	sne.s32 s2, $0x0  }
0x98: {  	s3 =	rddreg [dreg:$0x2];
	[bflag:$0x3] =	sbarrier.arrive $0xFFFF;
	s2 =	simm.s32 @!p0 $0x1C09  }
0x99: {  	[timem:s3], [sflag:s2] =	dma.local @!p0 [hbm:s0], s1  }
0x9a: {  	s0 =	simm.s32 @!p0 $0x9  }
0x9b: {  	_ =	swait.ge @!p0 [sflag:s0], s1  }
0x9c: {  	s1 =	ssub.s32 @!p0 $0x0, s1;
	[sflag:s0] =	ssyncset.done @!p0 $0x0  }
0x9d: {  	[sflag:s0] =	ssyncadd.s32 @!p0 s1  }
0x9e: {  	[bflag:$0x3] =	sbarrier.arrive $0xFFFF  }
0x9f: {  	_ =	shalt  }

// kernel: kernel.9.cloned.1.call-start
scs
__scs_entry_jumppad:
0x0: {  	(pc) =	sbr.rel $0x88, $3  }
0x1: {  	(tag) =	ssettag $0x0;
	lr =	simm.s32 $0x1  }
0x2: {  	[smem:$0x3F9D] =	sst lr;
	_ =	strace $0xD0000000  }
0x3: {  	_ = 	snop  }
0x4: {  	_ = 	snop  }
0x5: {  	_ = 	snop  }
0x6: {  	_ = 	snop  }
0x7: {  	_ = 	snop  }
__scs_overlays_trampoline_lowered:
0x8: {  	[smem:$0x3FAC] =	sst s0  }
0x9: {  	[smem:$0x3FAD] =	sst s1  }
0xa: {  	[smem:$0x3FAE] =	sst s2  }
0xb: {  	[smem:$0x3FAF] =	sst s3  }
0xc: {  	[smem:$0x3FB0] =	sst s4  }
0xd: {  	[smem:$0x3FB1] =	sst s5  }
0xe: {  	[smem:$0x3FB2] =	sst s6  }
0xf: {  	[smem:$0x3FB3] =	sst s7  }
0x10: {  	[smem:$0x3FB4] =	sst s8  }
0x11: {  	[smem:$0x3FB5] =	sst s9;
	s0 =	simm.s32 @!p0 $0x0  }
0x12: {  	s1 =	sld [smem:$0x3F9B];
	s0 =	simm.s32 @p0 $0x1  }
0x13: {  	[smem:$0x3FB6] =	sst s0;
	s0 =	simm.s32 @!p1 $0x0  }
0x14: {  	s2 =	sld [smem:$0x3F9A];
	s0 =	simm.s32 @p1 $0x1  }
0x15: {  	[smem:$0x3FB7] =	sst s0;
	s0 =	simm.s32 @!p2 $0x0  }
0x16: {  	s3 =	sld [smem:$0x3FDB];
	s0 =	simm.s32 @p2 $0x1  }
0x17: {  	s4 =	simm.s32 $0x1BF5;
	[smem:$0x3FB9] =	sst s0  }
0x18: {  	s0 =	sld [smem:$0x3F9C];
	_ =	swait.ge [sflag:s4], $0x0  }
0x19: {  	s7 =	sld [smem:$0x3F9D]  }
0x1a: {  	s8 =	sadd.s32 $0xFFFFE003, lr  }
0x1b: {  	s9 =	sadd.s32 $0xFFFFFEF7, lr;
	s5 =	simm.s32 $0xFFFFFFFF;
	p2 =	slt.u32 s8, $0xFFFFF086  }
0x1c: {  	p1 =	slt.u32 s9, $0xF7A;
	s5 =	simm.s32 @!p2 $0x0  }
0x1d: {  	s5 =	simm.s32 @p1 $0x1;
	p0 =	seq.s32 s7, s2  }
0x1e: {  	s7 =	smul.u32 @!p0 $0xF7A, s2;
	p2 =	seq.s32 @!p0 s5, $0x0  }
0x1f: {  	s9 =	smul.u32 $0xF7A, s1;
	s8 =	simm.s32 @!p0 $0x1BF5;
	p2 =	por !p2, p0  }
0x20: {  	[sflag:s8] =	ssyncset.s32 @!p0 $0xFFFFF086;
	s6 =	sadd.s32 @!p0 s3, s7;
	s7 =	simm.s32 @!p0 $0x108  }
0x21: {  	s3 =	sadd.s32 s3, s9;
	s6 =	sadd.s32 @!p0 $0x88, s6;
	s7 =	simm.s32 @p2 $0x1082  }
0x22: {  	[simem:s7], [sflag:s8] =	dma.local @!p0 [hbm:s6], $0xF7A  }
0x23: {  	s9 =	sor.u32 $0xD0000000, s2;
	s6 =	simm.s32 $0x108;
	_ =	swait.ge @!p0 [sflag:s8], $0x0  }
0x24: {  	s3 =	sadd.s32 $0x88, s3;
	s6 =	simm.s32 @!p1 $0x1082;
	[sflag:s4] =	ssyncset.s32 $0xFFFFF086  }
0x25: {  	[simem:s6], [sflag:s4] =	dma.local [hbm:s3], $0xF7A  }
0x26: {  	[smem:$0x3F9D] =	sst s1;
	(tag) =	ssettag s2;
	_ =	strace s9  }
0x27: {  	s1 =	sld [smem:$0x3FAD]  }
0x28: {  	s2 =	sld [smem:$0x3FAE]  }
0x29: {  	s4 =	sld [smem:$0x3FB0]  }
0x2a: {  	p0 =	seq.s32 s5, $0x0;
	s5 =	sld [smem:$0x3FB1]  }
0x2b: {  	s6 =	sld [smem:$0x3FB2]  }
0x2c: {  	s7 =	sld [smem:$0x3FB3]  }
0x2d: {  	s3 =	simm.s32 $0x108;
	s8 =	sld [smem:$0x3FB4]  }
0x2e: {  	s3 =	simm.s32 @!p0 $0x1082;
	s9 =	sld [smem:$0x3FB5]  }
0x2f: {  	lr =	sadd.s32 s0, s3;
	s0 =	sld [smem:$0x3FAC]  }
0x30: {  	s3 =	sld [smem:$0x3FAF]  }
0x31: {  	[smem:$0x3FB8] =	sst s10  }
0x32: {  	s10 =	sld [smem:$0x3FB6];
	_ =	sdelay $0x3  }
0x33: {  	p0 =	seq.s32 s10, $0x1;
	s10 =	sld [smem:$0x3FB8];
	_ =	sdelay $0x3  }
0x34: {  	[smem:$0x3FB8] =	sst s10  }
0x35: {  	s10 =	sld [smem:$0x3FB7];
	_ =	sdelay $0x3  }
0x36: {  	p1 =	seq.s32 s10, $0x1;
	s10 =	sld [smem:$0x3FB8];
	_ =	sdelay $0x3  }
0x37: {  	[smem:$0x3FB8] =	sst s10  }
0x38: {  	s10 =	sld [smem:$0x3FB9]  }
0x39: {  	_ = 	snop;
	(pc) =	sbr.ind lr, $3  }
0x3a: {  	_ = 	snop  }
0x3b: {  	_ = 	snop  }
0x3c: {  	p2 =	seq.s32 s10, $0x1;
	s10 =	sld [smem:$0x3FB8]  }
0x3d: {  	_ =	shalt  }
0x3e: {  	_ =	shalt  }
0x3f: {  	_ =	shalt  }
0x40: {  	_ =	shalt  }
0x41: {  	_ =	shalt  }
0x42: {  	_ =	shalt  }
0x43: {  	_ =	shalt  }
0x44: {  	_ =	shalt  }
0x45: {  	_ =	shalt  }
0x46: {  	_ =	shalt  }
0x47: {  	_ =	shalt  }
0x48: {  	_ =	shalt  }
0x49: {  	_ =	shalt  }
0x4a: {  	_ =	shalt  }
0x4b: {  	_ =	shalt  }
0x4c: {  	_ =	shalt  }
0x4d: {  	_ =	shalt  }
0x4e: {  	_ =	shalt  }
0x4f: {  	_ =	shalt  }
0x50: {  	_ =	shalt  }
0x51: {  	_ =	shalt  }
0x52: {  	_ =	shalt  }
0x53: {  	_ =	shalt  }
0x54: {  	_ =	shalt  }
0x55: {  	_ =	shalt  }
0x56: {  	_ =	shalt  }
0x57: {  	_ =	shalt  }
0x58: {  	_ =	shalt  }
0x59: {  	_ =	shalt  }
0x5a: {  	_ =	shalt  }
0x5b: {  	_ =	shalt  }
0x5c: {  	_ =	shalt  }
0x5d: {  	_ =	shalt  }
0x5e: {  	_ =	shalt  }
0x5f: {  	_ =	shalt  }
0x60: {  	_ =	shalt  }
0x61: {  	_ =	shalt  }
0x62: {  	_ =	shalt  }
0x63: {  	_ =	shalt  }
0x64: {  	_ =	shalt  }
0x65: {  	_ =	shalt  }
0x66: {  	_ =	shalt  }
0x67: {  	_ =	shalt  }
0x68: {  	_ =	shalt  }
0x69: {  	_ =	shalt  }
0x6a: {  	_ =	shalt  }
0x6b: {  	_ =	shalt  }
0x6c: {  	_ =	shalt  }
0x6d: {  	_ =	shalt  }
0x6e: {  	_ =	shalt  }
0x6f: {  	_ =	shalt  }
0x70: {  	_ =	shalt  }
0x71: {  	_ =	shalt  }
0x72: {  	_ =	shalt  }
0x73: {  	_ =	shalt  }
0x74: {  	_ =	shalt  }
0x75: {  	_ =	shalt  }
0x76: {  	_ =	shalt  }
0x77: {  	_ =	shalt  }
0x78: {  	_ =	shalt  }
0x79: {  	_ =	shalt  }
0x7a: {  	_ =	shalt  }
0x7b: {  	_ =	shalt  }
0x7c: {  	_ =	shalt  }
0x7d: {  	_ =	shalt  }
0x7e: {  	_ =	shalt  }
0x7f: {  	_ =	shalt  }
0x80: {  	_ =	shalt  }
0x81: {  	_ =	shalt  }
0x82: {  	_ =	shalt  }
0x83: {  	_ =	shalt  }
0x84: {  	_ =	shalt  }
0x85: {  	_ =	shalt  }
0x86: {  	_ =	shalt  }
0x87: {  	_ =	shalt  }
.Lfunc_end0:
.L_simem_size_0:
called_computation_lowered:
.L_overlay_start_0:
0x88: {  	s2 =	sld [smem:$0x3FD9]  }
0x89: {  	s3 =	sld [smem:$0x3FFE];
	_ =	sdelay $0x1  }
0x8a: {  	s1 =	srdreg.scid  }
0x8b: {  	s0 =	sand.u32 $0x1, s1  }
0x8c: {  	s17 =	sshll.u32 s0, $0xA;
	s2 =	sadd.s32 s3, s2  }
0x8d: {  	s2 =	sadd.s32 s2, s17  }
0x8e: {  	[smem:$0x3FC4] =	sst s2  }
0x8f: {  	_ = 	snop  }
0x90: {  	s2 =	sld [smem:$0x3FD0];
	(tm) =	ssettm $0x1  }
0x91: {  	s18 =	sld [smem:$0x3FFB];
	_ =	sdelay $0x3  }
0x92: {  	_ =	strace s18  }
0x93: {  	s3 =	sld [smem:$0x3FFC];
	_ =	sdelay $0x3  }
0x94: {  	_ =	strace s3  }
0x95: {  	s3 =	sld [smem:$0x3FFD];
	_ =	sdelay $0x3  }
0x96: {  	_ =	strace s3  }
0x97: {  	_ =	strace $0x8FFFFFFF  }
0x98: {  	s19 =	sld [smem:$0x3FDB];
	_ =	sdelay $0x1  }
0x99: {  	s4 =	simm.s32 $_scs_section_size  }
0x9a: {  	s5 =	simm.s32 $_size__tile_overlayer_lowered;
	s6 =	simm.s32 $_tile_overlayer_lowered  }
0x9b: {  	s22 =	simm.s32 $0x1BFF;
	s21 =	sshll.u32 s6, $0x1;
	s3 =	sadd.s32 s4, s19  }
0x9c: {  	s7 =	simm.s32 $0x0;
	s20 =	sshll.u32 s5, $0x1;
	s5 =	sadd.s32 s21, s3  }
0x9d: {  	[timem:s7], [sflag:s22] =	dma.local [hbm:s5], s20  }
0x9e: {  	_ =	swait.ge [sflag:s22], s20  }
0x9f: {  	s4 =	ssub.s32 $0x0, s20;
	[sflag:s22] =	ssyncset.done $0x0  }
0xa0: {  	[sflag:s22] =	ssyncadd.s32 s4;
	_ =	sdelay $0x1  }
0xa1: {  	s23 =	simm.s32 $0x1B8B  }
0xa2: {  	_ =	swait.ge [sflag:s23], $0x1  }
0xa3: {  	[sflag:s23] =	ssyncset.done $0x0  }
0xa4: {  	s25 =	simm.s32 $0x1B8E;
	s24 =	sld [smem:$0x3FFE];
	[sflag:s23] =	ssyncadd.s32 $0xFFFFFFFF  }
0xa5: {  	s26 =	simm.s32 $execute0_lowered;
	[smem:$0x3FD2] =	sst s25  }
0xa6: {  	s5 =	sshll.u32 s26, $0x1;
	_ =	strace $0x80000046;
	[dreg:$0x1] =	wrdreg $0xFFFFFFFF  }
0xa7: {  	s28 =	simm.s32 $_size_execute0_lowered;
	s3 =	sadd.s32 s3, s5;
	[dreg:$0x0] =	wrdreg $0x0  }
0xa8: {  	s5 =	sshll.u32 s28, $0x1;
	[dreg:$0x2] =	wrdreg s3  }
0xa9: {  	[dreg:$0x3] =	wrdreg s5  }
0xaa: {  	[dreg:$0x4] =	wrdreg $0xC0  }
0xab: {  	_ =	task [dreg:s7], $0x5FFFF  }
0xac: {  	[dreg:$0x1] =	wrdreg $0xFFFFFFFF  }
0xad: {  	[dreg:$0x0] =	wrdreg $0x60  }
0xae: {  	[dreg:$0x2] =	wrdreg s24  }
0xaf: {  	[dreg:$0x3] =	wrdreg s2  }
0xb0: {  	[dreg:$0x4] =	wrdreg $0x37D00  }
0xb1: {  	[dreg:$0x5] =	wrdreg $0x9  }
0xb2: {  	_ =	task.clear_ibuf [dreg:s7], $0x6FFFF;
	_ =	strace $0x90000046  }
0xb3: {  	s29 =	simm.s32 $0x9;
	_ =	strace $0x80000048  }
0xb4: {  	_ =	swait.ge [sflag:s29], $0x1  }
0xb5: {  	[sflag:s29] =	ssyncadd.s32 $0xFFFFFFFF  }
0xb6: {  	_ =	strace $0x90000048  }
0xb7: {  	_ =	sfence  }
0xb8: {  	s30 =	sld [smem:$0x0];
	_ =	sdelay $0x2  }
0xb9: {  	s31 =	sshll.u32 s1, $0xD;
	s1 =	sshrl.u32 s1, $0x2  }
0xba: {  	s3 =	sand.u32 $0x4000, s31;
	s1 =	sadd.s32 s1, s30  }
0xbb: {  	s0 =	sor.u32 s3, s0;
	s1 =	sshll.u32 s1, $0x11  }
0xbc: {  	s0 =	sor.u32 s1, s0  }
0xbd: {  	s0 =	sadd.s32 $0x8F2B, s0  }
0xbe: {  	[sflag:s0] =	ssyncadd.remote.s32 $0x1  }
0xbf: {  	_ =	sfence.sel $0xFFFF  }
0xc0: {  	[dreg:$0x0] =	wrdreg $0xFFFFFFFF;
	(pc) =	sbr.abs _section_cstart, $3  }
0xc1: {  	[dreg:$0x1] =	wrdreg $0xFFFFFFFF  }
0xc2: {  	_ =	task.clear_ibuf [dreg:s7], $0x2FFFF;
	_ =	strace $0x9FFFFFFF  }
0xc3: {  	(tm) =	ssettm $0x7FFFFFFF  }
tec
execute0_lowered:
.L_overlay_start_1:
0x0: {  	(tag) =	ssettag $0x1  }
0x1: {  	s9 =	rddreg [dreg:$0x0]  }
0x2: {  	s11 =	rddreg [dreg:$0x1]  }
0x3: {  	s1 =	rddreg [dreg:$0x2]  }
0x4: {  	s0 =	rddreg [dreg:$0x3];
	s3 =	simm.s32 $0x0;
	s4 =	srdreg.scid  }
0x5: {  	s2 =	stileid.u32;
	[smem:$0x7FF] =	sst s3  }
0x6: {  	s10 =	sand.u32 $0x1, s4;
	s31 =	smul.u32 $0xA000, s2;
	s12 =	sadd.s32 $0x17400, s9  }
0x7: {  	s6 =	sshll.u32 s2, $0x1;
	s13 =	smul.u32 $0x2800, s2;
	s16 =	sshll.u32 s2, $0x6  }
0x8: {  	_ =	strace $0x80000047;
	s5 =	ssub.s32 $0x2, s10;
	s6 =	sor.u32 s10, s6  }
0x9: {  	p0 =	seq.s32 s10, $0x1;
	s16 =	sor.u32 $0x1C01, s16;
	s4 =	sshrl.u32 s31, $0x2  }
0xa: {  	s7 =	sshrl.u32 s5, $0x1;
	s14 =	smul.u32 $0x2800, s6;
	s11 =	smov.u32 @p0 s12  }
0xb: {  	s12 =	simm.s32 $0x2FD0;
	s8 =	sadd.s32 s4, s1;
	s15 =	ssub.s32 s5, s7  }
0xc: {  	s4 =	sadd.s32 s13, s1;
	s13 =	sshrl.u32 s13, $0x3;
	s5 =	sadd.s32 $0x800, s8  }
0xd: {  	s6 =	sadd.s32 $0x1000, s8;
	s7 =	sadd.s32 $0x1800, s8;
	s14 =	sshrl.u32 s14, $0x3  }
0xe: {  	s8 =	sadd.s32 $0x2000, s8;
	s10 =	smax.u32 s15, $0x1;
	s11 =	sadd.s32 s11, s13  }
0xf: {  	s13 =	simm.s32 $0x1;
	s15 =	simm.s32 $0x2800;
	s9 =	sadd.s32 s9, s14  }
0x10: {  	v0 =	vimm.f32 $0.0e+00;
	v1 =	vimm.f32 $1.000000000e+00;
	s17 =	sshrl.u32 s4, $0x3;
	s14 =	simm.s32 $0x7D;
	s9 =	sadd.s32 $0xD400, s9  }
.LBB2_1:
0x11: {  	s18 =	simm.s32 $0x40;
	s19 =	simm.s32 $0x0  }
.LBB2_2:
0x12: {  	p0 =	sne.s32 s18, $0x1FC0;
	[tilespmem:s19+$0x2FD0] =	vst v0;
	s19 =	smov.u32 s18;
	s18 =	sadd.s32 $0x40, s18  }
.Ltmp0:
0x13: {  	(pc) =	sbr.rel @p0 .LBB2_2-.Ltmp0, $2  }
0x14: {  	_ =	sdelay $0x2  }
0x15: {  	s19 =	sshra.s32 s19, $0x2  }
0x16: {  	[tilespmem:s19+$0x2FD0] =	vst v0  }
0x17: {  	[spmem:s4] =	stream.linear.scatter [tilespmem:s12], [sflag:$0x1], $0x800, $0x38;
	[tilespmem:$0x5FD0] =	vst v63  }
0x18: {  	_ =	swait.ge [sflag:s13], $0x800  }
0x19: {  	[sflag:s13] =	ssyncset.done $0x0  }
0x1a: {  	[sflag:s13] =	ssyncadd.s32 $0xFFFFF800  }
0x1b: {  	[spmem:s5] =	stream.linear.scatter [tilespmem:s12], [sflag:$0x1], $0x800, $0x38;
	[tilespmem:$0x5FD0] =	vst v63  }
0x1c: {  	_ =	swait.ge [sflag:s13], $0x800  }
0x1d: {  	[sflag:s13] =	ssyncset.done $0x0  }
0x1e: {  	[sflag:s13] =	ssyncadd.s32 $0xFFFFF800  }
0x1f: {  	[spmem:s6] =	stream.linear.scatter [tilespmem:s12], [sflag:$0x1], $0x800, $0x38;
	[tilespmem:$0x5FD0] =	vst v63  }
0x20: {  	_ =	swait.ge [sflag:s13], $0x800  }
0x21: {  	[sflag:s13] =	ssyncset.done $0x0  }
0x22: {  	[sflag:s13] =	ssyncadd.s32 $0xFFFFF800  }
0x23: {  	[spmem:s7] =	stream.linear.scatter [tilespmem:s12], [sflag:$0x1], $0x800, $0x38;
	[tilespmem:$0x5FD0] =	vst v63  }
0x24: {  	_ =	swait.ge [sflag:s13], $0x800  }
0x25: {  	[sflag:s13] =	ssyncset.done $0x0  }
0x26: {  	[sflag:s13] =	ssyncadd.s32 $0xFFFFF800  }
0x27: {  	[spmem:s8] =	stream.linear.scatter [tilespmem:s12], [sflag:$0x1], $0x800, $0x38;
	[tilespmem:$0x5FD0] =	vst v63  }
0x28: {  	_ =	swait.ge [sflag:s13], $0x800  }
0x29: {  	[sflag:s13] =	ssyncset.done $0x0  }
0x2a: {  	s18 =	simm.s32 $0x40;
	s19 =	simm.s32 $0x0;
	[sflag:s13] =	ssyncadd.s32 $0xFFFFF800  }
.LBB2_4:
0x2b: {  	p0 =	sne.s32 s18, $0x1F00;
	[tilespmem:s19+$0x2800] =	vst v1;
	s19 =	smov.u32 s18;
	s18 =	sadd.s32 $0x40, s18  }
.Ltmp1:
0x2c: {  	(pc) =	sbr.rel @p0 .LBB2_4-.Ltmp1, $2  }
0x2d: {  	_ =	sdelay $0x2  }
0x2e: {  	s19 =	sshra.s32 s19, $0x2  }
0x2f: {  	[tilespmem:s19+$0x2800] =	vst v1;
	s18 =	simm.s32 $0x0  }
0x30: {  	[tilespmem:s18], [sflag:$0x1] =	stream.linear.gather [hbm4b:s9+s18], $0x2800, $0x38;
	[tilespmem:$0x5FD0] =	vst v63  }
0x31: {  	_ =	swait.ge [sflag:s13], $0x2800  }
0x32: {  	[sflag:s13] =	ssyncset.done $0x0  }
0x33: {  	[sflag:s13] =	ssyncadd.s32 $0xFFFFD800  }
0x34: {  	s31 =	simm.s32 $0x0;
	[bflag:$0x0] =	sbarrier.arrive $0xFFFF  }
0x35: {  	[spmem:s1] =	stream.indirect.scatter.add.f32 [tilespmem:s15], [sflag:$0x1], $0x10, s31, s14, $0xb8;
	[tilespmem:$0x5FD0] =	vst v63  }
0x36: {  	_ =	swait.ge [sflag:s13], $0x7D0  }
0x37: {  	s18 =	simm.s32 $0x200;
	[sflag:s13] =	ssyncset.done $0x0  }
.LBB2_6:
0x38: {  	s19 =	sshra.s32 s18, $0x2;
	[sflag:s13] =	ssyncadd.s32 $0xFFFFF830;
	p0 =	sne.s32 s18, $0x9E00  }
0x39: {  	[spmem:s1] =	stream.indirect.scatter.add.f32 [tilespmem:s15], [sflag:$0x1], $0x10, s19, s14, $0xb8;
	[tilespmem:$0x5FD0] =	vst v63  }
.Ltmp2:
0x3a: {  	_ = 	snop;
	(pc) =	sbr.rel @p0 .LBB2_6-.Ltmp2, $4  }
0x3b: {  	_ = 	snop  }
0x3c: {  	s18 =	sadd.s32 $0x200, s18  }
0x3d: {  	_ =	swait.ge [sflag:s13], $0x7D0  }
0x3e: {  	[sflag:s13] =	ssyncset.done $0x0  }
0x3f: {  	s3 =	sadd.s32 $0x1, s3  }
0x40: {  	[sflag:s13] =	ssyncadd.s32 $0xFFFFF830;
	p0 =	sne.s32 s3, s10  }
.Ltmp3:
0x41: {  	[bflag:$0x0] =	sbarrier.arrive $0xFFFF;
	(pc) =	sbr.rel @p0 .LBB2_1-.Ltmp3, $4  }
0x42: {  	[hbm:s11], [sflag:s16] =	dma.local [spmem:s17], $0x500  }
0x43: {  	_ =	swait.ge [sflag:s13], $0x500  }
0x44: {  	[sflag:s13] =	ssyncset.done $0x0  }
0x45: {  	[sflag:s13] =	ssyncadd.s32 $0xFFFFFB00  }
0x46: {  	_ =	sfence.sel $0x180000  }
0x47: {  	[bflag:$0x0] =	sbarrier.arrive $0xFFFF  }
0x48: {  	p0 =	sne.s32 s2, $0x0;
	_ =	strace $0x90000047  }
0x49: {  	s0 =	sadd.s32 @!p0 $0x100000, s0;
	[bflag:$0x2] =	sbarrier.arrive $0xFFFF  }
0x4a: {  	[sflag:s0] =	ssyncadd.tile.s32 @!p0 $0x1;
	_ =	shalt  }
.Lfunc_end2:
_tile_overlayer_lowered:
.L_overlay_start_2:
0x4b: {  	(tag) =	ssettag $0x2  }
0x4c: {  	s0 =	rddreg [dreg:$0x0];
	s2 =	stileid.u32  }
0x4d: {  	s1 =	rddreg [dreg:$0x1];
	p0 =	sne.s32 s2, $0x0  }
0x4e: {  	s3 =	rddreg [dreg:$0x2];
	[bflag:$0x3] =	sbarrier.arrive $0xFFFF;
	s2 =	simm.s32 @!p0 $0x1C01  }
0x4f: {  	[timem:s3], [sflag:s2] =	dma.local @!p0 [hbm:s0], s1  }
0x50: {  	s0 =	simm.s32 @!p0 $0x1  }
0x51: {  	_ =	swait.ge @!p0 [sflag:s0], s1  }
0x52: {  	s1 =	ssub.s32 @!p0 $0x0, s1;
	[sflag:s0] =	ssyncset.done @!p0 $0x0  }
0x53: {  	[sflag:s0] =	ssyncadd.s32 @!p0 s1  }
0x54: {  	[bflag:$0x3] =	sbarrier.arrive $0xFFFF  }
0x55: {  	_ =	shalt  }

</sc_bundles>
